<compile_context>
chip_gen: v7x
topology: tpu7x:2x2x1
jax: 0.10.2.dev20260603
libtpu: 0.0.44.dev20260713+nightly
codegen_flags: <defaults>
</compile_context>

<pallas_src>
import functools

import jax
import jax.numpy as jnp
from jax import lax
from jax.experimental import pallas as pl
from jax.experimental.pallas import tpu as pltpu
from jax.experimental.pallas import tpu_sc as plsc

IMAGE_TOKEN_ID = 151655
VIDEO_TOKEN_ID = 151656

BATCH = 4
SEQLEN = 4096
HIDDEN = 1280
T, H, W = 1, 64, 48
N_VIS = T * H * W
CNT = (H // 4) * (W // 4)
N_IMG = (H // 2) * (W // 2)
NKEEP = 100 + CNT + (SEQLEN - 100 - N_IMG)

L = 16
NCH = SEQLEN // L
NSEL = CNT // L
NOUT = NKEEP // L

NTILES = 32
NCHUNKS = BATCH * N_VIS
OROWS = 8
ROUNDS2 = (NCHUNKS // 4) // (NTILES * OROWS)
IDXSTRIDE = OROWS


def _make_perm():
    import numpy as np
    tbl = np.zeros(NTILES * 4 * 128, dtype=np.int32)
    for j in range(4):
        wid = np.arange(NTILES)[:, None, None]
        r = np.arange(ROUNDS2)[None, :, None]
        k = np.arange(IDXSTRIDE)[None, None, :]
        o = wid * (ROUNDS2 * OROWS) + r * OROWS + k
        i = o // 768
        P = (o // 384) % 2
        A = (o // 24) % 16
        u = (o // 12) % 2
        v = o % 12
        f, e = j // 2, j % 2
        perm = (i * N_VIS + (A * 4 + f * 2 + u) * W
                + (v * 4 + P * 2 + e)).reshape(NTILES, ROUNDS2 * IDXSTRIDE)
        sec = np.zeros((NTILES, 128), dtype=np.int32)
        sec[:, :ROUNDS2 * IDXSTRIDE] = perm
        view = tbl.reshape(NTILES, 4, 128)
        view[:, j, :] = sec
    return tbl


_PERM = _make_perm()


def _body(perm_hbm, pv_hbm, ids_hbm, pos_hbm, am_hbm,
          out_pix, out_ids, out_pos, out_am,
          buf0, buf1, ix_all, sem0, sem1, wsem0, wsem1,
          ids_v, am_v, pos_v0, pos_v1, pos_v2, mask_v, idx_v, stage_o):
    pos_v = (pos_v0, pos_v1, pos_v2)
    bufs = (buf0, buf1)
    sems = (sem0, sem1)
    wsems = (wsem0, wsem1)
    wid = lax.axis_index("s") * 2 + lax.axis_index("c")
    lane = lax.iota(jnp.int32, L)

    pltpu.sync_copy(perm_hbm.at[pl.ds(wid * 512, 512)], ix_all)

    def gather(r, b):
        hs = []
        for j in range(4):
            idx_j = ix_all.at[pl.ds(j * 128 + r * IDXSTRIDE, OROWS)]
            dst = bufs[b].at[:, pl.ds(j * HIDDEN, HIDDEN)]
            hs.append(pltpu.async_copy(pv_hbm.at[idx_j], dst, sems[b]))
        return hs

    def scatter(r, b):
        row0 = wid * (ROUNDS2 * OROWS) + r * OROWS
        return pltpu.async_copy(
            bufs[b], out_pix.at[pl.ds(row0, OROWS)], wsems[b])

    gh = [None, None]
    sh = [None, None]
    for r in range(ROUNDS2):
        b = r % 2
        if sh[b] is not None:
            sh[b].wait()
        gh[b] = gather(r, b)
        if r > 0:
            pb = (r - 1) % 2
            for h in gh[pb]:
                h.wait()
            sh[pb] = scatter(r - 1, pb)
    lb = (ROUNDS2 - 1) % 2
    for h in gh[lb]:
        h.wait()
    sh[lb] = scatter(ROUNDS2 - 1, lb)
    sh[1 - lb].wait()
    sh[lb].wait()

    @pl.when(wid < BATCH)
    def _():
        i = wid
        pltpu.sync_copy(ids_hbm.at[i], ids_v)
        pltpu.sync_copy(am_hbm.at[i], am_v)
        for k in range(3):
            pltpu.sync_copy(pos_hbm.at[k, i], pos_v[k])

        def span_body(c, carry):
            nmn, mx = carry
            t = lane + c * L
            v = ids_v[pl.ds(c * L, L)]
            med = (v == IMAGE_TOKEN_ID) | (v == VIDEO_TOKEN_ID)
            nmn = jnp.maximum(nmn, jnp.where(med, -t, -SEQLEN))
            mx = jnp.maximum(mx, jnp.where(med, t, -1))
            return nmn, mx

        nmn, mx = lax.fori_loop(
            0, NCH, span_body,
            (jnp.full((L,), -SEQLEN, jnp.int32),
             jnp.full((L,), -1, jnp.int32)))
        start = -jnp.max(nmn)
        end = jnp.max(mx)

        def mask_body(c, _):
            t = lane + c * L
            mask_v[pl.ds(c * L, L)] = ((t < start) | (t > end)).astype(jnp.int32)
            return 0

        lax.fori_loop(0, NCH, mask_body, 0)

        startf = start.astype(jnp.float32)
        endf = end.astype(jnp.float32)

        def sel_body(ck, _):
            kf = (lane + ck * L).astype(jnp.float32)
            h = kf / float(CNT - 1)
            sel = (startf * (1.0 - h) + endf * h).astype(jnp.int32)
            plsc.store_scatter(mask_v, [sel], jnp.ones((L,), jnp.int32))
            return 0

        lax.fori_loop(0, NSEL, sel_body, 0)

        def zero_body(j, _):
            idx_v[pl.ds(j * L, L)] = jnp.zeros((L,), jnp.int32)
            return 0

        lax.fori_loop(0, NOUT, zero_body, 0)

        def compact_body(c, base):
            t = lane + c * L
            m = mask_v[pl.ds(c * L, L)]
            a = am_v[pl.ds(c * L, L)]
            m = jnp.where(a != 0, m, 0)
            incl = plsc.cumsum(m)
            dest = base + incl - m
            ok = (m > 0) & (dest < NKEEP)
            plsc.store_scatter(idx_v, [dest], t, mask=ok)
            return base + jnp.sum(m)

        lax.fori_loop(0, NCH, compact_body, jnp.int32(0))

        def make_gather(src_v):
            def gather_body(j, _):
                iv = idx_v[pl.ds(j * L, L)]
                stage_o[pl.ds(j * L, L)] = plsc.load_gather(src_v, [iv])
                return 0
            return gather_body

        lax.fori_loop(0, NOUT, make_gather(ids_v), 0)
        pltpu.sync_copy(stage_o, out_ids.at[i])
        lax.fori_loop(0, NOUT, make_gather(am_v), 0)
        pltpu.sync_copy(stage_o, out_am.at[i])
        for k in range(3):
            lax.fori_loop(0, NOUT, make_gather(pos_v[k]), 0)
            pltpu.sync_copy(stage_o, out_pos.at[k, i])


_sc_kernel = functools.partial(
    pl.kernel,
    out_type=[
        jax.ShapeDtypeStruct((BATCH * N_VIS // 4, 4 * HIDDEN), jnp.float32),
        jax.ShapeDtypeStruct((BATCH, NKEEP), jnp.int32),
        jax.ShapeDtypeStruct((3, BATCH, NKEEP), jnp.int32),
        jax.ShapeDtypeStruct((BATCH, NKEEP), jnp.int32),
    ],
    mesh=plsc.VectorSubcoreMesh(core_axis_name="c", subcore_axis_name="s"),
    compiler_params=pltpu.CompilerParams(needs_layout_passes=False),
    scratch_types=[
        pltpu.VMEM((OROWS, 4 * HIDDEN), jnp.float32),
        pltpu.VMEM((OROWS, 4 * HIDDEN), jnp.float32),
        pltpu.VMEM((4 * 128,), jnp.int32),
        pltpu.SemaphoreType.DMA,
        pltpu.SemaphoreType.DMA,
        pltpu.SemaphoreType.DMA,
        pltpu.SemaphoreType.DMA,
        pltpu.VMEM((SEQLEN,), jnp.int32),
        pltpu.VMEM((SEQLEN,), jnp.int32),
        pltpu.VMEM((SEQLEN,), jnp.int32),
        pltpu.VMEM((SEQLEN,), jnp.int32),
        pltpu.VMEM((SEQLEN,), jnp.int32),
        pltpu.VMEM((SEQLEN,), jnp.int32),
        pltpu.VMEM((NKEEP,), jnp.int32),
        pltpu.VMEM((NKEEP,), jnp.int32),
    ],
)(_body)



def _thw_body(g_ref, o_ref):
    g = g_ref[...]
    half = g // 2
    col = lax.broadcasted_iota(jnp.int32, g.shape, 1)
    o_ref[...] = jnp.where(col == 0, g, half)


def _thw_compress(grid_thw):
    return pl.pallas_call(
        _thw_body,
        out_shape=jax.ShapeDtypeStruct((BATCH, 3), jnp.int32),
    )(grid_thw)



def kernel(pixel_values, grid_thw, input_ids, position_ids, attention_mask):
    perm = jnp.asarray(_PERM)
    pix, ids, pos, am = _sc_kernel(
        perm, pixel_values, input_ids, position_ids, attention_mask)
    thw = _thw_compress(grid_thw)
    return (pix, thw, ids, pos, am)

# --- scband reference (transcript-rebuilt; emitter-appended) ---
"""Pipeline reference for scband-s2-compressor-29248727285936 (READ-ONLY COPY).

The authoritative reference and input builder live on the scoring server;
editing this copy changes nothing except your own understanding.
"""

import jax, jax.numpy as jnp
import numpy as np

IMAGE_TOKEN_ID = 151655
VIDEO_TOKEN_ID = 151656
PADDING_TOKEN_ID = 151643
SMS = 2
BATCH = 4
SEQLEN = 4096
T, H, W = 1, 64, 48
HIDDEN = 1280
N_VIS = T * H * W
N_IMG = (H // SMS) * (W // SMS)
PREFIX = 100


def setup_inputs(seed: int = 0):
    key = jax.random.key(seed)
    pixel_values = jax.random.normal(key, (BATCH * N_VIS, HIDDEN), dtype=jnp.float32)
    grid_thw = jnp.tile(jnp.array([[T, H, W]], dtype=jnp.int32), (BATCH, 1))
    rng = np.random.default_rng(0)
    ids = rng.integers(0, 1000, size=(BATCH, SEQLEN)).astype(np.int32)
    ids[:, PREFIX:PREFIX + N_IMG] = IMAGE_TOKEN_ID
    input_ids = jnp.asarray(ids)
    position_ids = jnp.broadcast_to(jnp.arange(SEQLEN, dtype=jnp.int32), (3, BATCH, SEQLEN))
    attention_mask = jnp.ones((BATCH, SEQLEN), dtype=jnp.int32)
    return {"pixel_values": pixel_values, "grid_thw": grid_thw, "input_ids": input_ids,
            "position_ids": position_ids, "attention_mask": attention_mask}


def flat_square_2x2(x, thw):
    c = x.shape[1]
    t, h, w = thw
    x = x.reshape(t, h, w, c)
    ks = 2 * SMS
    if h % ks != 0:
        pad = ks - h % ks
        x = jnp.concatenate([x, jnp.zeros((t, pad, w, c), dtype=x.dtype)], axis=1)
        h = h + pad
    if w % ks != 0:
        pad = ks - w % ks
        x = jnp.concatenate([x, jnp.zeros((t, h, pad, c), dtype=x.dtype)], axis=2)
        w = w + pad
    x = x.reshape(t, h // 2, w, c * 2)
    x = jnp.transpose(x, (0, 2, 1, 3))
    x = x.reshape(t, w // 2, h // 2, c * 4)
    x = jnp.transpose(x, (0, 2, 1, 3))
    t2, h2, w2, c2 = x.shape
    return x.reshape(-1, c2), (t2, h2, w2)


def reference(pixel_values, grid_thw, input_ids, position_ids, attention_mask):
    batch, seqlen = input_ids.shape
    input_ids_c, position_ids_c, attn_c, pix_c, thw_c = [], [], [], [], []
    last = 0
    for i in range(batch):
        t, h, w = T, H, W
        n_vis = t * h * w
        vis, (t2, h2, w2) = flat_square_2x2(pixel_values[last:last + n_vis], (t, h, w))
        last += n_vis
        pix_c.append(vis)
        thw_c.append(jnp.stack([grid_thw[i, 0], grid_thw[i, 1] // 2, grid_thw[i, 2] // 2]).astype(jnp.int32))
        is_media = (input_ids[i] == IMAGE_TOKEN_ID) | (input_ids[i] == VIDEO_TOKEN_ID)
        start = jnp.argmax(is_media)
        end = seqlen - 1 - jnp.argmax(is_media[::-1])
        if t2 == 1:
            count = (h2 // SMS) * (w2 // SMS)
        else:
            count = t2 * (h2 // SMS) * (w2 // SMS)
        sel = jnp.linspace(start, end, count).astype(jnp.int32)
        ar = jnp.arange(seqlen)
        mask = (ar < start) | (ar > end)
        mask = mask.at[sel].set(True)
        mask = mask & (attention_mask[i] != 0)
        n_keep = PREFIX + count + (seqlen - PREFIX - N_IMG)
        idx = jnp.nonzero(mask, size=n_keep)[0]
        input_ids_c.append(input_ids[i][idx])
        position_ids_c.append(position_ids[:, i][:, idx])
        attn_c.append(attention_mask[i][idx])
    max_pad = max(int(x.shape[0]) for x in input_ids_c)
    for i in range(batch):
        ids_i, pos_i, am_i = input_ids_c[i], position_ids_c[i], attn_c[i]
        q = int(ids_i.shape[0])
        if q >= max_pad:
            ids_i = ids_i[-max_pad:]
            pos_i = pos_i[:, -max_pad:]
            am_i = am_i[-max_pad:]
        else:
            pad = max_pad - q
            ids_i = jnp.concatenate([jnp.full((pad,), PADDING_TOKEN_ID, dtype=ids_i.dtype), ids_i])
            pos_i = jnp.concatenate([jnp.zeros((3, pad), dtype=pos_i.dtype), pos_i], axis=1)
            am_i = jnp.concatenate([jnp.zeros((pad,), dtype=am_i.dtype), am_i])
        input_ids_c[i], position_ids_c[i], attn_c[i] = ids_i, pos_i, am_i
    pix = jnp.concatenate(pix_c, axis=0)
    thw = jnp.stack(thw_c, axis=0)
    ids = jnp.stack(input_ids_c, axis=0)
    pos = jnp.stack(position_ids_c, axis=1)
    am = jnp.stack(attn_c, axis=0)
    return (pix, thw, ids, pos, am)

if __name__ == "__main__":
    import jax
    _d = setup_inputs()
    print(jax.jit(kernel)(*tuple(_d.values())))

</pallas_src>

<mosaic_0001>
#map = affine_map<(d0, d1) -> (0)>
#map1 = affine_map<(d0, d1) -> (0, 0)>
#map2 = affine_map<(d0, d1) -> (0, 0, 0)>
module attributes {stable_mosaic.version = 14 : i64} {
  func.func @_body(%arg0: i32, %arg1: i32, %arg2: memref<16384xi32, #tpu.memory_space<hbm>>, %arg3: memref<12288x1280xf32, #tpu.memory_space<hbm>>, %arg4: memref<4x4096xi32, #tpu.memory_space<hbm>>, %arg5: memref<3x4x4096xi32, #tpu.memory_space<hbm>>, %arg6: memref<4x4096xi32, #tpu.memory_space<hbm>>, %arg7: memref<3072x5120xf32, #tpu.memory_space<hbm>>, %arg8: memref<4x3520xi32, #tpu.memory_space<hbm>>, %arg9: memref<3x4x3520xi32, #tpu.memory_space<hbm>>, %arg10: memref<4x3520xi32, #tpu.memory_space<hbm>>, %arg11: memref<8x5120xf32, #tpu.memory_space<vmem>>, %arg12: memref<8x5120xf32, #tpu.memory_space<vmem>>, %arg13: memref<512xi32, #tpu.memory_space<vmem>>, %arg14: memref<!tpu.dma_semaphore, #tpu.memory_space<semaphore_mem>>, %arg15: memref<!tpu.dma_semaphore, #tpu.memory_space<semaphore_mem>>, %arg16: memref<!tpu.dma_semaphore, #tpu.memory_space<semaphore_mem>>, %arg17: memref<!tpu.dma_semaphore, #tpu.memory_space<semaphore_mem>>, %arg18: memref<4096xi32, #tpu.memory_space<vmem>>, %arg19: memref<4096xi32, #tpu.memory_space<vmem>>, %arg20: memref<4096xi32, #tpu.memory_space<vmem>>, %arg21: memref<4096xi32, #tpu.memory_space<vmem>>, %arg22: memref<4096xi32, #tpu.memory_space<vmem>>, %arg23: memref<4096xi32, #tpu.memory_space<vmem>>, %arg24: memref<3520xi32, #tpu.memory_space<vmem>>, %arg25: memref<3520xi32, #tpu.memory_space<vmem>>) attributes {dimension_semantics = [#tpu.dimension_semantics<core_parallel>, #tpu.dimension_semantics<subcore_parallel>], iteration_bounds = array<i64: 2, 16>, scalar_prefetch = 0 : i64, scratch_operands = 15 : i64, tpu.core_type = #tpu.core_type<sc_vector_subcore>, window_params = [{transform_indices = #map}, {transform_indices = #map1}, {transform_indices = #map1}, {transform_indices = #map2}, {transform_indices = #map1}, {transform_indices = #map1}, {transform_indices = #map1}, {transform_indices = #map2}, {transform_indices = #map1}]} {
    %mul3A = arith.constant 2 : i32
    %mul3A_0 = arith.muli %arg1, %mul3A : i32
    %add3A = arith.addi %mul3A_0, %arg0 : i32
    %iota3A = tpu.iota {dimensions = array<i32: 0>} : vector<16xi32>
    %mul3A_1 = arith.constant 512 : i32
    %mul3A_2 = arith.muli %add3A, %mul3A_1 : i32
    "tpu.region"() ({
      %run_scoped3A = tpu.sem_alloc : memref<!tpu.dma_semaphore, #tpu.memory_space<semaphore_mem>>
      %dma_start3A_915 = tpu.memref_slice %arg2[%mul3A_2] : memref<16384xi32, #tpu.memory_space<hbm>> -> memref<512xi32, #tpu.memory_space<hbm>>
      %dma_start3A_916 = tpu.memref_slice %arg2[%mul3A_2] : memref<16384xi32, #tpu.memory_space<hbm>> -> memref<512xi32, #tpu.memory_space<hbm>>
      tpu.enqueue_dma source(%dma_start3A_916 : memref<512xi32, #tpu.memory_space<hbm>>) target(%arg13 : memref<512xi32, #tpu.memory_space<vmem>>) target_semaphore(%run_scoped3A : memref<!tpu.dma_semaphore, #tpu.memory_space<semaphore_mem>>)
      %dma_wait3A_917 = tpu.memref_slice %arg2[%mul3A_2] : memref<16384xi32, #tpu.memory_space<hbm>> -> memref<512xi32, #tpu.memory_space<hbm>>
      %dma_wait3A_918 = tpu.memref_slice %arg2[%mul3A_2] : memref<16384xi32, #tpu.memory_space<hbm>> -> memref<512xi32, #tpu.memory_space<hbm>>
      tpu.wait_dma2 semaphore(%run_scoped3A : memref<!tpu.dma_semaphore, #tpu.memory_space<semaphore_mem>>) src(%dma_wait3A_918 : memref<512xi32, #tpu.memory_space<hbm>>) dst(%arg13 : memref<512xi32, #tpu.memory_space<vmem>>)
      tpu.yield
    }) : () -> ()
    %dma_start3A = arith.constant 0 : i32
    %dma_start3A_3 = arith.constant 0 : i32
    %dma_start3A_4 = tpu.memref_slice %arg11[%dma_start3A, %dma_start3A_3] : memref<8x5120xf32, #tpu.memory_space<vmem>> -> memref<8x1280xf32, #tpu.memory_space<vmem>>
    %dma_start3A_5 = arith.constant 0 : i32
    %dma_start3A_6 = tpu.memref_slice %arg13[%dma_start3A_5] : memref<512xi32, #tpu.memory_space<vmem>> -> memref<8xi32, #tpu.memory_space<vmem>>
    %dma_start3A_7 = arith.constant 0 : i32
    %dma_start3A_8 = arith.constant 0 : i32
    %dma_start3A_9 = tpu.memref_slice %arg3[%dma_start3A_7, %dma_start3A_8] : memref<12288x1280xf32, #tpu.memory_space<hbm>> -> memref<12288x1280xf32, #tpu.memory_space<hbm>>
    tpu.enqueue_indirect_dma source(%dma_start3A_9 : memref<12288x1280xf32, #tpu.memory_space<hbm>>) target(%dma_start3A_4 : memref<8x1280xf32, #tpu.memory_space<vmem>>) offsets(%dma_start3A_6 : memref<8xi32, #tpu.memory_space<vmem>>) semaphore(%arg14 : memref<!tpu.dma_semaphore, #tpu.memory_space<semaphore_mem>>)
    %dma_start3A_10 = arith.constant 0 : i32
    %dma_start3A_11 = arith.constant 1280 : i32
    %dma_start3A_12 = tpu.memref_slice %arg11[%dma_start3A_10, %dma_start3A_11] : memref<8x5120xf32, #tpu.memory_space<vmem>> -> memref<8x1280xf32, #tpu.memory_space<vmem>>
    %dma_start3A_13 = arith.constant 128 : i32
    %dma_start3A_14 = tpu.memref_slice %arg13[%dma_start3A_13] : memref<512xi32, #tpu.memory_space<vmem>> -> memref<8xi32, #tpu.memory_space<vmem>>
    %dma_start3A_15 = arith.constant 0 : i32
    %dma_start3A_16 = arith.constant 0 : i32
    %dma_start3A_17 = tpu.memref_slice %arg3[%dma_start3A_15, %dma_start3A_16] : memref<12288x1280xf32, #tpu.memory_space<hbm>> -> memref<12288x1280xf32, #tpu.memory_space<hbm>>
    tpu.enqueue_indirect_dma source(%dma_start3A_17 : memref<12288x1280xf32, #tpu.memory_space<hbm>>) target(%dma_start3A_12 : memref<8x1280xf32, #tpu.memory_space<vmem>>) offsets(%dma_start3A_14 : memref<8xi32, #tpu.memory_space<vmem>>) semaphore(%arg14 : memref<!tpu.dma_semaphore, #tpu.memory_space<semaphore_mem>>)
    %dma_start3A_18 = arith.constant 0 : i32
    %dma_start3A_19 = arith.constant 2560 : i32
    %dma_start3A_20 = tpu.memref_slice %arg11[%dma_start3A_18, %dma_start3A_19] : memref<8x5120xf32, #tpu.memory_space<vmem>> -> memref<8x1280xf32, #tpu.memory_space<vmem>>
    %dma_start3A_21 = arith.constant 256 : i32
    %dma_start3A_22 = tpu.memref_slice %arg13[%dma_start3A_21] : memref<512xi32, #tpu.memory_space<vmem>> -> memref<8xi32, #tpu.memory_space<vmem>>
    %dma_start3A_23 = arith.constant 0 : i32
    %dma_start3A_24 = arith.constant 0 : i32
    %dma_start3A_25 = tpu.memref_slice %arg3[%dma_start3A_23, %dma_start3A_24] : memref<12288x1280xf32, #tpu.memory_space<hbm>> -> memref<12288x1280xf32, #tpu.memory_space<hbm>>
    tpu.enqueue_indirect_dma source(%dma_start3A_25 : memref<12288x1280xf32, #tpu.memory_space<hbm>>) target(%dma_start3A_20 : memref<8x1280xf32, #tpu.memory_space<vmem>>) offsets(%dma_start3A_22 : memref<8xi32, #tpu.memory_space<vmem>>) semaphore(%arg14 : memref<!tpu.dma_semaphore, #tpu.memory_space<semaphore_mem>>)
    %dma_start3A_26 = arith.constant 0 : i32
    %dma_start3A_27 = arith.constant 3840 : i32
    %dma_start3A_28 = tpu.memref_slice %arg11[%dma_start3A_26, %dma_start3A_27] : memref<8x5120xf32, #tpu.memory_space<vmem>> -> memref<8x1280xf32, #tpu.memory_space<vmem>>
    %dma_start3A_29 = arith.constant 384 : i32
    %dma_start3A_30 = tpu.memref_slice %arg13[%dma_start3A_29] : memref<512xi32, #tpu.memory_space<vmem>> -> memref<8xi32, #tpu.memory_space<vmem>>
    %dma_start3A_31 = arith.constant 0 : i32
    %dma_start3A_32 = arith.constant 0 : i32
    %dma_start3A_33 = tpu.memref_slice %arg3[%dma_start3A_31, %dma_start3A_32] : memref<12288x1280xf32, #tpu.memory_space<hbm>> -> memref<12288x1280xf32, #tpu.memory_space<hbm>>
    tpu.enqueue_indirect_dma source(%dma_start3A_33 : memref<12288x1280xf32, #tpu.memory_space<hbm>>) target(%dma_start3A_28 : memref<8x1280xf32, #tpu.memory_space<vmem>>) offsets(%dma_start3A_30 : memref<8xi32, #tpu.memory_space<vmem>>) semaphore(%arg14 : memref<!tpu.dma_semaphore, #tpu.memory_space<semaphore_mem>>)
    %dma_start3A_34 = arith.constant 0 : i32
    %dma_start3A_35 = arith.constant 0 : i32
    %dma_start3A_36 = tpu.memref_slice %arg12[%dma_start3A_34, %dma_start3A_35] : memref<8x5120xf32, #tpu.memory_space<vmem>> -> memref<8x1280xf32, #tpu.memory_space<vmem>>
    %dma_start3A_37 = arith.constant 8 : i32
    %dma_start3A_38 = tpu.memref_slice %arg13[%dma_start3A_37] : memref<512xi32, #tpu.memory_space<vmem>> -> memref<8xi32, #tpu.memory_space<vmem>>
    %dma_start3A_39 = arith.constant 0 : i32
    %dma_start3A_40 = arith.constant 0 : i32
    %dma_start3A_41 = tpu.memref_slice %arg3[%dma_start3A_39, %dma_start3A_40] : memref<12288x1280xf32, #tpu.memory_space<hbm>> -> memref<12288x1280xf32, #tpu.memory_space<hbm>>
    tpu.enqueue_indirect_dma source(%dma_start3A_41 : memref<12288x1280xf32, #tpu.memory_space<hbm>>) target(%dma_start3A_36 : memref<8x1280xf32, #tpu.memory_space<vmem>>) offsets(%dma_start3A_38 : memref<8xi32, #tpu.memory_space<vmem>>) semaphore(%arg15 : memref<!tpu.dma_semaphore, #tpu.memory_space<semaphore_mem>>)
    %dma_start3A_42 = arith.constant 0 : i32
    %dma_start3A_43 = arith.constant 1280 : i32
    %dma_start3A_44 = tpu.memref_slice %arg12[%dma_start3A_42, %dma_start3A_43] : memref<8x5120xf32, #tpu.memory_space<vmem>> -> memref<8x1280xf32, #tpu.memory_space<vmem>>
    %dma_start3A_45 = arith.constant 136 : i32
    %dma_start3A_46 = tpu.memref_slice %arg13[%dma_start3A_45] : memref<512xi32, #tpu.memory_space<vmem>> -> memref<8xi32, #tpu.memory_space<vmem>>
    %dma_start3A_47 = arith.constant 0 : i32
    %dma_start3A_48 = arith.constant 0 : i32
    %dma_start3A_49 = tpu.memref_slice %arg3[%dma_start3A_47, %dma_start3A_48] : memref<12288x1280xf32, #tpu.memory_space<hbm>> -> memref<12288x1280xf32, #tpu.memory_space<hbm>>
    tpu.enqueue_indirect_dma source(%dma_start3A_49 : memref<12288x1280xf32, #tpu.memory_space<hbm>>) target(%dma_start3A_44 : memref<8x1280xf32, #tpu.memory_space<vmem>>) offsets(%dma_start3A_46 : memref<8xi32, #tpu.memory_space<vmem>>) semaphore(%arg15 : memref<!tpu.dma_semaphore, #tpu.memory_space<semaphore_mem>>)
    %dma_start3A_50 = arith.constant 0 : i32
    %dma_start3A_51 = arith.constant 2560 : i32
    %dma_start3A_52 = tpu.memref_slice %arg12[%dma_start3A_50, %dma_start3A_51] : memref<8x5120xf32, #tpu.memory_space<vmem>> -> memref<8x1280xf32, #tpu.memory_space<vmem>>
    %dma_start3A_53 = arith.constant 264 : i32
    %dma_start3A_54 = tpu.memref_slice %arg13[%dma_start3A_53] : memref<512xi32, #tpu.memory_space<vmem>> -> memref<8xi32, #tpu.memory_space<vmem>>
    %dma_start3A_55 = arith.constant 0 : i32
    %dma_start3A_56 = arith.constant 0 : i32
    %dma_start3A_57 = tpu.memref_slice %arg3[%dma_start3A_55, %dma_start3A_56] : memref<12288x1280xf32, #tpu.memory_space<hbm>> -> memref<12288x1280xf32, #tpu.memory_space<hbm>>
    tpu.enqueue_indirect_dma source(%dma_start3A_57 : memref<12288x1280xf32, #tpu.memory_space<hbm>>) target(%dma_start3A_52 : memref<8x1280xf32, #tpu.memory_space<vmem>>) offsets(%dma_start3A_54 : memref<8xi32, #tpu.memory_space<vmem>>) semaphore(%arg15 : memref<!tpu.dma_semaphore, #tpu.memory_space<semaphore_mem>>)
    %dma_start3A_58 = arith.constant 0 : i32
    %dma_start3A_59 = arith.constant 3840 : i32
    %dma_start3A_60 = tpu.memref_slice %arg12[%dma_start3A_58, %dma_start3A_59] : memref<8x5120xf32, #tpu.memory_space<vmem>> -> memref<8x1280xf32, #tpu.memory_space<vmem>>
    %dma_start3A_61 = arith.constant 392 : i32
    %dma_start3A_62 = tpu.memref_slice %arg13[%dma_start3A_61] : memref<512xi32, #tpu.memory_space<vmem>> -> memref<8xi32, #tpu.memory_space<vmem>>
    %dma_start3A_63 = arith.constant 0 : i32
    %dma_start3A_64 = arith.constant 0 : i32
    %dma_start3A_65 = tpu.memref_slice %arg3[%dma_start3A_63, %dma_start3A_64] : memref<12288x1280xf32, #tpu.memory_space<hbm>> -> memref<12288x1280xf32, #tpu.memory_space<hbm>>
    tpu.enqueue_indirect_dma source(%dma_start3A_65 : memref<12288x1280xf32, #tpu.memory_space<hbm>>) target(%dma_start3A_60 : memref<8x1280xf32, #tpu.memory_space<vmem>>) offsets(%dma_start3A_62 : memref<8xi32, #tpu.memory_space<vmem>>) semaphore(%arg15 : memref<!tpu.dma_semaphore, #tpu.memory_space<semaphore_mem>>)
    %dma_wait3A = arith.constant 0 : i32
    %dma_wait3A_66 = arith.constant 0 : i32
    %dma_wait3A_67 = tpu.memref_slice %arg11[%dma_wait3A, %dma_wait3A_66] : memref<8x5120xf32, #tpu.memory_space<vmem>> -> memref<8x1280xf32, #tpu.memory_space<vmem>>
    %dma_wait3A_68 = arith.constant 0 : i32
    %dma_wait3A_69 = tpu.memref_slice %arg13[%dma_wait3A_68] : memref<512xi32, #tpu.memory_space<vmem>> -> memref<8xi32, #tpu.memory_space<vmem>>
    %dma_wait3A_70 = arith.constant 0 : i32
    %dma_wait3A_71 = arith.constant 0 : i32
    %dma_wait3A_72 = tpu.memref_slice %arg3[%dma_wait3A_70, %dma_wait3A_71] : memref<12288x1280xf32, #tpu.memory_space<hbm>> -> memref<12288x1280xf32, #tpu.memory_space<hbm>>
    tpu.wait_indirect_dma semaphore(%arg14 : memref<!tpu.dma_semaphore, #tpu.memory_space<semaphore_mem>>) src(%dma_wait3A_72 : memref<12288x1280xf32, #tpu.memory_space<hbm>>) dst(%dma_wait3A_67 : memref<8x1280xf32, #tpu.memory_space<vmem>>)
    %dma_wait3A_73 = arith.constant 0 : i32
    %dma_wait3A_74 = arith.constant 1280 : i32
    %dma_wait3A_75 = tpu.memref_slice %arg11[%dma_wait3A_73, %dma_wait3A_74] : memref<8x5120xf32, #tpu.memory_space<vmem>> -> memref<8x1280xf32, #tpu.memory_space<vmem>>
    %dma_wait3A_76 = arith.constant 128 : i32
    %dma_wait3A_77 = tpu.memref_slice %arg13[%dma_wait3A_76] : memref<512xi32, #tpu.memory_space<vmem>> -> memref<8xi32, #tpu.memory_space<vmem>>
    %dma_wait3A_78 = arith.constant 0 : i32
    %dma_wait3A_79 = arith.constant 0 : i32
    %dma_wait3A_80 = tpu.memref_slice %arg3[%dma_wait3A_78, %dma_wait3A_79] : memref<12288x1280xf32, #tpu.memory_space<hbm>> -> memref<12288x1280xf32, #tpu.memory_space<hbm>>
    tpu.wait_indirect_dma semaphore(%arg14 : memref<!tpu.dma_semaphore, #tpu.memory_space<semaphore_mem>>) src(%dma_wait3A_80 : memref<12288x1280xf32, #tpu.memory_space<hbm>>) dst(%dma_wait3A_75 : memref<8x1280xf32, #tpu.memory_space<vmem>>)
    %dma_wait3A_81 = arith.constant 0 : i32
    %dma_wait3A_82 = arith.constant 2560 : i32
    %dma_wait3A_83 = tpu.memref_slice %arg11[%dma_wait3A_81, %dma_wait3A_82] : memref<8x5120xf32, #tpu.memory_space<vmem>> -> memref<8x1280xf32, #tpu.memory_space<vmem>>
    %dma_wait3A_84 = arith.constant 256 : i32
    %dma_wait3A_85 = tpu.memref_slice %arg13[%dma_wait3A_84] : memref<512xi32, #tpu.memory_space<vmem>> -> memref<8xi32, #tpu.memory_space<vmem>>
    %dma_wait3A_86 = arith.constant 0 : i32
    %dma_wait3A_87 = arith.constant 0 : i32
    %dma_wait3A_88 = tpu.memref_slice %arg3[%dma_wait3A_86, %dma_wait3A_87] : memref<12288x1280xf32, #tpu.memory_space<hbm>> -> memref<12288x1280xf32, #tpu.memory_space<hbm>>
    tpu.wait_indirect_dma semaphore(%arg14 : memref<!tpu.dma_semaphore, #tpu.memory_space<semaphore_mem>>) src(%dma_wait3A_88 : memref<12288x1280xf32, #tpu.memory_space<hbm>>) dst(%dma_wait3A_83 : memref<8x1280xf32, #tpu.memory_space<vmem>>)
    %dma_wait3A_89 = arith.constant 0 : i32
    %dma_wait3A_90 = arith.constant 3840 : i32
    %dma_wait3A_91 = tpu.memref_slice %arg11[%dma_wait3A_89, %dma_wait3A_90] : memref<8x5120xf32, #tpu.memory_space<vmem>> -> memref<8x1280xf32, #tpu.memory_space<vmem>>
    %dma_wait3A_92 = arith.constant 384 : i32
    %dma_wait3A_93 = tpu.memref_slice %arg13[%dma_wait3A_92] : memref<512xi32, #tpu.memory_space<vmem>> -> memref<8xi32, #tpu.memory_space<vmem>>
    %dma_wait3A_94 = arith.constant 0 : i32
    %dma_wait3A_95 = arith.constant 0 : i32
    %dma_wait3A_96 = tpu.memref_slice %arg3[%dma_wait3A_94, %dma_wait3A_95] : memref<12288x1280xf32, #tpu.memory_space<hbm>> -> memref<12288x1280xf32, #tpu.memory_space<hbm>>
    tpu.wait_indirect_dma semaphore(%arg14 : memref<!tpu.dma_semaphore, #tpu.memory_space<semaphore_mem>>) src(%dma_wait3A_96 : memref<12288x1280xf32, #tpu.memory_space<hbm>>) dst(%dma_wait3A_91 : memref<8x1280xf32, #tpu.memory_space<vmem>>)
    %mul3A_97 = arith.constant 96 : i32
    %mul3A_98 = arith.muli %add3A, %mul3A_97 : i32
    %add3A_99 = arith.constant 0 : i32
    %add3A_100 = arith.addi %mul3A_98, %add3A_99 : i32
    %dma_start3A_101 = arith.constant 0 : i32
    %dma_start3A_102 = tpu.memref_slice %arg7[%add3A_100, %dma_start3A_101] : memref<3072x5120xf32, #tpu.memory_space<hbm>> -> memref<8x5120xf32, #tpu.memory_space<hbm>>
    %dma_start3A_103 = arith.constant 0 : i32
    %dma_start3A_104 = tpu.memref_slice %arg7[%add3A_100, %dma_start3A_103] : memref<3072x5120xf32, #tpu.memory_space<hbm>> -> memref<8x5120xf32, #tpu.memory_space<hbm>>
    tpu.enqueue_dma source(%arg11 : memref<8x5120xf32, #tpu.memory_space<vmem>>) target(%dma_start3A_104 : memref<8x5120xf32, #tpu.memory_space<hbm>>) target_semaphore(%arg16 : memref<!tpu.dma_semaphore, #tpu.memory_space<semaphore_mem>>)
    %dma_wait3A_105 = arith.constant 0 : i32
    %dma_wait3A_106 = tpu.memref_slice %arg7[%add3A_100, %dma_wait3A_105] : memref<3072x5120xf32, #tpu.memory_space<hbm>> -> memref<8x5120xf32, #tpu.memory_space<hbm>>
    %dma_wait3A_107 = arith.constant 0 : i32
    %dma_wait3A_108 = tpu.memref_slice %arg7[%add3A_100, %dma_wait3A_107] : memref<3072x5120xf32, #tpu.memory_space<hbm>> -> memref<8x5120xf32, #tpu.memory_space<hbm>>
    tpu.wait_dma2 semaphore(%arg16 : memref<!tpu.dma_semaphore, #tpu.memory_space<semaphore_mem>>) src(%arg11 : memref<8x5120xf32, #tpu.memory_space<vmem>>) dst(%dma_wait3A_108 : memref<8x5120xf32, #tpu.memory_space<hbm>>)
    %dma_start3A_109 = arith.constant 0 : i32
    %dma_start3A_110 = arith.constant 0 : i32
    %dma_start3A_111 = tpu.memref_slice %arg11[%dma_start3A_109, %dma_start3A_110] : memref<8x5120xf32, #tpu.memory_space<vmem>> -> memref<8x1280xf32, #tpu.memory_space<vmem>>
    %dma_start3A_112 = arith.constant 16 : i32
    %dma_start3A_113 = tpu.memref_slice %arg13[%dma_start3A_112] : memref<512xi32, #tpu.memory_space<vmem>> -> memref<8xi32, #tpu.memory_space<vmem>>
    %dma_start3A_114 = arith.constant 0 : i32
    %dma_start3A_115 = arith.constant 0 : i32
    %dma_start3A_116 = tpu.memref_slice %arg3[%dma_start3A_114, %dma_start3A_115] : memref<12288x1280xf32, #tpu.memory_space<hbm>> -> memref<12288x1280xf32, #tpu.memory_space<hbm>>
    tpu.enqueue_indirect_dma source(%dma_start3A_116 : memref<12288x1280xf32, #tpu.memory_space<hbm>>) target(%dma_start3A_111 : memref<8x1280xf32, #tpu.memory_space<vmem>>) offsets(%dma_start3A_113 : memref<8xi32, #tpu.memory_space<vmem>>) semaphore(%arg14 : memref<!tpu.dma_semaphore, #tpu.memory_space<semaphore_mem>>)
    %dma_start3A_117 = arith.constant 0 : i32
    %dma_start3A_118 = arith.constant 1280 : i32
    %dma_start3A_119 = tpu.memref_slice %arg11[%dma_start3A_117, %dma_start3A_118] : memref<8x5120xf32, #tpu.memory_space<vmem>> -> memref<8x1280xf32, #tpu.memory_space<vmem>>
    %dma_start3A_120 = arith.constant 144 : i32
    %dma_start3A_121 = tpu.memref_slice %arg13[%dma_start3A_120] : memref<512xi32, #tpu.memory_space<vmem>> -> memref<8xi32, #tpu.memory_space<vmem>>
    %dma_start3A_122 = arith.constant 0 : i32
    %dma_start3A_123 = arith.constant 0 : i32
    %dma_start3A_124 = tpu.memref_slice %arg3[%dma_start3A_122, %dma_start3A_123] : memref<12288x1280xf32, #tpu.memory_space<hbm>> -> memref<12288x1280xf32, #tpu.memory_space<hbm>>
    tpu.enqueue_indirect_dma source(%dma_start3A_124 : memref<12288x1280xf32, #tpu.memory_space<hbm>>) target(%dma_start3A_119 : memref<8x1280xf32, #tpu.memory_space<vmem>>) offsets(%dma_start3A_121 : memref<8xi32, #tpu.memory_space<vmem>>) semaphore(%arg14 : memref<!tpu.dma_semaphore, #tpu.memory_space<semaphore_mem>>)
    %dma_start3A_125 = arith.constant 0 : i32
    %dma_start3A_126 = arith.constant 2560 : i32
    %dma_start3A_127 = tpu.memref_slice %arg11[%dma_start3A_125, %dma_start3A_126] : memref<8x5120xf32, #tpu.memory_space<vmem>> -> memref<8x1280xf32, #tpu.memory_space<vmem>>
    %dma_start3A_128 = arith.constant 272 : i32
    %dma_start3A_129 = tpu.memref_slice %arg13[%dma_start3A_128] : memref<512xi32, #tpu.memory_space<vmem>> -> memref<8xi32, #tpu.memory_space<vmem>>
    %dma_start3A_130 = arith.constant 0 : i32
    %dma_start3A_131 = arith.constant 0 : i32
    %dma_start3A_132 = tpu.memref_slice %arg3[%dma_start3A_130, %dma_start3A_131] : memref<12288x1280xf32, #tpu.memory_space<hbm>> -> memref<12288x1280xf32, #tpu.memory_space<hbm>>
    tpu.enqueue_indirect_dma source(%dma_start3A_132 : memref<12288x1280xf32, #tpu.memory_space<hbm>>) target(%dma_start3A_127 : memref<8x1280xf32, #tpu.memory_space<vmem>>) offsets(%dma_start3A_129 : memref<8xi32, #tpu.memory_space<vmem>>) semaphore(%arg14 : memref<!tpu.dma_semaphore, #tpu.memory_space<semaphore_mem>>)
    %dma_start3A_133 = arith.constant 0 : i32
    %dma_start3A_134 = arith.constant 3840 : i32
    %dma_start3A_135 = tpu.memref_slice %arg11[%dma_start3A_133, %dma_start3A_134] : memref<8x5120xf32, #tpu.memory_space<vmem>> -> memref<8x1280xf32, #tpu.memory_space<vmem>>
    %dma_start3A_136 = arith.constant 400 : i32
    %dma_start3A_137 = tpu.memref_slice %arg13[%dma_start3A_136] : memref<512xi32, #tpu.memory_space<vmem>> -> memref<8xi32, #tpu.memory_space<vmem>>
    %dma_start3A_138 = arith.constant 0 : i32
    %dma_start3A_139 = arith.constant 0 : i32
    %dma_start3A_140 = tpu.memref_slice %arg3[%dma_start3A_138, %dma_start3A_139] : memref<12288x1280xf32, #tpu.memory_space<hbm>> -> memref<12288x1280xf32, #tpu.memory_space<hbm>>
    tpu.enqueue_indirect_dma source(%dma_start3A_140 : memref<12288x1280xf32, #tpu.memory_space<hbm>>) target(%dma_start3A_135 : memref<8x1280xf32, #tpu.memory_space<vmem>>) offsets(%dma_start3A_137 : memref<8xi32, #tpu.memory_space<vmem>>) semaphore(%arg14 : memref<!tpu.dma_semaphore, #tpu.memory_space<semaphore_mem>>)
    %dma_wait3A_141 = arith.constant 0 : i32
    %dma_wait3A_142 = arith.constant 0 : i32
    %dma_wait3A_143 = tpu.memref_slice %arg12[%dma_wait3A_141, %dma_wait3A_142] : memref<8x5120xf32, #tpu.memory_space<vmem>> -> memref<8x1280xf32, #tpu.memory_space<vmem>>
    %dma_wait3A_144 = arith.constant 8 : i32
    %dma_wait3A_145 = tpu.memref_slice %arg13[%dma_wait3A_144] : memref<512xi32, #tpu.memory_space<vmem>> -> memref<8xi32, #tpu.memory_space<vmem>>
    %dma_wait3A_146 = arith.constant 0 : i32
    %dma_wait3A_147 = arith.constant 0 : i32
    %dma_wait3A_148 = tpu.memref_slice %arg3[%dma_wait3A_146, %dma_wait3A_147] : memref<12288x1280xf32, #tpu.memory_space<hbm>> -> memref<12288x1280xf32, #tpu.memory_space<hbm>>
    tpu.wait_indirect_dma semaphore(%arg15 : memref<!tpu.dma_semaphore, #tpu.memory_space<semaphore_mem>>) src(%dma_wait3A_148 : memref<12288x1280xf32, #tpu.memory_space<hbm>>) dst(%dma_wait3A_143 : memref<8x1280xf32, #tpu.memory_space<vmem>>)
    %dma_wait3A_149 = arith.constant 0 : i32
    %dma_wait3A_150 = arith.constant 1280 : i32
    %dma_wait3A_151 = tpu.memref_slice %arg12[%dma_wait3A_149, %dma_wait3A_150] : memref<8x5120xf32, #tpu.memory_space<vmem>> -> memref<8x1280xf32, #tpu.memory_space<vmem>>
    %dma_wait3A_152 = arith.constant 136 : i32
    %dma_wait3A_153 = tpu.memref_slice %arg13[%dma_wait3A_152] : memref<512xi32, #tpu.memory_space<vmem>> -> memref<8xi32, #tpu.memory_space<vmem>>
    %dma_wait3A_154 = arith.constant 0 : i32
    %dma_wait3A_155 = arith.constant 0 : i32
    %dma_wait3A_156 = tpu.memref_slice %arg3[%dma_wait3A_154, %dma_wait3A_155] : memref<12288x1280xf32, #tpu.memory_space<hbm>> -> memref<12288x1280xf32, #tpu.memory_space<hbm>>
    tpu.wait_indirect_dma semaphore(%arg15 : memref<!tpu.dma_semaphore, #tpu.memory_space<semaphore_mem>>) src(%dma_wait3A_156 : memref<12288x1280xf32, #tpu.memory_space<hbm>>) dst(%dma_wait3A_151 : memref<8x1280xf32, #tpu.memory_space<vmem>>)
    %dma_wait3A_157 = arith.constant 0 : i32
    %dma_wait3A_158 = arith.constant 2560 : i32
    %dma_wait3A_159 = tpu.memref_slice %arg12[%dma_wait3A_157, %dma_wait3A_158] : memref<8x5120xf32, #tpu.memory_space<vmem>> -> memref<8x1280xf32, #tpu.memory_space<vmem>>
    %dma_wait3A_160 = arith.constant 264 : i32
    %dma_wait3A_161 = tpu.memref_slice %arg13[%dma_wait3A_160] : memref<512xi32, #tpu.memory_space<vmem>> -> memref<8xi32, #tpu.memory_space<vmem>>
    %dma_wait3A_162 = arith.constant 0 : i32
    %dma_wait3A_163 = arith.constant 0 : i32
    %dma_wait3A_164 = tpu.memref_slice %arg3[%dma_wait3A_162, %dma_wait3A_163] : memref<12288x1280xf32, #tpu.memory_space<hbm>> -> memref<12288x1280xf32, #tpu.memory_space<hbm>>
    tpu.wait_indirect_dma semaphore(%arg15 : memref<!tpu.dma_semaphore, #tpu.memory_space<semaphore_mem>>) src(%dma_wait3A_164 : memref<12288x1280xf32, #tpu.memory_space<hbm>>) dst(%dma_wait3A_159 : memref<8x1280xf32, #tpu.memory_space<vmem>>)
    %dma_wait3A_165 = arith.constant 0 : i32
    %dma_wait3A_166 = arith.constant 3840 : i32
    %dma_wait3A_167 = tpu.memref_slice %arg12[%dma_wait3A_165, %dma_wait3A_166] : memref<8x5120xf32, #tpu.memory_space<vmem>> -> memref<8x1280xf32, #tpu.memory_space<vmem>>
    %dma_wait3A_168 = arith.constant 392 : i32
    %dma_wait3A_169 = tpu.memref_slice %arg13[%dma_wait3A_168] : memref<512xi32, #tpu.memory_space<vmem>> -> memref<8xi32, #tpu.memory_space<vmem>>
    %dma_wait3A_170 = arith.constant 0 : i32
    %dma_wait3A_171 = arith.constant 0 : i32
    %dma_wait3A_172 = tpu.memref_slice %arg3[%dma_wait3A_170, %dma_wait3A_171] : memref<12288x1280xf32, #tpu.memory_space<hbm>> -> memref<12288x1280xf32, #tpu.memory_space<hbm>>
    tpu.wait_indirect_dma semaphore(%arg15 : memref<!tpu.dma_semaphore, #tpu.memory_space<semaphore_mem>>) src(%dma_wait3A_172 : memref<12288x1280xf32, #tpu.memory_space<hbm>>) dst(%dma_wait3A_167 : memref<8x1280xf32, #tpu.memory_space<vmem>>)
    %mul3A_173 = arith.constant 96 : i32
    %mul3A_174 = arith.muli %add3A, %mul3A_173 : i32
    %add3A_175 = arith.constant 8 : i32
    %add3A_176 = arith.addi %mul3A_174, %add3A_175 : i32
    %dma_start3A_177 = arith.constant 0 : i32
    %dma_start3A_178 = tpu.memref_slice %arg7[%add3A_176, %dma_start3A_177] : memref<3072x5120xf32, #tpu.memory_space<hbm>> -> memref<8x5120xf32, #tpu.memory_space<hbm>>
    %dma_start3A_179 = arith.constant 0 : i32
    %dma_start3A_180 = tpu.memref_slice %arg7[%add3A_176, %dma_start3A_179] : memref<3072x5120xf32, #tpu.memory_space<hbm>> -> memref<8x5120xf32, #tpu.memory_space<hbm>>
    tpu.enqueue_dma source(%arg12 : memref<8x5120xf32, #tpu.memory_space<vmem>>) target(%dma_start3A_180 : memref<8x5120xf32, #tpu.memory_space<hbm>>) target_semaphore(%arg17 : memref<!tpu.dma_semaphore, #tpu.memory_space<semaphore_mem>>)
    %dma_wait3A_181 = arith.constant 0 : i32
    %dma_wait3A_182 = tpu.memref_slice %arg7[%add3A_176, %dma_wait3A_181] : memref<3072x5120xf32, #tpu.memory_space<hbm>> -> memref<8x5120xf32, #tpu.memory_space<hbm>>
    %dma_wait3A_183 = arith.constant 0 : i32
    %dma_wait3A_184 = tpu.memref_slice %arg7[%add3A_176, %dma_wait3A_183] : memref<3072x5120xf32, #tpu.memory_space<hbm>> -> memref<8x5120xf32, #tpu.memory_space<hbm>>
    tpu.wait_dma2 semaphore(%arg17 : memref<!tpu.dma_semaphore, #tpu.memory_space<semaphore_mem>>) src(%arg12 : memref<8x5120xf32, #tpu.memory_space<vmem>>) dst(%dma_wait3A_184 : memref<8x5120xf32, #tpu.memory_space<hbm>>)
    %dma_start3A_185 = arith.constant 0 : i32
    %dma_start3A_186 = arith.constant 0 : i32
    %dma_start3A_187 = tpu.memref_slice %arg12[%dma_start3A_185, %dma_start3A_186] : memref<8x5120xf32, #tpu.memory_space<vmem>> -> memref<8x1280xf32, #tpu.memory_space<vmem>>
    %dma_start3A_188 = arith.constant 24 : i32
    %dma_start3A_189 = tpu.memref_slice %arg13[%dma_start3A_188] : memref<512xi32, #tpu.memory_space<vmem>> -> memref<8xi32, #tpu.memory_space<vmem>>
    %dma_start3A_190 = arith.constant 0 : i32
    %dma_start3A_191 = arith.constant 0 : i32
    %dma_start3A_192 = tpu.memref_slice %arg3[%dma_start3A_190, %dma_start3A_191] : memref<12288x1280xf32, #tpu.memory_space<hbm>> -> memref<12288x1280xf32, #tpu.memory_space<hbm>>
    tpu.enqueue_indirect_dma source(%dma_start3A_192 : memref<12288x1280xf32, #tpu.memory_space<hbm>>) target(%dma_start3A_187 : memref<8x1280xf32, #tpu.memory_space<vmem>>) offsets(%dma_start3A_189 : memref<8xi32, #tpu.memory_space<vmem>>) semaphore(%arg15 : memref<!tpu.dma_semaphore, #tpu.memory_space<semaphore_mem>>)
    %dma_start3A_193 = arith.constant 0 : i32
    %dma_start3A_194 = arith.constant 1280 : i32
    %dma_start3A_195 = tpu.memref_slice %arg12[%dma_start3A_193, %dma_start3A_194] : memref<8x5120xf32, #tpu.memory_space<vmem>> -> memref<8x1280xf32, #tpu.memory_space<vmem>>
    %dma_start3A_196 = arith.constant 152 : i32
    %dma_start3A_197 = tpu.memref_slice %arg13[%dma_start3A_196] : memref<512xi32, #tpu.memory_space<vmem>> -> memref<8xi32, #tpu.memory_space<vmem>>
    %dma_start3A_198 = arith.constant 0 : i32
    %dma_start3A_199 = arith.constant 0 : i32
    %dma_start3A_200 = tpu.memref_slice %arg3[%dma_start3A_198, %dma_start3A_199] : memref<12288x1280xf32, #tpu.memory_space<hbm>> -> memref<12288x1280xf32, #tpu.memory_space<hbm>>
    tpu.enqueue_indirect_dma source(%dma_start3A_200 : memref<12288x1280xf32, #tpu.memory_space<hbm>>) target(%dma_start3A_195 : memref<8x1280xf32, #tpu.memory_space<vmem>>) offsets(%dma_start3A_197 : memref<8xi32, #tpu.memory_space<vmem>>) semaphore(%arg15 : memref<!tpu.dma_semaphore, #tpu.memory_space<semaphore_mem>>)
    %dma_start3A_201 = arith.constant 0 : i32
    %dma_start3A_202 = arith.constant 2560 : i32
    %dma_start3A_203 = tpu.memref_slice %arg12[%dma_start3A_201, %dma_start3A_202] : memref<8x5120xf32, #tpu.memory_space<vmem>> -> memref<8x1280xf32, #tpu.memory_space<vmem>>
    %dma_start3A_204 = arith.constant 280 : i32
    %dma_start3A_205 = tpu.memref_slice %arg13[%dma_start3A_204] : memref<512xi32, #tpu.memory_space<vmem>> -> memref<8xi32, #tpu.memory_space<vmem>>
    %dma_start3A_206 = arith.constant 0 : i32
    %dma_start3A_207 = arith.constant 0 : i32
    %dma_start3A_208 = tpu.memref_slice %arg3[%dma_start3A_206, %dma_start3A_207] : memref<12288x1280xf32, #tpu.memory_space<hbm>> -> memref<12288x1280xf32, #tpu.memory_space<hbm>>
    tpu.enqueue_indirect_dma source(%dma_start3A_208 : memref<12288x1280xf32, #tpu.memory_space<hbm>>) target(%dma_start3A_203 : memref<8x1280xf32, #tpu.memory_space<vmem>>) offsets(%dma_start3A_205 : memref<8xi32, #tpu.memory_space<vmem>>) semaphore(%arg15 : memref<!tpu.dma_semaphore, #tpu.memory_space<semaphore_mem>>)
    %dma_start3A_209 = arith.constant 0 : i32
    %dma_start3A_210 = arith.constant 3840 : i32
    %dma_start3A_211 = tpu.memref_slice %arg12[%dma_start3A_209, %dma_start3A_210] : memref<8x5120xf32, #tpu.memory_space<vmem>> -> memref<8x1280xf32, #tpu.memory_space<vmem>>
    %dma_start3A_212 = arith.constant 408 : i32
    %dma_start3A_213 = tpu.memref_slice %arg13[%dma_start3A_212] : memref<512xi32, #tpu.memory_space<vmem>> -> memref<8xi32, #tpu.memory_space<vmem>>
    %dma_start3A_214 = arith.constant 0 : i32
    %dma_start3A_215 = arith.constant 0 : i32
    %dma_start3A_216 = tpu.memref_slice %arg3[%dma_start3A_214, %dma_start3A_215] : memref<12288x1280xf32, #tpu.memory_space<hbm>> -> memref<12288x1280xf32, #tpu.memory_space<hbm>>
    tpu.enqueue_indirect_dma source(%dma_start3A_216 : memref<12288x1280xf32, #tpu.memory_space<hbm>>) target(%dma_start3A_211 : memref<8x1280xf32, #tpu.memory_space<vmem>>) offsets(%dma_start3A_213 : memref<8xi32, #tpu.memory_space<vmem>>) semaphore(%arg15 : memref<!tpu.dma_semaphore, #tpu.memory_space<semaphore_mem>>)
    %dma_wait3A_217 = arith.constant 0 : i32
    %dma_wait3A_218 = arith.constant 0 : i32
    %dma_wait3A_219 = tpu.memref_slice %arg11[%dma_wait3A_217, %dma_wait3A_218] : memref<8x5120xf32, #tpu.memory_space<vmem>> -> memref<8x1280xf32, #tpu.memory_space<vmem>>
    %dma_wait3A_220 = arith.constant 16 : i32
    %dma_wait3A_221 = tpu.memref_slice %arg13[%dma_wait3A_220] : memref<512xi32, #tpu.memory_space<vmem>> -> memref<8xi32, #tpu.memory_space<vmem>>
    %dma_wait3A_222 = arith.constant 0 : i32
    %dma_wait3A_223 = arith.constant 0 : i32
    %dma_wait3A_224 = tpu.memref_slice %arg3[%dma_wait3A_222, %dma_wait3A_223] : memref<12288x1280xf32, #tpu.memory_space<hbm>> -> memref<12288x1280xf32, #tpu.memory_space<hbm>>
    tpu.wait_indirect_dma semaphore(%arg14 : memref<!tpu.dma_semaphore, #tpu.memory_space<semaphore_mem>>) src(%dma_wait3A_224 : memref<12288x1280xf32, #tpu.memory_space<hbm>>) dst(%dma_wait3A_219 : memref<8x1280xf32, #tpu.memory_space<vmem>>)
    %dma_wait3A_225 = arith.constant 0 : i32
    %dma_wait3A_226 = arith.constant 1280 : i32
    %dma_wait3A_227 = tpu.memref_slice %arg11[%dma_wait3A_225, %dma_wait3A_226] : memref<8x5120xf32, #tpu.memory_space<vmem>> -> memref<8x1280xf32, #tpu.memory_space<vmem>>
    %dma_wait3A_228 = arith.constant 144 : i32
    %dma_wait3A_229 = tpu.memref_slice %arg13[%dma_wait3A_228] : memref<512xi32, #tpu.memory_space<vmem>> -> memref<8xi32, #tpu.memory_space<vmem>>
    %dma_wait3A_230 = arith.constant 0 : i32
    %dma_wait3A_231 = arith.constant 0 : i32
    %dma_wait3A_232 = tpu.memref_slice %arg3[%dma_wait3A_230, %dma_wait3A_231] : memref<12288x1280xf32, #tpu.memory_space<hbm>> -> memref<12288x1280xf32, #tpu.memory_space<hbm>>
    tpu.wait_indirect_dma semaphore(%arg14 : memref<!tpu.dma_semaphore, #tpu.memory_space<semaphore_mem>>) src(%dma_wait3A_232 : memref<12288x1280xf32, #tpu.memory_space<hbm>>) dst(%dma_wait3A_227 : memref<8x1280xf32, #tpu.memory_space<vmem>>)
    %dma_wait3A_233 = arith.constant 0 : i32
    %dma_wait3A_234 = arith.constant 2560 : i32
    %dma_wait3A_235 = tpu.memref_slice %arg11[%dma_wait3A_233, %dma_wait3A_234] : memref<8x5120xf32, #tpu.memory_space<vmem>> -> memref<8x1280xf32, #tpu.memory_space<vmem>>
    %dma_wait3A_236 = arith.constant 272 : i32
    %dma_wait3A_237 = tpu.memref_slice %arg13[%dma_wait3A_236] : memref<512xi32, #tpu.memory_space<vmem>> -> memref<8xi32, #tpu.memory_space<vmem>>
    %dma_wait3A_238 = arith.constant 0 : i32
    %dma_wait3A_239 = arith.constant 0 : i32
    %dma_wait3A_240 = tpu.memref_slice %arg3[%dma_wait3A_238, %dma_wait3A_239] : memref<12288x1280xf32, #tpu.memory_space<hbm>> -> memref<12288x1280xf32, #tpu.memory_space<hbm>>
    tpu.wait_indirect_dma semaphore(%arg14 : memref<!tpu.dma_semaphore, #tpu.memory_space<semaphore_mem>>) src(%dma_wait3A_240 : memref<12288x1280xf32, #tpu.memory_space<hbm>>) dst(%dma_wait3A_235 : memref<8x1280xf32, #tpu.memory_space<vmem>>)
    %dma_wait3A_241 = arith.constant 0 : i32
    %dma_wait3A_242 = arith.constant 3840 : i32
    %dma_wait3A_243 = tpu.memref_slice %arg11[%dma_wait3A_241, %dma_wait3A_242] : memref<8x5120xf32, #tpu.memory_space<vmem>> -> memref<8x1280xf32, #tpu.memory_space<vmem>>
    %dma_wait3A_244 = arith.constant 400 : i32
    %dma_wait3A_245 = tpu.memref_slice %arg13[%dma_wait3A_244] : memref<512xi32, #tpu.memory_space<vmem>> -> memref<8xi32, #tpu.memory_space<vmem>>
    %dma_wait3A_246 = arith.constant 0 : i32
    %dma_wait3A_247 = arith.constant 0 : i32
    %dma_wait3A_248 = tpu.memref_slice %arg3[%dma_wait3A_246, %dma_wait3A_247] : memref<12288x1280xf32, #tpu.memory_space<hbm>> -> memref<12288x1280xf32, #tpu.memory_space<hbm>>
    tpu.wait_indirect_dma semaphore(%arg14 : memref<!tpu.dma_semaphore, #tpu.memory_space<semaphore_mem>>) src(%dma_wait3A_248 : memref<12288x1280xf32, #tpu.memory_space<hbm>>) dst(%dma_wait3A_243 : memref<8x1280xf32, #tpu.memory_space<vmem>>)
    %mul3A_249 = arith.constant 96 : i32
    %mul3A_250 = arith.muli %add3A, %mul3A_249 : i32
    %add3A_251 = arith.constant 16 : i32
    %add3A_252 = arith.addi %mul3A_250, %add3A_251 : i32
    %dma_start3A_253 = arith.constant 0 : i32
    %dma_start3A_254 = tpu.memref_slice %arg7[%add3A_252, %dma_start3A_253] : memref<3072x5120xf32, #tpu.memory_space<hbm>> -> memref<8x5120xf32, #tpu.memory_space<hbm>>
    %dma_start3A_255 = arith.constant 0 : i32
    %dma_start3A_256 = tpu.memref_slice %arg7[%add3A_252, %dma_start3A_255] : memref<3072x5120xf32, #tpu.memory_space<hbm>> -> memref<8x5120xf32, #tpu.memory_space<hbm>>
    tpu.enqueue_dma source(%arg11 : memref<8x5120xf32, #tpu.memory_space<vmem>>) target(%dma_start3A_256 : memref<8x5120xf32, #tpu.memory_space<hbm>>) target_semaphore(%arg16 : memref<!tpu.dma_semaphore, #tpu.memory_space<semaphore_mem>>)
    %dma_wait3A_257 = arith.constant 0 : i32
    %dma_wait3A_258 = tpu.memref_slice %arg7[%add3A_252, %dma_wait3A_257] : memref<3072x5120xf32, #tpu.memory_space<hbm>> -> memref<8x5120xf32, #tpu.memory_space<hbm>>
    %dma_wait3A_259 = arith.constant 0 : i32
    %dma_wait3A_260 = tpu.memref_slice %arg7[%add3A_252, %dma_wait3A_259] : memref<3072x5120xf32, #tpu.memory_space<hbm>> -> memref<8x5120xf32, #tpu.memory_space<hbm>>
    tpu.wait_dma2 semaphore(%arg16 : memref<!tpu.dma_semaphore, #tpu.memory_space<semaphore_mem>>) src(%arg11 : memref<8x5120xf32, #tpu.memory_space<vmem>>) dst(%dma_wait3A_260 : memref<8x5120xf32, #tpu.memory_space<hbm>>)
    %dma_start3A_261 = arith.constant 0 : i32
    %dma_start3A_262 = arith.constant 0 : i32
    %dma_start3A_263 = tpu.memref_slice %arg11[%dma_start3A_261, %dma_start3A_262] : memref<8x5120xf32, #tpu.memory_space<vmem>> -> memref<8x1280xf32, #tpu.memory_space<vmem>>
    %dma_start3A_264 = arith.constant 32 : i32
    %dma_start3A_265 = tpu.memref_slice %arg13[%dma_start3A_264] : memref<512xi32, #tpu.memory_space<vmem>> -> memref<8xi32, #tpu.memory_space<vmem>>
    %dma_start3A_266 = arith.constant 0 : i32
    %dma_start3A_267 = arith.constant 0 : i32
    %dma_start3A_268 = tpu.memref_slice %arg3[%dma_start3A_266, %dma_start3A_267] : memref<12288x1280xf32, #tpu.memory_space<hbm>> -> memref<12288x1280xf32, #tpu.memory_space<hbm>>
    tpu.enqueue_indirect_dma source(%dma_start3A_268 : memref<12288x1280xf32, #tpu.memory_space<hbm>>) target(%dma_start3A_263 : memref<8x1280xf32, #tpu.memory_space<vmem>>) offsets(%dma_start3A_265 : memref<8xi32, #tpu.memory_space<vmem>>) semaphore(%arg14 : memref<!tpu.dma_semaphore, #tpu.memory_space<semaphore_mem>>)
    %dma_start3A_269 = arith.constant 0 : i32
    %dma_start3A_270 = arith.constant 1280 : i32
    %dma_start3A_271 = tpu.memref_slice %arg11[%dma_start3A_269, %dma_start3A_270] : memref<8x5120xf32, #tpu.memory_space<vmem>> -> memref<8x1280xf32, #tpu.memory_space<vmem>>
    %dma_start3A_272 = arith.constant 160 : i32
    %dma_start3A_273 = tpu.memref_slice %arg13[%dma_start3A_272] : memref<512xi32, #tpu.memory_space<vmem>> -> memref<8xi32, #tpu.memory_space<vmem>>
    %dma_start3A_274 = arith.constant 0 : i32
    %dma_start3A_275 = arith.constant 0 : i32
    %dma_start3A_276 = tpu.memref_slice %arg3[%dma_start3A_274, %dma_start3A_275] : memref<12288x1280xf32, #tpu.memory_space<hbm>> -> memref<12288x1280xf32, #tpu.memory_space<hbm>>
    tpu.enqueue_indirect_dma source(%dma_start3A_276 : memref<12288x1280xf32, #tpu.memory_space<hbm>>) target(%dma_start3A_271 : memref<8x1280xf32, #tpu.memory_space<vmem>>) offsets(%dma_start3A_273 : memref<8xi32, #tpu.memory_space<vmem>>) semaphore(%arg14 : memref<!tpu.dma_semaphore, #tpu.memory_space<semaphore_mem>>)
    %dma_start3A_277 = arith.constant 0 : i32
    %dma_start3A_278 = arith.constant 2560 : i32
    %dma_start3A_279 = tpu.memref_slice %arg11[%dma_start3A_277, %dma_start3A_278] : memref<8x5120xf32, #tpu.memory_space<vmem>> -> memref<8x1280xf32, #tpu.memory_space<vmem>>
    %dma_start3A_280 = arith.constant 288 : i32
    %dma_start3A_281 = tpu.memref_slice %arg13[%dma_start3A_280] : memref<512xi32, #tpu.memory_space<vmem>> -> memref<8xi32, #tpu.memory_space<vmem>>
    %dma_start3A_282 = arith.constant 0 : i32
    %dma_start3A_283 = arith.constant 0 : i32
    %dma_start3A_284 = tpu.memref_slice %arg3[%dma_start3A_282, %dma_start3A_283] : memref<12288x1280xf32, #tpu.memory_space<hbm>> -> memref<12288x1280xf32, #tpu.memory_space<hbm>>
    tpu.enqueue_indirect_dma source(%dma_start3A_284 : memref<12288x1280xf32, #tpu.memory_space<hbm>>) target(%dma_start3A_279 : memref<8x1280xf32, #tpu.memory_space<vmem>>) offsets(%dma_start3A_281 : memref<8xi32, #tpu.memory_space<vmem>>) semaphore(%arg14 : memref<!tpu.dma_semaphore, #tpu.memory_space<semaphore_mem>>)
    %dma_start3A_285 = arith.constant 0 : i32
    %dma_start3A_286 = arith.constant 3840 : i32
    %dma_start3A_287 = tpu.memref_slice %arg11[%dma_start3A_285, %dma_start3A_286] : memref<8x5120xf32, #tpu.memory_space<vmem>> -> memref<8x1280xf32, #tpu.memory_space<vmem>>
    %dma_start3A_288 = arith.constant 416 : i32
    %dma_start3A_289 = tpu.memref_slice %arg13[%dma_start3A_288] : memref<512xi32, #tpu.memory_space<vmem>> -> memref<8xi32, #tpu.memory_space<vmem>>
    %dma_start3A_290 = arith.constant 0 : i32
    %dma_start3A_291 = arith.constant 0 : i32
    %dma_start3A_292 = tpu.memref_slice %arg3[%dma_start3A_290, %dma_start3A_291] : memref<12288x1280xf32, #tpu.memory_space<hbm>> -> memref<12288x1280xf32, #tpu.memory_space<hbm>>
    tpu.enqueue_indirect_dma source(%dma_start3A_292 : memref<12288x1280xf32, #tpu.memory_space<hbm>>) target(%dma_start3A_287 : memref<8x1280xf32, #tpu.memory_space<vmem>>) offsets(%dma_start3A_289 : memref<8xi32, #tpu.memory_space<vmem>>) semaphore(%arg14 : memref<!tpu.dma_semaphore, #tpu.memory_space<semaphore_mem>>)
    %dma_wait3A_293 = arith.constant 0 : i32
    %dma_wait3A_294 = arith.constant 0 : i32
    %dma_wait3A_295 = tpu.memref_slice %arg12[%dma_wait3A_293, %dma_wait3A_294] : memref<8x5120xf32, #tpu.memory_space<vmem>> -> memref<8x1280xf32, #tpu.memory_space<vmem>>
    %dma_wait3A_296 = arith.constant 24 : i32
    %dma_wait3A_297 = tpu.memref_slice %arg13[%dma_wait3A_296] : memref<512xi32, #tpu.memory_space<vmem>> -> memref<8xi32, #tpu.memory_space<vmem>>
    %dma_wait3A_298 = arith.constant 0 : i32
    %dma_wait3A_299 = arith.constant 0 : i32
    %dma_wait3A_300 = tpu.memref_slice %arg3[%dma_wait3A_298, %dma_wait3A_299] : memref<12288x1280xf32, #tpu.memory_space<hbm>> -> memref<12288x1280xf32, #tpu.memory_space<hbm>>
    tpu.wait_indirect_dma semaphore(%arg15 : memref<!tpu.dma_semaphore, #tpu.memory_space<semaphore_mem>>) src(%dma_wait3A_300 : memref<12288x1280xf32, #tpu.memory_space<hbm>>) dst(%dma_wait3A_295 : memref<8x1280xf32, #tpu.memory_space<vmem>>)
    %dma_wait3A_301 = arith.constant 0 : i32
    %dma_wait3A_302 = arith.constant 1280 : i32
    %dma_wait3A_303 = tpu.memref_slice %arg12[%dma_wait3A_301, %dma_wait3A_302] : memref<8x5120xf32, #tpu.memory_space<vmem>> -> memref<8x1280xf32, #tpu.memory_space<vmem>>
    %dma_wait3A_304 = arith.constant 152 : i32
    %dma_wait3A_305 = tpu.memref_slice %arg13[%dma_wait3A_304] : memref<512xi32, #tpu.memory_space<vmem>> -> memref<8xi32, #tpu.memory_space<vmem>>
    %dma_wait3A_306 = arith.constant 0 : i32
    %dma_wait3A_307 = arith.constant 0 : i32
    %dma_wait3A_308 = tpu.memref_slice %arg3[%dma_wait3A_306, %dma_wait3A_307] : memref<12288x1280xf32, #tpu.memory_space<hbm>> -> memref<12288x1280xf32, #tpu.memory_space<hbm>>
    tpu.wait_indirect_dma semaphore(%arg15 : memref<!tpu.dma_semaphore, #tpu.memory_space<semaphore_mem>>) src(%dma_wait3A_308 : memref<12288x1280xf32, #tpu.memory_space<hbm>>) dst(%dma_wait3A_303 : memref<8x1280xf32, #tpu.memory_space<vmem>>)
    %dma_wait3A_309 = arith.constant 0 : i32
    %dma_wait3A_310 = arith.constant 2560 : i32
    %dma_wait3A_311 = tpu.memref_slice %arg12[%dma_wait3A_309, %dma_wait3A_310] : memref<8x5120xf32, #tpu.memory_space<vmem>> -> memref<8x1280xf32, #tpu.memory_space<vmem>>
    %dma_wait3A_312 = arith.constant 280 : i32
    %dma_wait3A_313 = tpu.memref_slice %arg13[%dma_wait3A_312] : memref<512xi32, #tpu.memory_space<vmem>> -> memref<8xi32, #tpu.memory_space<vmem>>
    %dma_wait3A_314 = arith.constant 0 : i32
    %dma_wait3A_315 = arith.constant 0 : i32
    %dma_wait3A_316 = tpu.memref_slice %arg3[%dma_wait3A_314, %dma_wait3A_315] : memref<12288x1280xf32, #tpu.memory_space<hbm>> -> memref<12288x1280xf32, #tpu.memory_space<hbm>>
    tpu.wait_indirect_dma semaphore(%arg15 : memref<!tpu.dma_semaphore, #tpu.memory_space<semaphore_mem>>) src(%dma_wait3A_316 : memref<12288x1280xf32, #tpu.memory_space<hbm>>) dst(%dma_wait3A_311 : memref<8x1280xf32, #tpu.memory_space<vmem>>)
    %dma_wait3A_317 = arith.constant 0 : i32
    %dma_wait3A_318 = arith.constant 3840 : i32
    %dma_wait3A_319 = tpu.memref_slice %arg12[%dma_wait3A_317, %dma_wait3A_318] : memref<8x5120xf32, #tpu.memory_space<vmem>> -> memref<8x1280xf32, #tpu.memory_space<vmem>>
    %dma_wait3A_320 = arith.constant 408 : i32
    %dma_wait3A_321 = tpu.memref_slice %arg13[%dma_wait3A_320] : memref<512xi32, #tpu.memory_space<vmem>> -> memref<8xi32, #tpu.memory_space<vmem>>
    %dma_wait3A_322 = arith.constant 0 : i32
    %dma_wait3A_323 = arith.constant 0 : i32
    %dma_wait3A_324 = tpu.memref_slice %arg3[%dma_wait3A_322, %dma_wait3A_323] : memref<12288x1280xf32, #tpu.memory_space<hbm>> -> memref<12288x1280xf32, #tpu.memory_space<hbm>>
    tpu.wait_indirect_dma semaphore(%arg15 : memref<!tpu.dma_semaphore, #tpu.memory_space<semaphore_mem>>) src(%dma_wait3A_324 : memref<12288x1280xf32, #tpu.memory_space<hbm>>) dst(%dma_wait3A_319 : memref<8x1280xf32, #tpu.memory_space<vmem>>)
    %mul3A_325 = arith.constant 96 : i32
    %mul3A_326 = arith.muli %add3A, %mul3A_325 : i32
    %add3A_327 = arith.constant 24 : i32
    %add3A_328 = arith.addi %mul3A_326, %add3A_327 : i32
    %dma_start3A_329 = arith.constant 0 : i32
    %dma_start3A_330 = tpu.memref_slice %arg7[%add3A_328, %dma_start3A_329] : memref<3072x5120xf32, #tpu.memory_space<hbm>> -> memref<8x5120xf32, #tpu.memory_space<hbm>>
    %dma_start3A_331 = arith.constant 0 : i32
    %dma_start3A_332 = tpu.memref_slice %arg7[%add3A_328, %dma_start3A_331] : memref<3072x5120xf32, #tpu.memory_space<hbm>> -> memref<8x5120xf32, #tpu.memory_space<hbm>>
    tpu.enqueue_dma source(%arg12 : memref<8x5120xf32, #tpu.memory_space<vmem>>) target(%dma_start3A_332 : memref<8x5120xf32, #tpu.memory_space<hbm>>) target_semaphore(%arg17 : memref<!tpu.dma_semaphore, #tpu.memory_space<semaphore_mem>>)
    %dma_wait3A_333 = arith.constant 0 : i32
    %dma_wait3A_334 = tpu.memref_slice %arg7[%add3A_328, %dma_wait3A_333] : memref<3072x5120xf32, #tpu.memory_space<hbm>> -> memref<8x5120xf32, #tpu.memory_space<hbm>>
    %dma_wait3A_335 = arith.constant 0 : i32
    %dma_wait3A_336 = tpu.memref_slice %arg7[%add3A_328, %dma_wait3A_335] : memref<3072x5120xf32, #tpu.memory_space<hbm>> -> memref<8x5120xf32, #tpu.memory_space<hbm>>
    tpu.wait_dma2 semaphore(%arg17 : memref<!tpu.dma_semaphore, #tpu.memory_space<semaphore_mem>>) src(%arg12 : memref<8x5120xf32, #tpu.memory_space<vmem>>) dst(%dma_wait3A_336 : memref<8x5120xf32, #tpu.memory_space<hbm>>)
    %dma_start3A_337 = arith.constant 0 : i32
    %dma_start3A_338 = arith.constant 0 : i32
    %dma_start3A_339 = tpu.memref_slice %arg12[%dma_start3A_337, %dma_start3A_338] : memref<8x5120xf32, #tpu.memory_space<vmem>> -> memref<8x1280xf32, #tpu.memory_space<vmem>>
    %dma_start3A_340 = arith.constant 40 : i32
    %dma_start3A_341 = tpu.memref_slice %arg13[%dma_start3A_340] : memref<512xi32, #tpu.memory_space<vmem>> -> memref<8xi32, #tpu.memory_space<vmem>>
    %dma_start3A_342 = arith.constant 0 : i32
    %dma_start3A_343 = arith.constant 0 : i32
    %dma_start3A_344 = tpu.memref_slice %arg3[%dma_start3A_342, %dma_start3A_343] : memref<12288x1280xf32, #tpu.memory_space<hbm>> -> memref<12288x1280xf32, #tpu.memory_space<hbm>>
    tpu.enqueue_indirect_dma source(%dma_start3A_344 : memref<12288x1280xf32, #tpu.memory_space<hbm>>) target(%dma_start3A_339 : memref<8x1280xf32, #tpu.memory_space<vmem>>) offsets(%dma_start3A_341 : memref<8xi32, #tpu.memory_space<vmem>>) semaphore(%arg15 : memref<!tpu.dma_semaphore, #tpu.memory_space<semaphore_mem>>)
    %dma_start3A_345 = arith.constant 0 : i32
    %dma_start3A_346 = arith.constant 1280 : i32
    %dma_start3A_347 = tpu.memref_slice %arg12[%dma_start3A_345, %dma_start3A_346] : memref<8x5120xf32, #tpu.memory_space<vmem>> -> memref<8x1280xf32, #tpu.memory_space<vmem>>
    %dma_start3A_348 = arith.constant 168 : i32
    %dma_start3A_349 = tpu.memref_slice %arg13[%dma_start3A_348] : memref<512xi32, #tpu.memory_space<vmem>> -> memref<8xi32, #tpu.memory_space<vmem>>
    %dma_start3A_350 = arith.constant 0 : i32
    %dma_start3A_351 = arith.constant 0 : i32
    %dma_start3A_352 = tpu.memref_slice %arg3[%dma_start3A_350, %dma_start3A_351] : memref<12288x1280xf32, #tpu.memory_space<hbm>> -> memref<12288x1280xf32, #tpu.memory_space<hbm>>
    tpu.enqueue_indirect_dma source(%dma_start3A_352 : memref<12288x1280xf32, #tpu.memory_space<hbm>>) target(%dma_start3A_347 : memref<8x1280xf32, #tpu.memory_space<vmem>>) offsets(%dma_start3A_349 : memref<8xi32, #tpu.memory_space<vmem>>) semaphore(%arg15 : memref<!tpu.dma_semaphore, #tpu.memory_space<semaphore_mem>>)
    %dma_start3A_353 = arith.constant 0 : i32
    %dma_start3A_354 = arith.constant 2560 : i32
    %dma_start3A_355 = tpu.memref_slice %arg12[%dma_start3A_353, %dma_start3A_354] : memref<8x5120xf32, #tpu.memory_space<vmem>> -> memref<8x1280xf32, #tpu.memory_space<vmem>>
    %dma_start3A_356 = arith.constant 296 : i32
    %dma_start3A_357 = tpu.memref_slice %arg13[%dma_start3A_356] : memref<512xi32, #tpu.memory_space<vmem>> -> memref<8xi32, #tpu.memory_space<vmem>>
    %dma_start3A_358 = arith.constant 0 : i32
    %dma_start3A_359 = arith.constant 0 : i32
    %dma_start3A_360 = tpu.memref_slice %arg3[%dma_start3A_358, %dma_start3A_359] : memref<12288x1280xf32, #tpu.memory_space<hbm>> -> memref<12288x1280xf32, #tpu.memory_space<hbm>>
    tpu.enqueue_indirect_dma source(%dma_start3A_360 : memref<12288x1280xf32, #tpu.memory_space<hbm>>) target(%dma_start3A_355 : memref<8x1280xf32, #tpu.memory_space<vmem>>) offsets(%dma_start3A_357 : memref<8xi32, #tpu.memory_space<vmem>>) semaphore(%arg15 : memref<!tpu.dma_semaphore, #tpu.memory_space<semaphore_mem>>)
    %dma_start3A_361 = arith.constant 0 : i32
    %dma_start3A_362 = arith.constant 3840 : i32
    %dma_start3A_363 = tpu.memref_slice %arg12[%dma_start3A_361, %dma_start3A_362] : memref<8x5120xf32, #tpu.memory_space<vmem>> -> memref<8x1280xf32, #tpu.memory_space<vmem>>
    %dma_start3A_364 = arith.constant 424 : i32
    %dma_start3A_365 = tpu.memref_slice %arg13[%dma_start3A_364] : memref<512xi32, #tpu.memory_space<vmem>> -> memref<8xi32, #tpu.memory_space<vmem>>
    %dma_start3A_366 = arith.constant 0 : i32
    %dma_start3A_367 = arith.constant 0 : i32
    %dma_start3A_368 = tpu.memref_slice %arg3[%dma_start3A_366, %dma_start3A_367] : memref<12288x1280xf32, #tpu.memory_space<hbm>> -> memref<12288x1280xf32, #tpu.memory_space<hbm>>
    tpu.enqueue_indirect_dma source(%dma_start3A_368 : memref<12288x1280xf32, #tpu.memory_space<hbm>>) target(%dma_start3A_363 : memref<8x1280xf32, #tpu.memory_space<vmem>>) offsets(%dma_start3A_365 : memref<8xi32, #tpu.memory_space<vmem>>) semaphore(%arg15 : memref<!tpu.dma_semaphore, #tpu.memory_space<semaphore_mem>>)
    %dma_wait3A_369 = arith.constant 0 : i32
    %dma_wait3A_370 = arith.constant 0 : i32
    %dma_wait3A_371 = tpu.memref_slice %arg11[%dma_wait3A_369, %dma_wait3A_370] : memref<8x5120xf32, #tpu.memory_space<vmem>> -> memref<8x1280xf32, #tpu.memory_space<vmem>>
    %dma_wait3A_372 = arith.constant 32 : i32
    %dma_wait3A_373 = tpu.memref_slice %arg13[%dma_wait3A_372] : memref<512xi32, #tpu.memory_space<vmem>> -> memref<8xi32, #tpu.memory_space<vmem>>
    %dma_wait3A_374 = arith.constant 0 : i32
    %dma_wait3A_375 = arith.constant 0 : i32
    %dma_wait3A_376 = tpu.memref_slice %arg3[%dma_wait3A_374, %dma_wait3A_375] : memref<12288x1280xf32, #tpu.memory_space<hbm>> -> memref<12288x1280xf32, #tpu.memory_space<hbm>>
    tpu.wait_indirect_dma semaphore(%arg14 : memref<!tpu.dma_semaphore, #tpu.memory_space<semaphore_mem>>) src(%dma_wait3A_376 : memref<12288x1280xf32, #tpu.memory_space<hbm>>) dst(%dma_wait3A_371 : memref<8x1280xf32, #tpu.memory_space<vmem>>)
    %dma_wait3A_377 = arith.constant 0 : i32
    %dma_wait3A_378 = arith.constant 1280 : i32
    %dma_wait3A_379 = tpu.memref_slice %arg11[%dma_wait3A_377, %dma_wait3A_378] : memref<8x5120xf32, #tpu.memory_space<vmem>> -> memref<8x1280xf32, #tpu.memory_space<vmem>>
    %dma_wait3A_380 = arith.constant 160 : i32
    %dma_wait3A_381 = tpu.memref_slice %arg13[%dma_wait3A_380] : memref<512xi32, #tpu.memory_space<vmem>> -> memref<8xi32, #tpu.memory_space<vmem>>
    %dma_wait3A_382 = arith.constant 0 : i32
    %dma_wait3A_383 = arith.constant 0 : i32
    %dma_wait3A_384 = tpu.memref_slice %arg3[%dma_wait3A_382, %dma_wait3A_383] : memref<12288x1280xf32, #tpu.memory_space<hbm>> -> memref<12288x1280xf32, #tpu.memory_space<hbm>>
    tpu.wait_indirect_dma semaphore(%arg14 : memref<!tpu.dma_semaphore, #tpu.memory_space<semaphore_mem>>) src(%dma_wait3A_384 : memref<12288x1280xf32, #tpu.memory_space<hbm>>) dst(%dma_wait3A_379 : memref<8x1280xf32, #tpu.memory_space<vmem>>)
    %dma_wait3A_385 = arith.constant 0 : i32
    %dma_wait3A_386 = arith.constant 2560 : i32
    %dma_wait3A_387 = tpu.memref_slice %arg11[%dma_wait3A_385, %dma_wait3A_386] : memref<8x5120xf32, #tpu.memory_space<vmem>> -> memref<8x1280xf32, #tpu.memory_space<vmem>>
    %dma_wait3A_388 = arith.constant 288 : i32
    %dma_wait3A_389 = tpu.memref_slice %arg13[%dma_wait3A_388] : memref<512xi32, #tpu.memory_space<vmem>> -> memref<8xi32, #tpu.memory_space<vmem>>
    %dma_wait3A_390 = arith.constant 0 : i32
    %dma_wait3A_391 = arith.constant 0 : i32
    %dma_wait3A_392 = tpu.memref_slice %arg3[%dma_wait3A_390, %dma_wait3A_391] : memref<12288x1280xf32, #tpu.memory_space<hbm>> -> memref<12288x1280xf32, #tpu.memory_space<hbm>>
    tpu.wait_indirect_dma semaphore(%arg14 : memref<!tpu.dma_semaphore, #tpu.memory_space<semaphore_mem>>) src(%dma_wait3A_392 : memref<12288x1280xf32, #tpu.memory_space<hbm>>) dst(%dma_wait3A_387 : memref<8x1280xf32, #tpu.memory_space<vmem>>)
    %dma_wait3A_393 = arith.constant 0 : i32
    %dma_wait3A_394 = arith.constant 3840 : i32
    %dma_wait3A_395 = tpu.memref_slice %arg11[%dma_wait3A_393, %dma_wait3A_394] : memref<8x5120xf32, #tpu.memory_space<vmem>> -> memref<8x1280xf32, #tpu.memory_space<vmem>>
    %dma_wait3A_396 = arith.constant 416 : i32
    %dma_wait3A_397 = tpu.memref_slice %arg13[%dma_wait3A_396] : memref<512xi32, #tpu.memory_space<vmem>> -> memref<8xi32, #tpu.memory_space<vmem>>
    %dma_wait3A_398 = arith.constant 0 : i32
    %dma_wait3A_399 = arith.constant 0 : i32
    %dma_wait3A_400 = tpu.memref_slice %arg3[%dma_wait3A_398, %dma_wait3A_399] : memref<12288x1280xf32, #tpu.memory_space<hbm>> -> memref<12288x1280xf32, #tpu.memory_space<hbm>>
    tpu.wait_indirect_dma semaphore(%arg14 : memref<!tpu.dma_semaphore, #tpu.memory_space<semaphore_mem>>) src(%dma_wait3A_400 : memref<12288x1280xf32, #tpu.memory_space<hbm>>) dst(%dma_wait3A_395 : memref<8x1280xf32, #tpu.memory_space<vmem>>)
    %mul3A_401 = arith.constant 96 : i32
    %mul3A_402 = arith.muli %add3A, %mul3A_401 : i32
    %add3A_403 = arith.constant 32 : i32
    %add3A_404 = arith.addi %mul3A_402, %add3A_403 : i32
    %dma_start3A_405 = arith.constant 0 : i32
    %dma_start3A_406 = tpu.memref_slice %arg7[%add3A_404, %dma_start3A_405] : memref<3072x5120xf32, #tpu.memory_space<hbm>> -> memref<8x5120xf32, #tpu.memory_space<hbm>>
    %dma_start3A_407 = arith.constant 0 : i32
    %dma_start3A_408 = tpu.memref_slice %arg7[%add3A_404, %dma_start3A_407] : memref<3072x5120xf32, #tpu.memory_space<hbm>> -> memref<8x5120xf32, #tpu.memory_space<hbm>>
    tpu.enqueue_dma source(%arg11 : memref<8x5120xf32, #tpu.memory_space<vmem>>) target(%dma_start3A_408 : memref<8x5120xf32, #tpu.memory_space<hbm>>) target_semaphore(%arg16 : memref<!tpu.dma_semaphore, #tpu.memory_space<semaphore_mem>>)
    %dma_wait3A_409 = arith.constant 0 : i32
    %dma_wait3A_410 = tpu.memref_slice %arg7[%add3A_404, %dma_wait3A_409] : memref<3072x5120xf32, #tpu.memory_space<hbm>> -> memref<8x5120xf32, #tpu.memory_space<hbm>>
    %dma_wait3A_411 = arith.constant 0 : i32
    %dma_wait3A_412 = tpu.memref_slice %arg7[%add3A_404, %dma_wait3A_411] : memref<3072x5120xf32, #tpu.memory_space<hbm>> -> memref<8x5120xf32, #tpu.memory_space<hbm>>
    tpu.wait_dma2 semaphore(%arg16 : memref<!tpu.dma_semaphore, #tpu.memory_space<semaphore_mem>>) src(%arg11 : memref<8x5120xf32, #tpu.memory_space<vmem>>) dst(%dma_wait3A_412 : memref<8x5120xf32, #tpu.memory_space<hbm>>)
    %dma_start3A_413 = arith.constant 0 : i32
    %dma_start3A_414 = arith.constant 0 : i32
    %dma_start3A_415 = tpu.memref_slice %arg11[%dma_start3A_413, %dma_start3A_414] : memref<8x5120xf32, #tpu.memory_space<vmem>> -> memref<8x1280xf32, #tpu.memory_space<vmem>>
    %dma_start3A_416 = arith.constant 48 : i32
    %dma_start3A_417 = tpu.memref_slice %arg13[%dma_start3A_416] : memref<512xi32, #tpu.memory_space<vmem>> -> memref<8xi32, #tpu.memory_space<vmem>>
    %dma_start3A_418 = arith.constant 0 : i32
    %dma_start3A_419 = arith.constant 0 : i32
    %dma_start3A_420 = tpu.memref_slice %arg3[%dma_start3A_418, %dma_start3A_419] : memref<12288x1280xf32, #tpu.memory_space<hbm>> -> memref<12288x1280xf32, #tpu.memory_space<hbm>>
    tpu.enqueue_indirect_dma source(%dma_start3A_420 : memref<12288x1280xf32, #tpu.memory_space<hbm>>) target(%dma_start3A_415 : memref<8x1280xf32, #tpu.memory_space<vmem>>) offsets(%dma_start3A_417 : memref<8xi32, #tpu.memory_space<vmem>>) semaphore(%arg14 : memref<!tpu.dma_semaphore, #tpu.memory_space<semaphore_mem>>)
    %dma_start3A_421 = arith.constant 0 : i32
    %dma_start3A_422 = arith.constant 1280 : i32
    %dma_start3A_423 = tpu.memref_slice %arg11[%dma_start3A_421, %dma_start3A_422] : memref<8x5120xf32, #tpu.memory_space<vmem>> -> memref<8x1280xf32, #tpu.memory_space<vmem>>
    %dma_start3A_424 = arith.constant 176 : i32
    %dma_start3A_425 = tpu.memref_slice %arg13[%dma_start3A_424] : memref<512xi32, #tpu.memory_space<vmem>> -> memref<8xi32, #tpu.memory_space<vmem>>
    %dma_start3A_426 = arith.constant 0 : i32
    %dma_start3A_427 = arith.constant 0 : i32
    %dma_start3A_428 = tpu.memref_slice %arg3[%dma_start3A_426, %dma_start3A_427] : memref<12288x1280xf32, #tpu.memory_space<hbm>> -> memref<12288x1280xf32, #tpu.memory_space<hbm>>
    tpu.enqueue_indirect_dma source(%dma_start3A_428 : memref<12288x1280xf32, #tpu.memory_space<hbm>>) target(%dma_start3A_423 : memref<8x1280xf32, #tpu.memory_space<vmem>>) offsets(%dma_start3A_425 : memref<8xi32, #tpu.memory_space<vmem>>) semaphore(%arg14 : memref<!tpu.dma_semaphore, #tpu.memory_space<semaphore_mem>>)
    %dma_start3A_429 = arith.constant 0 : i32
    %dma_start3A_430 = arith.constant 2560 : i32
    %dma_start3A_431 = tpu.memref_slice %arg11[%dma_start3A_429, %dma_start3A_430] : memref<8x5120xf32, #tpu.memory_space<vmem>> -> memref<8x1280xf32, #tpu.memory_space<vmem>>
    %dma_start3A_432 = arith.constant 304 : i32
    %dma_start3A_433 = tpu.memref_slice %arg13[%dma_start3A_432] : memref<512xi32, #tpu.memory_space<vmem>> -> memref<8xi32, #tpu.memory_space<vmem>>
    %dma_start3A_434 = arith.constant 0 : i32
    %dma_start3A_435 = arith.constant 0 : i32
    %dma_start3A_436 = tpu.memref_slice %arg3[%dma_start3A_434, %dma_start3A_435] : memref<12288x1280xf32, #tpu.memory_space<hbm>> -> memref<12288x1280xf32, #tpu.memory_space<hbm>>
    tpu.enqueue_indirect_dma source(%dma_start3A_436 : memref<12288x1280xf32, #tpu.memory_space<hbm>>) target(%dma_start3A_431 : memref<8x1280xf32, #tpu.memory_space<vmem>>) offsets(%dma_start3A_433 : memref<8xi32, #tpu.memory_space<vmem>>) semaphore(%arg14 : memref<!tpu.dma_semaphore, #tpu.memory_space<semaphore_mem>>)
    %dma_start3A_437 = arith.constant 0 : i32
    %dma_start3A_438 = arith.constant 3840 : i32
    %dma_start3A_439 = tpu.memref_slice %arg11[%dma_start3A_437, %dma_start3A_438] : memref<8x5120xf32, #tpu.memory_space<vmem>> -> memref<8x1280xf32, #tpu.memory_space<vmem>>
    %dma_start3A_440 = arith.constant 432 : i32
    %dma_start3A_441 = tpu.memref_slice %arg13[%dma_start3A_440] : memref<512xi32, #tpu.memory_space<vmem>> -> memref<8xi32, #tpu.memory_space<vmem>>
    %dma_start3A_442 = arith.constant 0 : i32
    %dma_start3A_443 = arith.constant 0 : i32
    %dma_start3A_444 = tpu.memref_slice %arg3[%dma_start3A_442, %dma_start3A_443] : memref<12288x1280xf32, #tpu.memory_space<hbm>> -> memref<12288x1280xf32, #tpu.memory_space<hbm>>
    tpu.enqueue_indirect_dma source(%dma_start3A_444 : memref<12288x1280xf32, #tpu.memory_space<hbm>>) target(%dma_start3A_439 : memref<8x1280xf32, #tpu.memory_space<vmem>>) offsets(%dma_start3A_441 : memref<8xi32, #tpu.memory_space<vmem>>) semaphore(%arg14 : memref<!tpu.dma_semaphore, #tpu.memory_space<semaphore_mem>>)
    %dma_wait3A_445 = arith.constant 0 : i32
    %dma_wait3A_446 = arith.constant 0 : i32
    %dma_wait3A_447 = tpu.memref_slice %arg12[%dma_wait3A_445, %dma_wait3A_446] : memref<8x5120xf32, #tpu.memory_space<vmem>> -> memref<8x1280xf32, #tpu.memory_space<vmem>>
    %dma_wait3A_448 = arith.constant 40 : i32
    %dma_wait3A_449 = tpu.memref_slice %arg13[%dma_wait3A_448] : memref<512xi32, #tpu.memory_space<vmem>> -> memref<8xi32, #tpu.memory_space<vmem>>
    %dma_wait3A_450 = arith.constant 0 : i32
    %dma_wait3A_451 = arith.constant 0 : i32
    %dma_wait3A_452 = tpu.memref_slice %arg3[%dma_wait3A_450, %dma_wait3A_451] : memref<12288x1280xf32, #tpu.memory_space<hbm>> -> memref<12288x1280xf32, #tpu.memory_space<hbm>>
    tpu.wait_indirect_dma semaphore(%arg15 : memref<!tpu.dma_semaphore, #tpu.memory_space<semaphore_mem>>) src(%dma_wait3A_452 : memref<12288x1280xf32, #tpu.memory_space<hbm>>) dst(%dma_wait3A_447 : memref<8x1280xf32, #tpu.memory_space<vmem>>)
    %dma_wait3A_453 = arith.constant 0 : i32
    %dma_wait3A_454 = arith.constant 1280 : i32
    %dma_wait3A_455 = tpu.memref_slice %arg12[%dma_wait3A_453, %dma_wait3A_454] : memref<8x5120xf32, #tpu.memory_space<vmem>> -> memref<8x1280xf32, #tpu.memory_space<vmem>>
    %dma_wait3A_456 = arith.constant 168 : i32
    %dma_wait3A_457 = tpu.memref_slice %arg13[%dma_wait3A_456] : memref<512xi32, #tpu.memory_space<vmem>> -> memref<8xi32, #tpu.memory_space<vmem>>
    %dma_wait3A_458 = arith.constant 0 : i32
    %dma_wait3A_459 = arith.constant 0 : i32
    %dma_wait3A_460 = tpu.memref_slice %arg3[%dma_wait3A_458, %dma_wait3A_459] : memref<12288x1280xf32, #tpu.memory_space<hbm>> -> memref<12288x1280xf32, #tpu.memory_space<hbm>>
    tpu.wait_indirect_dma semaphore(%arg15 : memref<!tpu.dma_semaphore, #tpu.memory_space<semaphore_mem>>) src(%dma_wait3A_460 : memref<12288x1280xf32, #tpu.memory_space<hbm>>) dst(%dma_wait3A_455 : memref<8x1280xf32, #tpu.memory_space<vmem>>)
    %dma_wait3A_461 = arith.constant 0 : i32
    %dma_wait3A_462 = arith.constant 2560 : i32
    %dma_wait3A_463 = tpu.memref_slice %arg12[%dma_wait3A_461, %dma_wait3A_462] : memref<8x5120xf32, #tpu.memory_space<vmem>> -> memref<8x1280xf32, #tpu.memory_space<vmem>>
    %dma_wait3A_464 = arith.constant 296 : i32
    %dma_wait3A_465 = tpu.memref_slice %arg13[%dma_wait3A_464] : memref<512xi32, #tpu.memory_space<vmem>> -> memref<8xi32, #tpu.memory_space<vmem>>
    %dma_wait3A_466 = arith.constant 0 : i32
    %dma_wait3A_467 = arith.constant 0 : i32
    %dma_wait3A_468 = tpu.memref_slice %arg3[%dma_wait3A_466, %dma_wait3A_467] : memref<12288x1280xf32, #tpu.memory_space<hbm>> -> memref<12288x1280xf32, #tpu.memory_space<hbm>>
    tpu.wait_indirect_dma semaphore(%arg15 : memref<!tpu.dma_semaphore, #tpu.memory_space<semaphore_mem>>) src(%dma_wait3A_468 : memref<12288x1280xf32, #tpu.memory_space<hbm>>) dst(%dma_wait3A_463 : memref<8x1280xf32, #tpu.memory_space<vmem>>)
    %dma_wait3A_469 = arith.constant 0 : i32
    %dma_wait3A_470 = arith.constant 3840 : i32
    %dma_wait3A_471 = tpu.memref_slice %arg12[%dma_wait3A_469, %dma_wait3A_470] : memref<8x5120xf32, #tpu.memory_space<vmem>> -> memref<8x1280xf32, #tpu.memory_space<vmem>>
    %dma_wait3A_472 = arith.constant 424 : i32
    %dma_wait3A_473 = tpu.memref_slice %arg13[%dma_wait3A_472] : memref<512xi32, #tpu.memory_space<vmem>> -> memref<8xi32, #tpu.memory_space<vmem>>
    %dma_wait3A_474 = arith.constant 0 : i32
    %dma_wait3A_475 = arith.constant 0 : i32
    %dma_wait3A_476 = tpu.memref_slice %arg3[%dma_wait3A_474, %dma_wait3A_475] : memref<12288x1280xf32, #tpu.memory_space<hbm>> -> memref<12288x1280xf32, #tpu.memory_space<hbm>>
    tpu.wait_indirect_dma semaphore(%arg15 : memref<!tpu.dma_semaphore, #tpu.memory_space<semaphore_mem>>) src(%dma_wait3A_476 : memref<12288x1280xf32, #tpu.memory_space<hbm>>) dst(%dma_wait3A_471 : memref<8x1280xf32, #tpu.memory_space<vmem>>)
    %mul3A_477 = arith.constant 96 : i32
    %mul3A_478 = arith.muli %add3A, %mul3A_477 : i32
    %add3A_479 = arith.constant 40 : i32
    %add3A_480 = arith.addi %mul3A_478, %add3A_479 : i32
    %dma_start3A_481 = arith.constant 0 : i32
    %dma_start3A_482 = tpu.memref_slice %arg7[%add3A_480, %dma_start3A_481] : memref<3072x5120xf32, #tpu.memory_space<hbm>> -> memref<8x5120xf32, #tpu.memory_space<hbm>>
    %dma_start3A_483 = arith.constant 0 : i32
    %dma_start3A_484 = tpu.memref_slice %arg7[%add3A_480, %dma_start3A_483] : memref<3072x5120xf32, #tpu.memory_space<hbm>> -> memref<8x5120xf32, #tpu.memory_space<hbm>>
    tpu.enqueue_dma source(%arg12 : memref<8x5120xf32, #tpu.memory_space<vmem>>) target(%dma_start3A_484 : memref<8x5120xf32, #tpu.memory_space<hbm>>) target_semaphore(%arg17 : memref<!tpu.dma_semaphore, #tpu.memory_space<semaphore_mem>>)
    %dma_wait3A_485 = arith.constant 0 : i32
    %dma_wait3A_486 = tpu.memref_slice %arg7[%add3A_480, %dma_wait3A_485] : memref<3072x5120xf32, #tpu.memory_space<hbm>> -> memref<8x5120xf32, #tpu.memory_space<hbm>>
    %dma_wait3A_487 = arith.constant 0 : i32
    %dma_wait3A_488 = tpu.memref_slice %arg7[%add3A_480, %dma_wait3A_487] : memref<3072x5120xf32, #tpu.memory_space<hbm>> -> memref<8x5120xf32, #tpu.memory_space<hbm>>
    tpu.wait_dma2 semaphore(%arg17 : memref<!tpu.dma_semaphore, #tpu.memory_space<semaphore_mem>>) src(%arg12 : memref<8x5120xf32, #tpu.memory_space<vmem>>) dst(%dma_wait3A_488 : memref<8x5120xf32, #tpu.memory_space<hbm>>)
    %dma_start3A_489 = arith.constant 0 : i32
    %dma_start3A_490 = arith.constant 0 : i32
    %dma_start3A_491 = tpu.memref_slice %arg12[%dma_start3A_489, %dma_start3A_490] : memref<8x5120xf32, #tpu.memory_space<vmem>> -> memref<8x1280xf32, #tpu.memory_space<vmem>>
    %dma_start3A_492 = arith.constant 56 : i32
    %dma_start3A_493 = tpu.memref_slice %arg13[%dma_start3A_492] : memref<512xi32, #tpu.memory_space<vmem>> -> memref<8xi32, #tpu.memory_space<vmem>>
    %dma_start3A_494 = arith.constant 0 : i32
    %dma_start3A_495 = arith.constant 0 : i32
    %dma_start3A_496 = tpu.memref_slice %arg3[%dma_start3A_494, %dma_start3A_495] : memref<12288x1280xf32, #tpu.memory_space<hbm>> -> memref<12288x1280xf32, #tpu.memory_space<hbm>>
    tpu.enqueue_indirect_dma source(%dma_start3A_496 : memref<12288x1280xf32, #tpu.memory_space<hbm>>) target(%dma_start3A_491 : memref<8x1280xf32, #tpu.memory_space<vmem>>) offsets(%dma_start3A_493 : memref<8xi32, #tpu.memory_space<vmem>>) semaphore(%arg15 : memref<!tpu.dma_semaphore, #tpu.memory_space<semaphore_mem>>)
    %dma_start3A_497 = arith.constant 0 : i32
    %dma_start3A_498 = arith.constant 1280 : i32
    %dma_start3A_499 = tpu.memref_slice %arg12[%dma_start3A_497, %dma_start3A_498] : memref<8x5120xf32, #tpu.memory_space<vmem>> -> memref<8x1280xf32, #tpu.memory_space<vmem>>
    %dma_start3A_500 = arith.constant 184 : i32
    %dma_start3A_501 = tpu.memref_slice %arg13[%dma_start3A_500] : memref<512xi32, #tpu.memory_space<vmem>> -> memref<8xi32, #tpu.memory_space<vmem>>
    %dma_start3A_502 = arith.constant 0 : i32
    %dma_start3A_503 = arith.constant 0 : i32
    %dma_start3A_504 = tpu.memref_slice %arg3[%dma_start3A_502, %dma_start3A_503] : memref<12288x1280xf32, #tpu.memory_space<hbm>> -> memref<12288x1280xf32, #tpu.memory_space<hbm>>
    tpu.enqueue_indirect_dma source(%dma_start3A_504 : memref<12288x1280xf32, #tpu.memory_space<hbm>>) target(%dma_start3A_499 : memref<8x1280xf32, #tpu.memory_space<vmem>>) offsets(%dma_start3A_501 : memref<8xi32, #tpu.memory_space<vmem>>) semaphore(%arg15 : memref<!tpu.dma_semaphore, #tpu.memory_space<semaphore_mem>>)
    %dma_start3A_505 = arith.constant 0 : i32
    %dma_start3A_506 = arith.constant 2560 : i32
    %dma_start3A_507 = tpu.memref_slice %arg12[%dma_start3A_505, %dma_start3A_506] : memref<8x5120xf32, #tpu.memory_space<vmem>> -> memref<8x1280xf32, #tpu.memory_space<vmem>>
    %dma_start3A_508 = arith.constant 312 : i32
    %dma_start3A_509 = tpu.memref_slice %arg13[%dma_start3A_508] : memref<512xi32, #tpu.memory_space<vmem>> -> memref<8xi32, #tpu.memory_space<vmem>>
    %dma_start3A_510 = arith.constant 0 : i32
    %dma_start3A_511 = arith.constant 0 : i32
    %dma_start3A_512 = tpu.memref_slice %arg3[%dma_start3A_510, %dma_start3A_511] : memref<12288x1280xf32, #tpu.memory_space<hbm>> -> memref<12288x1280xf32, #tpu.memory_space<hbm>>
    tpu.enqueue_indirect_dma source(%dma_start3A_512 : memref<12288x1280xf32, #tpu.memory_space<hbm>>) target(%dma_start3A_507 : memref<8x1280xf32, #tpu.memory_space<vmem>>) offsets(%dma_start3A_509 : memref<8xi32, #tpu.memory_space<vmem>>) semaphore(%arg15 : memref<!tpu.dma_semaphore, #tpu.memory_space<semaphore_mem>>)
    %dma_start3A_513 = arith.constant 0 : i32
    %dma_start3A_514 = arith.constant 3840 : i32
    %dma_start3A_515 = tpu.memref_slice %arg12[%dma_start3A_513, %dma_start3A_514] : memref<8x5120xf32, #tpu.memory_space<vmem>> -> memref<8x1280xf32, #tpu.memory_space<vmem>>
    %dma_start3A_516 = arith.constant 440 : i32
    %dma_start3A_517 = tpu.memref_slice %arg13[%dma_start3A_516] : memref<512xi32, #tpu.memory_space<vmem>> -> memref<8xi32, #tpu.memory_space<vmem>>
    %dma_start3A_518 = arith.constant 0 : i32
    %dma_start3A_519 = arith.constant 0 : i32
    %dma_start3A_520 = tpu.memref_slice %arg3[%dma_start3A_518, %dma_start3A_519] : memref<12288x1280xf32, #tpu.memory_space<hbm>> -> memref<12288x1280xf32, #tpu.memory_space<hbm>>
    tpu.enqueue_indirect_dma source(%dma_start3A_520 : memref<12288x1280xf32, #tpu.memory_space<hbm>>) target(%dma_start3A_515 : memref<8x1280xf32, #tpu.memory_space<vmem>>) offsets(%dma_start3A_517 : memref<8xi32, #tpu.memory_space<vmem>>) semaphore(%arg15 : memref<!tpu.dma_semaphore, #tpu.memory_space<semaphore_mem>>)
    %dma_wait3A_521 = arith.constant 0 : i32
    %dma_wait3A_522 = arith.constant 0 : i32
    %dma_wait3A_523 = tpu.memref_slice %arg11[%dma_wait3A_521, %dma_wait3A_522] : memref<8x5120xf32, #tpu.memory_space<vmem>> -> memref<8x1280xf32, #tpu.memory_space<vmem>>
    %dma_wait3A_524 = arith.constant 48 : i32
    %dma_wait3A_525 = tpu.memref_slice %arg13[%dma_wait3A_524] : memref<512xi32, #tpu.memory_space<vmem>> -> memref<8xi32, #tpu.memory_space<vmem>>
    %dma_wait3A_526 = arith.constant 0 : i32
    %dma_wait3A_527 = arith.constant 0 : i32
    %dma_wait3A_528 = tpu.memref_slice %arg3[%dma_wait3A_526, %dma_wait3A_527] : memref<12288x1280xf32, #tpu.memory_space<hbm>> -> memref<12288x1280xf32, #tpu.memory_space<hbm>>
    tpu.wait_indirect_dma semaphore(%arg14 : memref<!tpu.dma_semaphore, #tpu.memory_space<semaphore_mem>>) src(%dma_wait3A_528 : memref<12288x1280xf32, #tpu.memory_space<hbm>>) dst(%dma_wait3A_523 : memref<8x1280xf32, #tpu.memory_space<vmem>>)
    %dma_wait3A_529 = arith.constant 0 : i32
    %dma_wait3A_530 = arith.constant 1280 : i32
    %dma_wait3A_531 = tpu.memref_slice %arg11[%dma_wait3A_529, %dma_wait3A_530] : memref<8x5120xf32, #tpu.memory_space<vmem>> -> memref<8x1280xf32, #tpu.memory_space<vmem>>
    %dma_wait3A_532 = arith.constant 176 : i32
    %dma_wait3A_533 = tpu.memref_slice %arg13[%dma_wait3A_532] : memref<512xi32, #tpu.memory_space<vmem>> -> memref<8xi32, #tpu.memory_space<vmem>>
    %dma_wait3A_534 = arith.constant 0 : i32
    %dma_wait3A_535 = arith.constant 0 : i32
    %dma_wait3A_536 = tpu.memref_slice %arg3[%dma_wait3A_534, %dma_wait3A_535] : memref<12288x1280xf32, #tpu.memory_space<hbm>> -> memref<12288x1280xf32, #tpu.memory_space<hbm>>
    tpu.wait_indirect_dma semaphore(%arg14 : memref<!tpu.dma_semaphore, #tpu.memory_space<semaphore_mem>>) src(%dma_wait3A_536 : memref<12288x1280xf32, #tpu.memory_space<hbm>>) dst(%dma_wait3A_531 : memref<8x1280xf32, #tpu.memory_space<vmem>>)
    %dma_wait3A_537 = arith.constant 0 : i32
    %dma_wait3A_538 = arith.constant 2560 : i32
    %dma_wait3A_539 = tpu.memref_slice %arg11[%dma_wait3A_537, %dma_wait3A_538] : memref<8x5120xf32, #tpu.memory_space<vmem>> -> memref<8x1280xf32, #tpu.memory_space<vmem>>
    %dma_wait3A_540 = arith.constant 304 : i32
    %dma_wait3A_541 = tpu.memref_slice %arg13[%dma_wait3A_540] : memref<512xi32, #tpu.memory_space<vmem>> -> memref<8xi32, #tpu.memory_space<vmem>>
    %dma_wait3A_542 = arith.constant 0 : i32
    %dma_wait3A_543 = arith.constant 0 : i32
    %dma_wait3A_544 = tpu.memref_slice %arg3[%dma_wait3A_542, %dma_wait3A_543] : memref<12288x1280xf32, #tpu.memory_space<hbm>> -> memref<12288x1280xf32, #tpu.memory_space<hbm>>
    tpu.wait_indirect_dma semaphore(%arg14 : memref<!tpu.dma_semaphore, #tpu.memory_space<semaphore_mem>>) src(%dma_wait3A_544 : memref<12288x1280xf32, #tpu.memory_space<hbm>>) dst(%dma_wait3A_539 : memref<8x1280xf32, #tpu.memory_space<vmem>>)
    %dma_wait3A_545 = arith.constant 0 : i32
    %dma_wait3A_546 = arith.constant 3840 : i32
    %dma_wait3A_547 = tpu.memref_slice %arg11[%dma_wait3A_545, %dma_wait3A_546] : memref<8x5120xf32, #tpu.memory_space<vmem>> -> memref<8x1280xf32, #tpu.memory_space<vmem>>
    %dma_wait3A_548 = arith.constant 432 : i32
    %dma_wait3A_549 = tpu.memref_slice %arg13[%dma_wait3A_548] : memref<512xi32, #tpu.memory_space<vmem>> -> memref<8xi32, #tpu.memory_space<vmem>>
    %dma_wait3A_550 = arith.constant 0 : i32
    %dma_wait3A_551 = arith.constant 0 : i32
    %dma_wait3A_552 = tpu.memref_slice %arg3[%dma_wait3A_550, %dma_wait3A_551] : memref<12288x1280xf32, #tpu.memory_space<hbm>> -> memref<12288x1280xf32, #tpu.memory_space<hbm>>
    tpu.wait_indirect_dma semaphore(%arg14 : memref<!tpu.dma_semaphore, #tpu.memory_space<semaphore_mem>>) src(%dma_wait3A_552 : memref<12288x1280xf32, #tpu.memory_space<hbm>>) dst(%dma_wait3A_547 : memref<8x1280xf32, #tpu.memory_space<vmem>>)
    %mul3A_553 = arith.constant 96 : i32
    %mul3A_554 = arith.muli %add3A, %mul3A_553 : i32
    %add3A_555 = arith.constant 48 : i32
    %add3A_556 = arith.addi %mul3A_554, %add3A_555 : i32
    %dma_start3A_557 = arith.constant 0 : i32
    %dma_start3A_558 = tpu.memref_slice %arg7[%add3A_556, %dma_start3A_557] : memref<3072x5120xf32, #tpu.memory_space<hbm>> -> memref<8x5120xf32, #tpu.memory_space<hbm>>
    %dma_start3A_559 = arith.constant 0 : i32
    %dma_start3A_560 = tpu.memref_slice %arg7[%add3A_556, %dma_start3A_559] : memref<3072x5120xf32, #tpu.memory_space<hbm>> -> memref<8x5120xf32, #tpu.memory_space<hbm>>
    tpu.enqueue_dma source(%arg11 : memref<8x5120xf32, #tpu.memory_space<vmem>>) target(%dma_start3A_560 : memref<8x5120xf32, #tpu.memory_space<hbm>>) target_semaphore(%arg16 : memref<!tpu.dma_semaphore, #tpu.memory_space<semaphore_mem>>)
    %dma_wait3A_561 = arith.constant 0 : i32
    %dma_wait3A_562 = tpu.memref_slice %arg7[%add3A_556, %dma_wait3A_561] : memref<3072x5120xf32, #tpu.memory_space<hbm>> -> memref<8x5120xf32, #tpu.memory_space<hbm>>
    %dma_wait3A_563 = arith.constant 0 : i32
    %dma_wait3A_564 = tpu.memref_slice %arg7[%add3A_556, %dma_wait3A_563] : memref<3072x5120xf32, #tpu.memory_space<hbm>> -> memref<8x5120xf32, #tpu.memory_space<hbm>>
    tpu.wait_dma2 semaphore(%arg16 : memref<!tpu.dma_semaphore, #tpu.memory_space<semaphore_mem>>) src(%arg11 : memref<8x5120xf32, #tpu.memory_space<vmem>>) dst(%dma_wait3A_564 : memref<8x5120xf32, #tpu.memory_space<hbm>>)
    %dma_start3A_565 = arith.constant 0 : i32
    %dma_start3A_566 = arith.constant 0 : i32
    %dma_start3A_567 = tpu.memref_slice %arg11[%dma_start3A_565, %dma_start3A_566] : memref<8x5120xf32, #tpu.memory_space<vmem>> -> memref<8x1280xf32, #tpu.memory_space<vmem>>
    %dma_start3A_568 = arith.constant 64 : i32
    %dma_start3A_569 = tpu.memref_slice %arg13[%dma_start3A_568] : memref<512xi32, #tpu.memory_space<vmem>> -> memref<8xi32, #tpu.memory_space<vmem>>
    %dma_start3A_570 = arith.constant 0 : i32
    %dma_start3A_571 = arith.constant 0 : i32
    %dma_start3A_572 = tpu.memref_slice %arg3[%dma_start3A_570, %dma_start3A_571] : memref<12288x1280xf32, #tpu.memory_space<hbm>> -> memref<12288x1280xf32, #tpu.memory_space<hbm>>
    tpu.enqueue_indirect_dma source(%dma_start3A_572 : memref<12288x1280xf32, #tpu.memory_space<hbm>>) target(%dma_start3A_567 : memref<8x1280xf32, #tpu.memory_space<vmem>>) offsets(%dma_start3A_569 : memref<8xi32, #tpu.memory_space<vmem>>) semaphore(%arg14 : memref<!tpu.dma_semaphore, #tpu.memory_space<semaphore_mem>>)
    %dma_start3A_573 = arith.constant 0 : i32
    %dma_start3A_574 = arith.constant 1280 : i32
    %dma_start3A_575 = tpu.memref_slice %arg11[%dma_start3A_573, %dma_start3A_574] : memref<8x5120xf32, #tpu.memory_space<vmem>> -> memref<8x1280xf32, #tpu.memory_space<vmem>>
    %dma_start3A_576 = arith.constant 192 : i32
    %dma_start3A_577 = tpu.memref_slice %arg13[%dma_start3A_576] : memref<512xi32, #tpu.memory_space<vmem>> -> memref<8xi32, #tpu.memory_space<vmem>>
    %dma_start3A_578 = arith.constant 0 : i32
    %dma_start3A_579 = arith.constant 0 : i32
    %dma_start3A_580 = tpu.memref_slice %arg3[%dma_start3A_578, %dma_start3A_579] : memref<12288x1280xf32, #tpu.memory_space<hbm>> -> memref<12288x1280xf32, #tpu.memory_space<hbm>>
    tpu.enqueue_indirect_dma source(%dma_start3A_580 : memref<12288x1280xf32, #tpu.memory_space<hbm>>) target(%dma_start3A_575 : memref<8x1280xf32, #tpu.memory_space<vmem>>) offsets(%dma_start3A_577 : memref<8xi32, #tpu.memory_space<vmem>>) semaphore(%arg14 : memref<!tpu.dma_semaphore, #tpu.memory_space<semaphore_mem>>)
    %dma_start3A_581 = arith.constant 0 : i32
    %dma_start3A_582 = arith.constant 2560 : i32
    %dma_start3A_583 = tpu.memref_slice %arg11[%dma_start3A_581, %dma_start3A_582] : memref<8x5120xf32, #tpu.memory_space<vmem>> -> memref<8x1280xf32, #tpu.memory_space<vmem>>
    %dma_start3A_584 = arith.constant 320 : i32
    %dma_start3A_585 = tpu.memref_slice %arg13[%dma_start3A_584] : memref<512xi32, #tpu.memory_space<vmem>> -> memref<8xi32, #tpu.memory_space<vmem>>
    %dma_start3A_586 = arith.constant 0 : i32
    %dma_start3A_587 = arith.constant 0 : i32
    %dma_start3A_588 = tpu.memref_slice %arg3[%dma_start3A_586, %dma_start3A_587] : memref<12288x1280xf32, #tpu.memory_space<hbm>> -> memref<12288x1280xf32, #tpu.memory_space<hbm>>
    tpu.enqueue_indirect_dma source(%dma_start3A_588 : memref<12288x1280xf32, #tpu.memory_space<hbm>>) target(%dma_start3A_583 : memref<8x1280xf32, #tpu.memory_space<vmem>>) offsets(%dma_start3A_585 : memref<8xi32, #tpu.memory_space<vmem>>) semaphore(%arg14 : memref<!tpu.dma_semaphore, #tpu.memory_space<semaphore_mem>>)
    %dma_start3A_589 = arith.constant 0 : i32
    %dma_start3A_590 = arith.constant 3840 : i32
    %dma_start3A_591 = tpu.memref_slice %arg11[%dma_start3A_589, %dma_start3A_590] : memref<8x5120xf32, #tpu.memory_space<vmem>> -> memref<8x1280xf32, #tpu.memory_space<vmem>>
    %dma_start3A_592 = arith.constant 448 : i32
    %dma_start3A_593 = tpu.memref_slice %arg13[%dma_start3A_592] : memref<512xi32, #tpu.memory_space<vmem>> -> memref<8xi32, #tpu.memory_space<vmem>>
    %dma_start3A_594 = arith.constant 0 : i32
    %dma_start3A_595 = arith.constant 0 : i32
    %dma_start3A_596 = tpu.memref_slice %arg3[%dma_start3A_594, %dma_start3A_595] : memref<12288x1280xf32, #tpu.memory_space<hbm>> -> memref<12288x1280xf32, #tpu.memory_space<hbm>>
    tpu.enqueue_indirect_dma source(%dma_start3A_596 : memref<12288x1280xf32, #tpu.memory_space<hbm>>) target(%dma_start3A_591 : memref<8x1280xf32, #tpu.memory_space<vmem>>) offsets(%dma_start3A_593 : memref<8xi32, #tpu.memory_space<vmem>>) semaphore(%arg14 : memref<!tpu.dma_semaphore, #tpu.memory_space<semaphore_mem>>)
    %dma_wait3A_597 = arith.constant 0 : i32
    %dma_wait3A_598 = arith.constant 0 : i32
    %dma_wait3A_599 = tpu.memref_slice %arg12[%dma_wait3A_597, %dma_wait3A_598] : memref<8x5120xf32, #tpu.memory_space<vmem>> -> memref<8x1280xf32, #tpu.memory_space<vmem>>
    %dma_wait3A_600 = arith.constant 56 : i32
    %dma_wait3A_601 = tpu.memref_slice %arg13[%dma_wait3A_600] : memref<512xi32, #tpu.memory_space<vmem>> -> memref<8xi32, #tpu.memory_space<vmem>>
    %dma_wait3A_602 = arith.constant 0 : i32
    %dma_wait3A_603 = arith.constant 0 : i32
    %dma_wait3A_604 = tpu.memref_slice %arg3[%dma_wait3A_602, %dma_wait3A_603] : memref<12288x1280xf32, #tpu.memory_space<hbm>> -> memref<12288x1280xf32, #tpu.memory_space<hbm>>
    tpu.wait_indirect_dma semaphore(%arg15 : memref<!tpu.dma_semaphore, #tpu.memory_space<semaphore_mem>>) src(%dma_wait3A_604 : memref<12288x1280xf32, #tpu.memory_space<hbm>>) dst(%dma_wait3A_599 : memref<8x1280xf32, #tpu.memory_space<vmem>>)
    %dma_wait3A_605 = arith.constant 0 : i32
    %dma_wait3A_606 = arith.constant 1280 : i32
    %dma_wait3A_607 = tpu.memref_slice %arg12[%dma_wait3A_605, %dma_wait3A_606] : memref<8x5120xf32, #tpu.memory_space<vmem>> -> memref<8x1280xf32, #tpu.memory_space<vmem>>
    %dma_wait3A_608 = arith.constant 184 : i32
    %dma_wait3A_609 = tpu.memref_slice %arg13[%dma_wait3A_608] : memref<512xi32, #tpu.memory_space<vmem>> -> memref<8xi32, #tpu.memory_space<vmem>>
    %dma_wait3A_610 = arith.constant 0 : i32
    %dma_wait3A_611 = arith.constant 0 : i32
    %dma_wait3A_612 = tpu.memref_slice %arg3[%dma_wait3A_610, %dma_wait3A_611] : memref<12288x1280xf32, #tpu.memory_space<hbm>> -> memref<12288x1280xf32, #tpu.memory_space<hbm>>
    tpu.wait_indirect_dma semaphore(%arg15 : memref<!tpu.dma_semaphore, #tpu.memory_space<semaphore_mem>>) src(%dma_wait3A_612 : memref<12288x1280xf32, #tpu.memory_space<hbm>>) dst(%dma_wait3A_607 : memref<8x1280xf32, #tpu.memory_space<vmem>>)
    %dma_wait3A_613 = arith.constant 0 : i32
    %dma_wait3A_614 = arith.constant 2560 : i32
    %dma_wait3A_615 = tpu.memref_slice %arg12[%dma_wait3A_613, %dma_wait3A_614] : memref<8x5120xf32, #tpu.memory_space<vmem>> -> memref<8x1280xf32, #tpu.memory_space<vmem>>
    %dma_wait3A_616 = arith.constant 312 : i32
    %dma_wait3A_617 = tpu.memref_slice %arg13[%dma_wait3A_616] : memref<512xi32, #tpu.memory_space<vmem>> -> memref<8xi32, #tpu.memory_space<vmem>>
    %dma_wait3A_618 = arith.constant 0 : i32
    %dma_wait3A_619 = arith.constant 0 : i32
    %dma_wait3A_620 = tpu.memref_slice %arg3[%dma_wait3A_618, %dma_wait3A_619] : memref<12288x1280xf32, #tpu.memory_space<hbm>> -> memref<12288x1280xf32, #tpu.memory_space<hbm>>
    tpu.wait_indirect_dma semaphore(%arg15 : memref<!tpu.dma_semaphore, #tpu.memory_space<semaphore_mem>>) src(%dma_wait3A_620 : memref<12288x1280xf32, #tpu.memory_space<hbm>>) dst(%dma_wait3A_615 : memref<8x1280xf32, #tpu.memory_space<vmem>>)
    %dma_wait3A_621 = arith.constant 0 : i32
    %dma_wait3A_622 = arith.constant 3840 : i32
    %dma_wait3A_623 = tpu.memref_slice %arg12[%dma_wait3A_621, %dma_wait3A_622] : memref<8x5120xf32, #tpu.memory_space<vmem>> -> memref<8x1280xf32, #tpu.memory_space<vmem>>
    %dma_wait3A_624 = arith.constant 440 : i32
    %dma_wait3A_625 = tpu.memref_slice %arg13[%dma_wait3A_624] : memref<512xi32, #tpu.memory_space<vmem>> -> memref<8xi32, #tpu.memory_space<vmem>>
    %dma_wait3A_626 = arith.constant 0 : i32
    %dma_wait3A_627 = arith.constant 0 : i32
    %dma_wait3A_628 = tpu.memref_slice %arg3[%dma_wait3A_626, %dma_wait3A_627] : memref<12288x1280xf32, #tpu.memory_space<hbm>> -> memref<12288x1280xf32, #tpu.memory_space<hbm>>
    tpu.wait_indirect_dma semaphore(%arg15 : memref<!tpu.dma_semaphore, #tpu.memory_space<semaphore_mem>>) src(%dma_wait3A_628 : memref<12288x1280xf32, #tpu.memory_space<hbm>>) dst(%dma_wait3A_623 : memref<8x1280xf32, #tpu.memory_space<vmem>>)
    %mul3A_629 = arith.constant 96 : i32
    %mul3A_630 = arith.muli %add3A, %mul3A_629 : i32
    %add3A_631 = arith.constant 56 : i32
    %add3A_632 = arith.addi %mul3A_630, %add3A_631 : i32
    %dma_start3A_633 = arith.constant 0 : i32
    %dma_start3A_634 = tpu.memref_slice %arg7[%add3A_632, %dma_start3A_633] : memref<3072x5120xf32, #tpu.memory_space<hbm>> -> memref<8x5120xf32, #tpu.memory_space<hbm>>
    %dma_start3A_635 = arith.constant 0 : i32
    %dma_start3A_636 = tpu.memref_slice %arg7[%add3A_632, %dma_start3A_635] : memref<3072x5120xf32, #tpu.memory_space<hbm>> -> memref<8x5120xf32, #tpu.memory_space<hbm>>
    tpu.enqueue_dma source(%arg12 : memref<8x5120xf32, #tpu.memory_space<vmem>>) target(%dma_start3A_636 : memref<8x5120xf32, #tpu.memory_space<hbm>>) target_semaphore(%arg17 : memref<!tpu.dma_semaphore, #tpu.memory_space<semaphore_mem>>)
    %dma_wait3A_637 = arith.constant 0 : i32
    %dma_wait3A_638 = tpu.memref_slice %arg7[%add3A_632, %dma_wait3A_637] : memref<3072x5120xf32, #tpu.memory_space<hbm>> -> memref<8x5120xf32, #tpu.memory_space<hbm>>
    %dma_wait3A_639 = arith.constant 0 : i32
    %dma_wait3A_640 = tpu.memref_slice %arg7[%add3A_632, %dma_wait3A_639] : memref<3072x5120xf32, #tpu.memory_space<hbm>> -> memref<8x5120xf32, #tpu.memory_space<hbm>>
    tpu.wait_dma2 semaphore(%arg17 : memref<!tpu.dma_semaphore, #tpu.memory_space<semaphore_mem>>) src(%arg12 : memref<8x5120xf32, #tpu.memory_space<vmem>>) dst(%dma_wait3A_640 : memref<8x5120xf32, #tpu.memory_space<hbm>>)
    %dma_start3A_641 = arith.constant 0 : i32
    %dma_start3A_642 = arith.constant 0 : i32
    %dma_start3A_643 = tpu.memref_slice %arg12[%dma_start3A_641, %dma_start3A_642] : memref<8x5120xf32, #tpu.memory_space<vmem>> -> memref<8x1280xf32, #tpu.memory_space<vmem>>
    %dma_start3A_644 = arith.constant 72 : i32
    %dma_start3A_645 = tpu.memref_slice %arg13[%dma_start3A_644] : memref<512xi32, #tpu.memory_space<vmem>> -> memref<8xi32, #tpu.memory_space<vmem>>
    %dma_start3A_646 = arith.constant 0 : i32
    %dma_start3A_647 = arith.constant 0 : i32
    %dma_start3A_648 = tpu.memref_slice %arg3[%dma_start3A_646, %dma_start3A_647] : memref<12288x1280xf32, #tpu.memory_space<hbm>> -> memref<12288x1280xf32, #tpu.memory_space<hbm>>
    tpu.enqueue_indirect_dma source(%dma_start3A_648 : memref<12288x1280xf32, #tpu.memory_space<hbm>>) target(%dma_start3A_643 : memref<8x1280xf32, #tpu.memory_space<vmem>>) offsets(%dma_start3A_645 : memref<8xi32, #tpu.memory_space<vmem>>) semaphore(%arg15 : memref<!tpu.dma_semaphore, #tpu.memory_space<semaphore_mem>>)
    %dma_start3A_649 = arith.constant 0 : i32
    %dma_start3A_650 = arith.constant 1280 : i32
    %dma_start3A_651 = tpu.memref_slice %arg12[%dma_start3A_649, %dma_start3A_650] : memref<8x5120xf32, #tpu.memory_space<vmem>> -> memref<8x1280xf32, #tpu.memory_space<vmem>>
    %dma_start3A_652 = arith.constant 200 : i32
    %dma_start3A_653 = tpu.memref_slice %arg13[%dma_start3A_652] : memref<512xi32, #tpu.memory_space<vmem>> -> memref<8xi32, #tpu.memory_space<vmem>>
    %dma_start3A_654 = arith.constant 0 : i32
    %dma_start3A_655 = arith.constant 0 : i32
    %dma_start3A_656 = tpu.memref_slice %arg3[%dma_start3A_654, %dma_start3A_655] : memref<12288x1280xf32, #tpu.memory_space<hbm>> -> memref<12288x1280xf32, #tpu.memory_space<hbm>>
    tpu.enqueue_indirect_dma source(%dma_start3A_656 : memref<12288x1280xf32, #tpu.memory_space<hbm>>) target(%dma_start3A_651 : memref<8x1280xf32, #tpu.memory_space<vmem>>) offsets(%dma_start3A_653 : memref<8xi32, #tpu.memory_space<vmem>>) semaphore(%arg15 : memref<!tpu.dma_semaphore, #tpu.memory_space<semaphore_mem>>)
    %dma_start3A_657 = arith.constant 0 : i32
    %dma_start3A_658 = arith.constant 2560 : i32
    %dma_start3A_659 = tpu.memref_slice %arg12[%dma_start3A_657, %dma_start3A_658] : memref<8x5120xf32, #tpu.memory_space<vmem>> -> memref<8x1280xf32, #tpu.memory_space<vmem>>
    %dma_start3A_660 = arith.constant 328 : i32
    %dma_start3A_661 = tpu.memref_slice %arg13[%dma_start3A_660] : memref<512xi32, #tpu.memory_space<vmem>> -> memref<8xi32, #tpu.memory_space<vmem>>
    %dma_start3A_662 = arith.constant 0 : i32
    %dma_start3A_663 = arith.constant 0 : i32
    %dma_start3A_664 = tpu.memref_slice %arg3[%dma_start3A_662, %dma_start3A_663] : memref<12288x1280xf32, #tpu.memory_space<hbm>> -> memref<12288x1280xf32, #tpu.memory_space<hbm>>
    tpu.enqueue_indirect_dma source(%dma_start3A_664 : memref<12288x1280xf32, #tpu.memory_space<hbm>>) target(%dma_start3A_659 : memref<8x1280xf32, #tpu.memory_space<vmem>>) offsets(%dma_start3A_661 : memref<8xi32, #tpu.memory_space<vmem>>) semaphore(%arg15 : memref<!tpu.dma_semaphore, #tpu.memory_space<semaphore_mem>>)
    %dma_start3A_665 = arith.constant 0 : i32
    %dma_start3A_666 = arith.constant 3840 : i32
    %dma_start3A_667 = tpu.memref_slice %arg12[%dma_start3A_665, %dma_start3A_666] : memref<8x5120xf32, #tpu.memory_space<vmem>> -> memref<8x1280xf32, #tpu.memory_space<vmem>>
    %dma_start3A_668 = arith.constant 456 : i32
    %dma_start3A_669 = tpu.memref_slice %arg13[%dma_start3A_668] : memref<512xi32, #tpu.memory_space<vmem>> -> memref<8xi32, #tpu.memory_space<vmem>>
    %dma_start3A_670 = arith.constant 0 : i32
    %dma_start3A_671 = arith.constant 0 : i32
    %dma_start3A_672 = tpu.memref_slice %arg3[%dma_start3A_670, %dma_start3A_671] : memref<12288x1280xf32, #tpu.memory_space<hbm>> -> memref<12288x1280xf32, #tpu.memory_space<hbm>>
    tpu.enqueue_indirect_dma source(%dma_start3A_672 : memref<12288x1280xf32, #tpu.memory_space<hbm>>) target(%dma_start3A_667 : memref<8x1280xf32, #tpu.memory_space<vmem>>) offsets(%dma_start3A_669 : memref<8xi32, #tpu.memory_space<vmem>>) semaphore(%arg15 : memref<!tpu.dma_semaphore, #tpu.memory_space<semaphore_mem>>)
    %dma_wait3A_673 = arith.constant 0 : i32
    %dma_wait3A_674 = arith.constant 0 : i32
    %dma_wait3A_675 = tpu.memref_slice %arg11[%dma_wait3A_673, %dma_wait3A_674] : memref<8x5120xf32, #tpu.memory_space<vmem>> -> memref<8x1280xf32, #tpu.memory_space<vmem>>
    %dma_wait3A_676 = arith.constant 64 : i32
    %dma_wait3A_677 = tpu.memref_slice %arg13[%dma_wait3A_676] : memref<512xi32, #tpu.memory_space<vmem>> -> memref<8xi32, #tpu.memory_space<vmem>>
    %dma_wait3A_678 = arith.constant 0 : i32
    %dma_wait3A_679 = arith.constant 0 : i32
    %dma_wait3A_680 = tpu.memref_slice %arg3[%dma_wait3A_678, %dma_wait3A_679] : memref<12288x1280xf32, #tpu.memory_space<hbm>> -> memref<12288x1280xf32, #tpu.memory_space<hbm>>
    tpu.wait_indirect_dma semaphore(%arg14 : memref<!tpu.dma_semaphore, #tpu.memory_space<semaphore_mem>>) src(%dma_wait3A_680 : memref<12288x1280xf32, #tpu.memory_space<hbm>>) dst(%dma_wait3A_675 : memref<8x1280xf32, #tpu.memory_space<vmem>>)
    %dma_wait3A_681 = arith.constant 0 : i32
    %dma_wait3A_682 = arith.constant 1280 : i32
    %dma_wait3A_683 = tpu.memref_slice %arg11[%dma_wait3A_681, %dma_wait3A_682] : memref<8x5120xf32, #tpu.memory_space<vmem>> -> memref<8x1280xf32, #tpu.memory_space<vmem>>
    %dma_wait3A_684 = arith.constant 192 : i32
    %dma_wait3A_685 = tpu.memref_slice %arg13[%dma_wait3A_684] : memref<512xi32, #tpu.memory_space<vmem>> -> memref<8xi32, #tpu.memory_space<vmem>>
    %dma_wait3A_686 = arith.constant 0 : i32
    %dma_wait3A_687 = arith.constant 0 : i32
    %dma_wait3A_688 = tpu.memref_slice %arg3[%dma_wait3A_686, %dma_wait3A_687] : memref<12288x1280xf32, #tpu.memory_space<hbm>> -> memref<12288x1280xf32, #tpu.memory_space<hbm>>
    tpu.wait_indirect_dma semaphore(%arg14 : memref<!tpu.dma_semaphore, #tpu.memory_space<semaphore_mem>>) src(%dma_wait3A_688 : memref<12288x1280xf32, #tpu.memory_space<hbm>>) dst(%dma_wait3A_683 : memref<8x1280xf32, #tpu.memory_space<vmem>>)
    %dma_wait3A_689 = arith.constant 0 : i32
    %dma_wait3A_690 = arith.constant 2560 : i32
    %dma_wait3A_691 = tpu.memref_slice %arg11[%dma_wait3A_689, %dma_wait3A_690] : memref<8x5120xf32, #tpu.memory_space<vmem>> -> memref<8x1280xf32, #tpu.memory_space<vmem>>
    %dma_wait3A_692 = arith.constant 320 : i32
    %dma_wait3A_693 = tpu.memref_slice %arg13[%dma_wait3A_692] : memref<512xi32, #tpu.memory_space<vmem>> -> memref<8xi32, #tpu.memory_space<vmem>>
    %dma_wait3A_694 = arith.constant 0 : i32
    %dma_wait3A_695 = arith.constant 0 : i32
    %dma_wait3A_696 = tpu.memref_slice %arg3[%dma_wait3A_694, %dma_wait3A_695] : memref<12288x1280xf32, #tpu.memory_space<hbm>> -> memref<12288x1280xf32, #tpu.memory_space<hbm>>
    tpu.wait_indirect_dma semaphore(%arg14 : memref<!tpu.dma_semaphore, #tpu.memory_space<semaphore_mem>>) src(%dma_wait3A_696 : memref<12288x1280xf32, #tpu.memory_space<hbm>>) dst(%dma_wait3A_691 : memref<8x1280xf32, #tpu.memory_space<vmem>>)
    %dma_wait3A_697 = arith.constant 0 : i32
    %dma_wait3A_698 = arith.constant 3840 : i32
    %dma_wait3A_699 = tpu.memref_slice %arg11[%dma_wait3A_697, %dma_wait3A_698] : memref<8x5120xf32, #tpu.memory_space<vmem>> -> memref<8x1280xf32, #tpu.memory_space<vmem>>
    %dma_wait3A_700 = arith.constant 448 : i32
    %dma_wait3A_701 = tpu.memref_slice %arg13[%dma_wait3A_700] : memref<512xi32, #tpu.memory_space<vmem>> -> memref<8xi32, #tpu.memory_space<vmem>>
    %dma_wait3A_702 = arith.constant 0 : i32
    %dma_wait3A_703 = arith.constant 0 : i32
    %dma_wait3A_704 = tpu.memref_slice %arg3[%dma_wait3A_702, %dma_wait3A_703] : memref<12288x1280xf32, #tpu.memory_space<hbm>> -> memref<12288x1280xf32, #tpu.memory_space<hbm>>
    tpu.wait_indirect_dma semaphore(%arg14 : memref<!tpu.dma_semaphore, #tpu.memory_space<semaphore_mem>>) src(%dma_wait3A_704 : memref<12288x1280xf32, #tpu.memory_space<hbm>>) dst(%dma_wait3A_699 : memref<8x1280xf32, #tpu.memory_space<vmem>>)
    %mul3A_705 = arith.constant 96 : i32
    %mul3A_706 = arith.muli %add3A, %mul3A_705 : i32
    %add3A_707 = arith.constant 64 : i32
    %add3A_708 = arith.addi %mul3A_706, %add3A_707 : i32
    %dma_start3A_709 = arith.constant 0 : i32
    %dma_start3A_710 = tpu.memref_slice %arg7[%add3A_708, %dma_start3A_709] : memref<3072x5120xf32, #tpu.memory_space<hbm>> -> memref<8x5120xf32, #tpu.memory_space<hbm>>
    %dma_start3A_711 = arith.constant 0 : i32
    %dma_start3A_712 = tpu.memref_slice %arg7[%add3A_708, %dma_start3A_711] : memref<3072x5120xf32, #tpu.memory_space<hbm>> -> memref<8x5120xf32, #tpu.memory_space<hbm>>
    tpu.enqueue_dma source(%arg11 : memref<8x5120xf32, #tpu.memory_space<vmem>>) target(%dma_start3A_712 : memref<8x5120xf32, #tpu.memory_space<hbm>>) target_semaphore(%arg16 : memref<!tpu.dma_semaphore, #tpu.memory_space<semaphore_mem>>)
    %dma_wait3A_713 = arith.constant 0 : i32
    %dma_wait3A_714 = tpu.memref_slice %arg7[%add3A_708, %dma_wait3A_713] : memref<3072x5120xf32, #tpu.memory_space<hbm>> -> memref<8x5120xf32, #tpu.memory_space<hbm>>
    %dma_wait3A_715 = arith.constant 0 : i32
    %dma_wait3A_716 = tpu.memref_slice %arg7[%add3A_708, %dma_wait3A_715] : memref<3072x5120xf32, #tpu.memory_space<hbm>> -> memref<8x5120xf32, #tpu.memory_space<hbm>>
    tpu.wait_dma2 semaphore(%arg16 : memref<!tpu.dma_semaphore, #tpu.memory_space<semaphore_mem>>) src(%arg11 : memref<8x5120xf32, #tpu.memory_space<vmem>>) dst(%dma_wait3A_716 : memref<8x5120xf32, #tpu.memory_space<hbm>>)
    %dma_start3A_717 = arith.constant 0 : i32
    %dma_start3A_718 = arith.constant 0 : i32
    %dma_start3A_719 = tpu.memref_slice %arg11[%dma_start3A_717, %dma_start3A_718] : memref<8x5120xf32, #tpu.memory_space<vmem>> -> memref<8x1280xf32, #tpu.memory_space<vmem>>
    %dma_start3A_720 = arith.constant 80 : i32
    %dma_start3A_721 = tpu.memref_slice %arg13[%dma_start3A_720] : memref<512xi32, #tpu.memory_space<vmem>> -> memref<8xi32, #tpu.memory_space<vmem>>
    %dma_start3A_722 = arith.constant 0 : i32
    %dma_start3A_723 = arith.constant 0 : i32
    %dma_start3A_724 = tpu.memref_slice %arg3[%dma_start3A_722, %dma_start3A_723] : memref<12288x1280xf32, #tpu.memory_space<hbm>> -> memref<12288x1280xf32, #tpu.memory_space<hbm>>
    tpu.enqueue_indirect_dma source(%dma_start3A_724 : memref<12288x1280xf32, #tpu.memory_space<hbm>>) target(%dma_start3A_719 : memref<8x1280xf32, #tpu.memory_space<vmem>>) offsets(%dma_start3A_721 : memref<8xi32, #tpu.memory_space<vmem>>) semaphore(%arg14 : memref<!tpu.dma_semaphore, #tpu.memory_space<semaphore_mem>>)
    %dma_start3A_725 = arith.constant 0 : i32
    %dma_start3A_726 = arith.constant 1280 : i32
    %dma_start3A_727 = tpu.memref_slice %arg11[%dma_start3A_725, %dma_start3A_726] : memref<8x5120xf32, #tpu.memory_space<vmem>> -> memref<8x1280xf32, #tpu.memory_space<vmem>>
    %dma_start3A_728 = arith.constant 208 : i32
    %dma_start3A_729 = tpu.memref_slice %arg13[%dma_start3A_728] : memref<512xi32, #tpu.memory_space<vmem>> -> memref<8xi32, #tpu.memory_space<vmem>>
    %dma_start3A_730 = arith.constant 0 : i32
    %dma_start3A_731 = arith.constant 0 : i32
    %dma_start3A_732 = tpu.memref_slice %arg3[%dma_start3A_730, %dma_start3A_731] : memref<12288x1280xf32, #tpu.memory_space<hbm>> -> memref<12288x1280xf32, #tpu.memory_space<hbm>>
    tpu.enqueue_indirect_dma source(%dma_start3A_732 : memref<12288x1280xf32, #tpu.memory_space<hbm>>) target(%dma_start3A_727 : memref<8x1280xf32, #tpu.memory_space<vmem>>) offsets(%dma_start3A_729 : memref<8xi32, #tpu.memory_space<vmem>>) semaphore(%arg14 : memref<!tpu.dma_semaphore, #tpu.memory_space<semaphore_mem>>)
    %dma_start3A_733 = arith.constant 0 : i32
    %dma_start3A_734 = arith.constant 2560 : i32
    %dma_start3A_735 = tpu.memref_slice %arg11[%dma_start3A_733, %dma_start3A_734] : memref<8x5120xf32, #tpu.memory_space<vmem>> -> memref<8x1280xf32, #tpu.memory_space<vmem>>
    %dma_start3A_736 = arith.constant 336 : i32
    %dma_start3A_737 = tpu.memref_slice %arg13[%dma_start3A_736] : memref<512xi32, #tpu.memory_space<vmem>> -> memref<8xi32, #tpu.memory_space<vmem>>
    %dma_start3A_738 = arith.constant 0 : i32
    %dma_start3A_739 = arith.constant 0 : i32
    %dma_start3A_740 = tpu.memref_slice %arg3[%dma_start3A_738, %dma_start3A_739] : memref<12288x1280xf32, #tpu.memory_space<hbm>> -> memref<12288x1280xf32, #tpu.memory_space<hbm>>
    tpu.enqueue_indirect_dma source(%dma_start3A_740 : memref<12288x1280xf32, #tpu.memory_space<hbm>>) target(%dma_start3A_735 : memref<8x1280xf32, #tpu.memory_space<vmem>>) offsets(%dma_start3A_737 : memref<8xi32, #tpu.memory_space<vmem>>) semaphore(%arg14 : memref<!tpu.dma_semaphore, #tpu.memory_space<semaphore_mem>>)
    %dma_start3A_741 = arith.constant 0 : i32
    %dma_start3A_742 = arith.constant 3840 : i32
    %dma_start3A_743 = tpu.memref_slice %arg11[%dma_start3A_741, %dma_start3A_742] : memref<8x5120xf32, #tpu.memory_space<vmem>> -> memref<8x1280xf32, #tpu.memory_space<vmem>>
    %dma_start3A_744 = arith.constant 464 : i32
    %dma_start3A_745 = tpu.memref_slice %arg13[%dma_start3A_744] : memref<512xi32, #tpu.memory_space<vmem>> -> memref<8xi32, #tpu.memory_space<vmem>>
    %dma_start3A_746 = arith.constant 0 : i32
    %dma_start3A_747 = arith.constant 0 : i32
    %dma_start3A_748 = tpu.memref_slice %arg3[%dma_start3A_746, %dma_start3A_747] : memref<12288x1280xf32, #tpu.memory_space<hbm>> -> memref<12288x1280xf32, #tpu.memory_space<hbm>>
    tpu.enqueue_indirect_dma source(%dma_start3A_748 : memref<12288x1280xf32, #tpu.memory_space<hbm>>) target(%dma_start3A_743 : memref<8x1280xf32, #tpu.memory_space<vmem>>) offsets(%dma_start3A_745 : memref<8xi32, #tpu.memory_space<vmem>>) semaphore(%arg14 : memref<!tpu.dma_semaphore, #tpu.memory_space<semaphore_mem>>)
    %dma_wait3A_749 = arith.constant 0 : i32
    %dma_wait3A_750 = arith.constant 0 : i32
    %dma_wait3A_751 = tpu.memref_slice %arg12[%dma_wait3A_749, %dma_wait3A_750] : memref<8x5120xf32, #tpu.memory_space<vmem>> -> memref<8x1280xf32, #tpu.memory_space<vmem>>
    %dma_wait3A_752 = arith.constant 72 : i32
    %dma_wait3A_753 = tpu.memref_slice %arg13[%dma_wait3A_752] : memref<512xi32, #tpu.memory_space<vmem>> -> memref<8xi32, #tpu.memory_space<vmem>>
    %dma_wait3A_754 = arith.constant 0 : i32
    %dma_wait3A_755 = arith.constant 0 : i32
    %dma_wait3A_756 = tpu.memref_slice %arg3[%dma_wait3A_754, %dma_wait3A_755] : memref<12288x1280xf32, #tpu.memory_space<hbm>> -> memref<12288x1280xf32, #tpu.memory_space<hbm>>
    tpu.wait_indirect_dma semaphore(%arg15 : memref<!tpu.dma_semaphore, #tpu.memory_space<semaphore_mem>>) src(%dma_wait3A_756 : memref<12288x1280xf32, #tpu.memory_space<hbm>>) dst(%dma_wait3A_751 : memref<8x1280xf32, #tpu.memory_space<vmem>>)
    %dma_wait3A_757 = arith.constant 0 : i32
    %dma_wait3A_758 = arith.constant 1280 : i32
    %dma_wait3A_759 = tpu.memref_slice %arg12[%dma_wait3A_757, %dma_wait3A_758] : memref<8x5120xf32, #tpu.memory_space<vmem>> -> memref<8x1280xf32, #tpu.memory_space<vmem>>
    %dma_wait3A_760 = arith.constant 200 : i32
    %dma_wait3A_761 = tpu.memref_slice %arg13[%dma_wait3A_760] : memref<512xi32, #tpu.memory_space<vmem>> -> memref<8xi32, #tpu.memory_space<vmem>>
    %dma_wait3A_762 = arith.constant 0 : i32
    %dma_wait3A_763 = arith.constant 0 : i32
    %dma_wait3A_764 = tpu.memref_slice %arg3[%dma_wait3A_762, %dma_wait3A_763] : memref<12288x1280xf32, #tpu.memory_space<hbm>> -> memref<12288x1280xf32, #tpu.memory_space<hbm>>
    tpu.wait_indirect_dma semaphore(%arg15 : memref<!tpu.dma_semaphore, #tpu.memory_space<semaphore_mem>>) src(%dma_wait3A_764 : memref<12288x1280xf32, #tpu.memory_space<hbm>>) dst(%dma_wait3A_759 : memref<8x1280xf32, #tpu.memory_space<vmem>>)
    %dma_wait3A_765 = arith.constant 0 : i32
    %dma_wait3A_766 = arith.constant 2560 : i32
    %dma_wait3A_767 = tpu.memref_slice %arg12[%dma_wait3A_765, %dma_wait3A_766] : memref<8x5120xf32, #tpu.memory_space<vmem>> -> memref<8x1280xf32, #tpu.memory_space<vmem>>
    %dma_wait3A_768 = arith.constant 328 : i32
    %dma_wait3A_769 = tpu.memref_slice %arg13[%dma_wait3A_768] : memref<512xi32, #tpu.memory_space<vmem>> -> memref<8xi32, #tpu.memory_space<vmem>>
    %dma_wait3A_770 = arith.constant 0 : i32
    %dma_wait3A_771 = arith.constant 0 : i32
    %dma_wait3A_772 = tpu.memref_slice %arg3[%dma_wait3A_770, %dma_wait3A_771] : memref<12288x1280xf32, #tpu.memory_space<hbm>> -> memref<12288x1280xf32, #tpu.memory_space<hbm>>
    tpu.wait_indirect_dma semaphore(%arg15 : memref<!tpu.dma_semaphore, #tpu.memory_space<semaphore_mem>>) src(%dma_wait3A_772 : memref<12288x1280xf32, #tpu.memory_space<hbm>>) dst(%dma_wait3A_767 : memref<8x1280xf32, #tpu.memory_space<vmem>>)
    %dma_wait3A_773 = arith.constant 0 : i32
    %dma_wait3A_774 = arith.constant 3840 : i32
    %dma_wait3A_775 = tpu.memref_slice %arg12[%dma_wait3A_773, %dma_wait3A_774] : memref<8x5120xf32, #tpu.memory_space<vmem>> -> memref<8x1280xf32, #tpu.memory_space<vmem>>
    %dma_wait3A_776 = arith.constant 456 : i32
    %dma_wait3A_777 = tpu.memref_slice %arg13[%dma_wait3A_776] : memref<512xi32, #tpu.memory_space<vmem>> -> memref<8xi32, #tpu.memory_space<vmem>>
    %dma_wait3A_778 = arith.constant 0 : i32
    %dma_wait3A_779 = arith.constant 0 : i32
    %dma_wait3A_780 = tpu.memref_slice %arg3[%dma_wait3A_778, %dma_wait3A_779] : memref<12288x1280xf32, #tpu.memory_space<hbm>> -> memref<12288x1280xf32, #tpu.memory_space<hbm>>
    tpu.wait_indirect_dma semaphore(%arg15 : memref<!tpu.dma_semaphore, #tpu.memory_space<semaphore_mem>>) src(%dma_wait3A_780 : memref<12288x1280xf32, #tpu.memory_space<hbm>>) dst(%dma_wait3A_775 : memref<8x1280xf32, #tpu.memory_space<vmem>>)
    %mul3A_781 = arith.constant 96 : i32
    %mul3A_782 = arith.muli %add3A, %mul3A_781 : i32
    %add3A_783 = arith.constant 72 : i32
    %add3A_784 = arith.addi %mul3A_782, %add3A_783 : i32
    %dma_start3A_785 = arith.constant 0 : i32
    %dma_start3A_786 = tpu.memref_slice %arg7[%add3A_784, %dma_start3A_785] : memref<3072x5120xf32, #tpu.memory_space<hbm>> -> memref<8x5120xf32, #tpu.memory_space<hbm>>
    %dma_start3A_787 = arith.constant 0 : i32
    %dma_start3A_788 = tpu.memref_slice %arg7[%add3A_784, %dma_start3A_787] : memref<3072x5120xf32, #tpu.memory_space<hbm>> -> memref<8x5120xf32, #tpu.memory_space<hbm>>
    tpu.enqueue_dma source(%arg12 : memref<8x5120xf32, #tpu.memory_space<vmem>>) target(%dma_start3A_788 : memref<8x5120xf32, #tpu.memory_space<hbm>>) target_semaphore(%arg17 : memref<!tpu.dma_semaphore, #tpu.memory_space<semaphore_mem>>)
    %dma_wait3A_789 = arith.constant 0 : i32
    %dma_wait3A_790 = tpu.memref_slice %arg7[%add3A_784, %dma_wait3A_789] : memref<3072x5120xf32, #tpu.memory_space<hbm>> -> memref<8x5120xf32, #tpu.memory_space<hbm>>
    %dma_wait3A_791 = arith.constant 0 : i32
    %dma_wait3A_792 = tpu.memref_slice %arg7[%add3A_784, %dma_wait3A_791] : memref<3072x5120xf32, #tpu.memory_space<hbm>> -> memref<8x5120xf32, #tpu.memory_space<hbm>>
    tpu.wait_dma2 semaphore(%arg17 : memref<!tpu.dma_semaphore, #tpu.memory_space<semaphore_mem>>) src(%arg12 : memref<8x5120xf32, #tpu.memory_space<vmem>>) dst(%dma_wait3A_792 : memref<8x5120xf32, #tpu.memory_space<hbm>>)
    %dma_start3A_793 = arith.constant 0 : i32
    %dma_start3A_794 = arith.constant 0 : i32
    %dma_start3A_795 = tpu.memref_slice %arg12[%dma_start3A_793, %dma_start3A_794] : memref<8x5120xf32, #tpu.memory_space<vmem>> -> memref<8x1280xf32, #tpu.memory_space<vmem>>
    %dma_start3A_796 = arith.constant 88 : i32
    %dma_start3A_797 = tpu.memref_slice %arg13[%dma_start3A_796] : memref<512xi32, #tpu.memory_space<vmem>> -> memref<8xi32, #tpu.memory_space<vmem>>
    %dma_start3A_798 = arith.constant 0 : i32
    %dma_start3A_799 = arith.constant 0 : i32
    %dma_start3A_800 = tpu.memref_slice %arg3[%dma_start3A_798, %dma_start3A_799] : memref<12288x1280xf32, #tpu.memory_space<hbm>> -> memref<12288x1280xf32, #tpu.memory_space<hbm>>
    tpu.enqueue_indirect_dma source(%dma_start3A_800 : memref<12288x1280xf32, #tpu.memory_space<hbm>>) target(%dma_start3A_795 : memref<8x1280xf32, #tpu.memory_space<vmem>>) offsets(%dma_start3A_797 : memref<8xi32, #tpu.memory_space<vmem>>) semaphore(%arg15 : memref<!tpu.dma_semaphore, #tpu.memory_space<semaphore_mem>>)
    %dma_start3A_801 = arith.constant 0 : i32
    %dma_start3A_802 = arith.constant 1280 : i32
    %dma_start3A_803 = tpu.memref_slice %arg12[%dma_start3A_801, %dma_start3A_802] : memref<8x5120xf32, #tpu.memory_space<vmem>> -> memref<8x1280xf32, #tpu.memory_space<vmem>>
    %dma_start3A_804 = arith.constant 216 : i32
    %dma_start3A_805 = tpu.memref_slice %arg13[%dma_start3A_804] : memref<512xi32, #tpu.memory_space<vmem>> -> memref<8xi32, #tpu.memory_space<vmem>>
    %dma_start3A_806 = arith.constant 0 : i32
    %dma_start3A_807 = arith.constant 0 : i32
    %dma_start3A_808 = tpu.memref_slice %arg3[%dma_start3A_806, %dma_start3A_807] : memref<12288x1280xf32, #tpu.memory_space<hbm>> -> memref<12288x1280xf32, #tpu.memory_space<hbm>>
    tpu.enqueue_indirect_dma source(%dma_start3A_808 : memref<12288x1280xf32, #tpu.memory_space<hbm>>) target(%dma_start3A_803 : memref<8x1280xf32, #tpu.memory_space<vmem>>) offsets(%dma_start3A_805 : memref<8xi32, #tpu.memory_space<vmem>>) semaphore(%arg15 : memref<!tpu.dma_semaphore, #tpu.memory_space<semaphore_mem>>)
    %dma_start3A_809 = arith.constant 0 : i32
    %dma_start3A_810 = arith.constant 2560 : i32
    %dma_start3A_811 = tpu.memref_slice %arg12[%dma_start3A_809, %dma_start3A_810] : memref<8x5120xf32, #tpu.memory_space<vmem>> -> memref<8x1280xf32, #tpu.memory_space<vmem>>
    %dma_start3A_812 = arith.constant 344 : i32
    %dma_start3A_813 = tpu.memref_slice %arg13[%dma_start3A_812] : memref<512xi32, #tpu.memory_space<vmem>> -> memref<8xi32, #tpu.memory_space<vmem>>
    %dma_start3A_814 = arith.constant 0 : i32
    %dma_start3A_815 = arith.constant 0 : i32
    %dma_start3A_816 = tpu.memref_slice %arg3[%dma_start3A_814, %dma_start3A_815] : memref<12288x1280xf32, #tpu.memory_space<hbm>> -> memref<12288x1280xf32, #tpu.memory_space<hbm>>
    tpu.enqueue_indirect_dma source(%dma_start3A_816 : memref<12288x1280xf32, #tpu.memory_space<hbm>>) target(%dma_start3A_811 : memref<8x1280xf32, #tpu.memory_space<vmem>>) offsets(%dma_start3A_813 : memref<8xi32, #tpu.memory_space<vmem>>) semaphore(%arg15 : memref<!tpu.dma_semaphore, #tpu.memory_space<semaphore_mem>>)
    %dma_start3A_817 = arith.constant 0 : i32
    %dma_start3A_818 = arith.constant 3840 : i32
    %dma_start3A_819 = tpu.memref_slice %arg12[%dma_start3A_817, %dma_start3A_818] : memref<8x5120xf32, #tpu.memory_space<vmem>> -> memref<8x1280xf32, #tpu.memory_space<vmem>>
    %dma_start3A_820 = arith.constant 472 : i32
    %dma_start3A_821 = tpu.memref_slice %arg13[%dma_start3A_820] : memref<512xi32, #tpu.memory_space<vmem>> -> memref<8xi32, #tpu.memory_space<vmem>>
    %dma_start3A_822 = arith.constant 0 : i32
    %dma_start3A_823 = arith.constant 0 : i32
    %dma_start3A_824 = tpu.memref_slice %arg3[%dma_start3A_822, %dma_start3A_823] : memref<12288x1280xf32, #tpu.memory_space<hbm>> -> memref<12288x1280xf32, #tpu.memory_space<hbm>>
    tpu.enqueue_indirect_dma source(%dma_start3A_824 : memref<12288x1280xf32, #tpu.memory_space<hbm>>) target(%dma_start3A_819 : memref<8x1280xf32, #tpu.memory_space<vmem>>) offsets(%dma_start3A_821 : memref<8xi32, #tpu.memory_space<vmem>>) semaphore(%arg15 : memref<!tpu.dma_semaphore, #tpu.memory_space<semaphore_mem>>)
    %dma_wait3A_825 = arith.constant 0 : i32
    %dma_wait3A_826 = arith.constant 0 : i32
    %dma_wait3A_827 = tpu.memref_slice %arg11[%dma_wait3A_825, %dma_wait3A_826] : memref<8x5120xf32, #tpu.memory_space<vmem>> -> memref<8x1280xf32, #tpu.memory_space<vmem>>
    %dma_wait3A_828 = arith.constant 80 : i32
    %dma_wait3A_829 = tpu.memref_slice %arg13[%dma_wait3A_828] : memref<512xi32, #tpu.memory_space<vmem>> -> memref<8xi32, #tpu.memory_space<vmem>>
    %dma_wait3A_830 = arith.constant 0 : i32
    %dma_wait3A_831 = arith.constant 0 : i32
    %dma_wait3A_832 = tpu.memref_slice %arg3[%dma_wait3A_830, %dma_wait3A_831] : memref<12288x1280xf32, #tpu.memory_space<hbm>> -> memref<12288x1280xf32, #tpu.memory_space<hbm>>
    tpu.wait_indirect_dma semaphore(%arg14 : memref<!tpu.dma_semaphore, #tpu.memory_space<semaphore_mem>>) src(%dma_wait3A_832 : memref<12288x1280xf32, #tpu.memory_space<hbm>>) dst(%dma_wait3A_827 : memref<8x1280xf32, #tpu.memory_space<vmem>>)
    %dma_wait3A_833 = arith.constant 0 : i32
    %dma_wait3A_834 = arith.constant 1280 : i32
    %dma_wait3A_835 = tpu.memref_slice %arg11[%dma_wait3A_833, %dma_wait3A_834] : memref<8x5120xf32, #tpu.memory_space<vmem>> -> memref<8x1280xf32, #tpu.memory_space<vmem>>
    %dma_wait3A_836 = arith.constant 208 : i32
    %dma_wait3A_837 = tpu.memref_slice %arg13[%dma_wait3A_836] : memref<512xi32, #tpu.memory_space<vmem>> -> memref<8xi32, #tpu.memory_space<vmem>>
    %dma_wait3A_838 = arith.constant 0 : i32
    %dma_wait3A_839 = arith.constant 0 : i32
    %dma_wait3A_840 = tpu.memref_slice %arg3[%dma_wait3A_838, %dma_wait3A_839] : memref<12288x1280xf32, #tpu.memory_space<hbm>> -> memref<12288x1280xf32, #tpu.memory_space<hbm>>
    tpu.wait_indirect_dma semaphore(%arg14 : memref<!tpu.dma_semaphore, #tpu.memory_space<semaphore_mem>>) src(%dma_wait3A_840 : memref<12288x1280xf32, #tpu.memory_space<hbm>>) dst(%dma_wait3A_835 : memref<8x1280xf32, #tpu.memory_space<vmem>>)
    %dma_wait3A_841 = arith.constant 0 : i32
    %dma_wait3A_842 = arith.constant 2560 : i32
    %dma_wait3A_843 = tpu.memref_slice %arg11[%dma_wait3A_841, %dma_wait3A_842] : memref<8x5120xf32, #tpu.memory_space<vmem>> -> memref<8x1280xf32, #tpu.memory_space<vmem>>
    %dma_wait3A_844 = arith.constant 336 : i32
    %dma_wait3A_845 = tpu.memref_slice %arg13[%dma_wait3A_844] : memref<512xi32, #tpu.memory_space<vmem>> -> memref<8xi32, #tpu.memory_space<vmem>>
    %dma_wait3A_846 = arith.constant 0 : i32
    %dma_wait3A_847 = arith.constant 0 : i32
    %dma_wait3A_848 = tpu.memref_slice %arg3[%dma_wait3A_846, %dma_wait3A_847] : memref<12288x1280xf32, #tpu.memory_space<hbm>> -> memref<12288x1280xf32, #tpu.memory_space<hbm>>
    tpu.wait_indirect_dma semaphore(%arg14 : memref<!tpu.dma_semaphore, #tpu.memory_space<semaphore_mem>>) src(%dma_wait3A_848 : memref<12288x1280xf32, #tpu.memory_space<hbm>>) dst(%dma_wait3A_843 : memref<8x1280xf32, #tpu.memory_space<vmem>>)
    %dma_wait3A_849 = arith.constant 0 : i32
    %dma_wait3A_850 = arith.constant 3840 : i32
    %dma_wait3A_851 = tpu.memref_slice %arg11[%dma_wait3A_849, %dma_wait3A_850] : memref<8x5120xf32, #tpu.memory_space<vmem>> -> memref<8x1280xf32, #tpu.memory_space<vmem>>
    %dma_wait3A_852 = arith.constant 464 : i32
    %dma_wait3A_853 = tpu.memref_slice %arg13[%dma_wait3A_852] : memref<512xi32, #tpu.memory_space<vmem>> -> memref<8xi32, #tpu.memory_space<vmem>>
    %dma_wait3A_854 = arith.constant 0 : i32
    %dma_wait3A_855 = arith.constant 0 : i32
    %dma_wait3A_856 = tpu.memref_slice %arg3[%dma_wait3A_854, %dma_wait3A_855] : memref<12288x1280xf32, #tpu.memory_space<hbm>> -> memref<12288x1280xf32, #tpu.memory_space<hbm>>
    tpu.wait_indirect_dma semaphore(%arg14 : memref<!tpu.dma_semaphore, #tpu.memory_space<semaphore_mem>>) src(%dma_wait3A_856 : memref<12288x1280xf32, #tpu.memory_space<hbm>>) dst(%dma_wait3A_851 : memref<8x1280xf32, #tpu.memory_space<vmem>>)
    %mul3A_857 = arith.constant 96 : i32
    %mul3A_858 = arith.muli %add3A, %mul3A_857 : i32
    %add3A_859 = arith.constant 80 : i32
    %add3A_860 = arith.addi %mul3A_858, %add3A_859 : i32
    %dma_start3A_861 = arith.constant 0 : i32
    %dma_start3A_862 = tpu.memref_slice %arg7[%add3A_860, %dma_start3A_861] : memref<3072x5120xf32, #tpu.memory_space<hbm>> -> memref<8x5120xf32, #tpu.memory_space<hbm>>
    %dma_start3A_863 = arith.constant 0 : i32
    %dma_start3A_864 = tpu.memref_slice %arg7[%add3A_860, %dma_start3A_863] : memref<3072x5120xf32, #tpu.memory_space<hbm>> -> memref<8x5120xf32, #tpu.memory_space<hbm>>
    tpu.enqueue_dma source(%arg11 : memref<8x5120xf32, #tpu.memory_space<vmem>>) target(%dma_start3A_864 : memref<8x5120xf32, #tpu.memory_space<hbm>>) target_semaphore(%arg16 : memref<!tpu.dma_semaphore, #tpu.memory_space<semaphore_mem>>)
    %dma_wait3A_865 = arith.constant 0 : i32
    %dma_wait3A_866 = arith.constant 0 : i32
    %dma_wait3A_867 = tpu.memref_slice %arg12[%dma_wait3A_865, %dma_wait3A_866] : memref<8x5120xf32, #tpu.memory_space<vmem>> -> memref<8x1280xf32, #tpu.memory_space<vmem>>
    %dma_wait3A_868 = arith.constant 88 : i32
    %dma_wait3A_869 = tpu.memref_slice %arg13[%dma_wait3A_868] : memref<512xi32, #tpu.memory_space<vmem>> -> memref<8xi32, #tpu.memory_space<vmem>>
    %dma_wait3A_870 = arith.constant 0 : i32
    %dma_wait3A_871 = arith.constant 0 : i32
    %dma_wait3A_872 = tpu.memref_slice %arg3[%dma_wait3A_870, %dma_wait3A_871] : memref<12288x1280xf32, #tpu.memory_space<hbm>> -> memref<12288x1280xf32, #tpu.memory_space<hbm>>
    tpu.wait_indirect_dma semaphore(%arg15 : memref<!tpu.dma_semaphore, #tpu.memory_space<semaphore_mem>>) src(%dma_wait3A_872 : memref<12288x1280xf32, #tpu.memory_space<hbm>>) dst(%dma_wait3A_867 : memref<8x1280xf32, #tpu.memory_space<vmem>>)
    %dma_wait3A_873 = arith.constant 0 : i32
    %dma_wait3A_874 = arith.constant 1280 : i32
    %dma_wait3A_875 = tpu.memref_slice %arg12[%dma_wait3A_873, %dma_wait3A_874] : memref<8x5120xf32, #tpu.memory_space<vmem>> -> memref<8x1280xf32, #tpu.memory_space<vmem>>
    %dma_wait3A_876 = arith.constant 216 : i32
    %dma_wait3A_877 = tpu.memref_slice %arg13[%dma_wait3A_876] : memref<512xi32, #tpu.memory_space<vmem>> -> memref<8xi32, #tpu.memory_space<vmem>>
    %dma_wait3A_878 = arith.constant 0 : i32
    %dma_wait3A_879 = arith.constant 0 : i32
    %dma_wait3A_880 = tpu.memref_slice %arg3[%dma_wait3A_878, %dma_wait3A_879] : memref<12288x1280xf32, #tpu.memory_space<hbm>> -> memref<12288x1280xf32, #tpu.memory_space<hbm>>
    tpu.wait_indirect_dma semaphore(%arg15 : memref<!tpu.dma_semaphore, #tpu.memory_space<semaphore_mem>>) src(%dma_wait3A_880 : memref<12288x1280xf32, #tpu.memory_space<hbm>>) dst(%dma_wait3A_875 : memref<8x1280xf32, #tpu.memory_space<vmem>>)
    %dma_wait3A_881 = arith.constant 0 : i32
    %dma_wait3A_882 = arith.constant 2560 : i32
    %dma_wait3A_883 = tpu.memref_slice %arg12[%dma_wait3A_881, %dma_wait3A_882] : memref<8x5120xf32, #tpu.memory_space<vmem>> -> memref<8x1280xf32, #tpu.memory_space<vmem>>
    %dma_wait3A_884 = arith.constant 344 : i32
    %dma_wait3A_885 = tpu.memref_slice %arg13[%dma_wait3A_884] : memref<512xi32, #tpu.memory_space<vmem>> -> memref<8xi32, #tpu.memory_space<vmem>>
    %dma_wait3A_886 = arith.constant 0 : i32
    %dma_wait3A_887 = arith.constant 0 : i32
    %dma_wait3A_888 = tpu.memref_slice %arg3[%dma_wait3A_886, %dma_wait3A_887] : memref<12288x1280xf32, #tpu.memory_space<hbm>> -> memref<12288x1280xf32, #tpu.memory_space<hbm>>
    tpu.wait_indirect_dma semaphore(%arg15 : memref<!tpu.dma_semaphore, #tpu.memory_space<semaphore_mem>>) src(%dma_wait3A_888 : memref<12288x1280xf32, #tpu.memory_space<hbm>>) dst(%dma_wait3A_883 : memref<8x1280xf32, #tpu.memory_space<vmem>>)
    %dma_wait3A_889 = arith.constant 0 : i32
    %dma_wait3A_890 = arith.constant 3840 : i32
    %dma_wait3A_891 = tpu.memref_slice %arg12[%dma_wait3A_889, %dma_wait3A_890] : memref<8x5120xf32, #tpu.memory_space<vmem>> -> memref<8x1280xf32, #tpu.memory_space<vmem>>
    %dma_wait3A_892 = arith.constant 472 : i32
    %dma_wait3A_893 = tpu.memref_slice %arg13[%dma_wait3A_892] : memref<512xi32, #tpu.memory_space<vmem>> -> memref<8xi32, #tpu.memory_space<vmem>>
    %dma_wait3A_894 = arith.constant 0 : i32
    %dma_wait3A_895 = arith.constant 0 : i32
    %dma_wait3A_896 = tpu.memref_slice %arg3[%dma_wait3A_894, %dma_wait3A_895] : memref<12288x1280xf32, #tpu.memory_space<hbm>> -> memref<12288x1280xf32, #tpu.memory_space<hbm>>
    tpu.wait_indirect_dma semaphore(%arg15 : memref<!tpu.dma_semaphore, #tpu.memory_space<semaphore_mem>>) src(%dma_wait3A_896 : memref<12288x1280xf32, #tpu.memory_space<hbm>>) dst(%dma_wait3A_891 : memref<8x1280xf32, #tpu.memory_space<vmem>>)
    %mul3A_897 = arith.constant 96 : i32
    %mul3A_898 = arith.muli %add3A, %mul3A_897 : i32
    %add3A_899 = arith.constant 88 : i32
    %add3A_900 = arith.addi %mul3A_898, %add3A_899 : i32
    %dma_start3A_901 = arith.constant 0 : i32
    %dma_start3A_902 = tpu.memref_slice %arg7[%add3A_900, %dma_start3A_901] : memref<3072x5120xf32, #tpu.memory_space<hbm>> -> memref<8x5120xf32, #tpu.memory_space<hbm>>
    %dma_start3A_903 = arith.constant 0 : i32
    %dma_start3A_904 = tpu.memref_slice %arg7[%add3A_900, %dma_start3A_903] : memref<3072x5120xf32, #tpu.memory_space<hbm>> -> memref<8x5120xf32, #tpu.memory_space<hbm>>
    tpu.enqueue_dma source(%arg12 : memref<8x5120xf32, #tpu.memory_space<vmem>>) target(%dma_start3A_904 : memref<8x5120xf32, #tpu.memory_space<hbm>>) target_semaphore(%arg17 : memref<!tpu.dma_semaphore, #tpu.memory_space<semaphore_mem>>)
    %dma_wait3A_905 = arith.constant 0 : i32
    %dma_wait3A_906 = tpu.memref_slice %arg7[%add3A_860, %dma_wait3A_905] : memref<3072x5120xf32, #tpu.memory_space<hbm>> -> memref<8x5120xf32, #tpu.memory_space<hbm>>
    %dma_wait3A_907 = arith.constant 0 : i32
    %dma_wait3A_908 = tpu.memref_slice %arg7[%add3A_860, %dma_wait3A_907] : memref<3072x5120xf32, #tpu.memory_space<hbm>> -> memref<8x5120xf32, #tpu.memory_space<hbm>>
    tpu.wait_dma2 semaphore(%arg16 : memref<!tpu.dma_semaphore, #tpu.memory_space<semaphore_mem>>) src(%arg11 : memref<8x5120xf32, #tpu.memory_space<vmem>>) dst(%dma_wait3A_908 : memref<8x5120xf32, #tpu.memory_space<hbm>>)
    %dma_wait3A_909 = arith.constant 0 : i32
    %dma_wait3A_910 = tpu.memref_slice %arg7[%add3A_900, %dma_wait3A_909] : memref<3072x5120xf32, #tpu.memory_space<hbm>> -> memref<8x5120xf32, #tpu.memory_space<hbm>>
    %dma_wait3A_911 = arith.constant 0 : i32
    %dma_wait3A_912 = tpu.memref_slice %arg7[%add3A_900, %dma_wait3A_911] : memref<3072x5120xf32, #tpu.memory_space<hbm>> -> memref<8x5120xf32, #tpu.memory_space<hbm>>
    tpu.wait_dma2 semaphore(%arg17 : memref<!tpu.dma_semaphore, #tpu.memory_space<semaphore_mem>>) src(%arg12 : memref<8x5120xf32, #tpu.memory_space<vmem>>) dst(%dma_wait3A_912 : memref<8x5120xf32, #tpu.memory_space<hbm>>)
    %lt3A = arith.constant 4 : i32
    %lt3A_913 = arith.cmpi slt, %add3A, %lt3A : i32
    %convert_element_type3A = arith.extui %lt3A_913 : i1 to i32
    %cond3A = arith.constant 0 : i32
    %cond3A_914 = arith.cmpi ne, %convert_element_type3A, %cond3A : i32
    scf.if %cond3A_914 {
      "tpu.region"() ({
        %run_scoped3A_1009 = tpu.sem_alloc : memref<!tpu.dma_semaphore, #tpu.memory_space<semaphore_mem>>
        %dma_start3A_1010 = arith.constant 0 : i32
        %dma_start3A_1011 = tpu.memref_slice %arg4[%add3A, %dma_start3A_1010] : memref<4x4096xi32, #tpu.memory_space<hbm>> -> memref<1x4096xi32, #tpu.memory_space<hbm>>
        %dma_start3A_1012 = tpu.memref_squeeze %dma_start3A_1011 : memref<1x4096xi32, #tpu.memory_space<hbm>> -> memref<4096xi32, #tpu.memory_space<hbm>>
        %dma_start3A_1013 = arith.constant 0 : i32
        %dma_start3A_1014 = tpu.memref_slice %arg4[%add3A, %dma_start3A_1013] : memref<4x4096xi32, #tpu.memory_space<hbm>> -> memref<1x4096xi32, #tpu.memory_space<hbm>>
        %dma_start3A_1015 = tpu.memref_squeeze %dma_start3A_1014 : memref<1x4096xi32, #tpu.memory_space<hbm>> -> memref<4096xi32, #tpu.memory_space<hbm>>
        tpu.enqueue_dma source(%dma_start3A_1015 : memref<4096xi32, #tpu.memory_space<hbm>>) target(%arg18 : memref<4096xi32, #tpu.memory_space<vmem>>) target_semaphore(%run_scoped3A_1009 : memref<!tpu.dma_semaphore, #tpu.memory_space<semaphore_mem>>)
        %dma_wait3A_1016 = arith.constant 0 : i32
        %dma_wait3A_1017 = tpu.memref_slice %arg4[%add3A, %dma_wait3A_1016] : memref<4x4096xi32, #tpu.memory_space<hbm>> -> memref<1x4096xi32, #tpu.memory_space<hbm>>
        %dma_wait3A_1018 = tpu.memref_squeeze %dma_wait3A_1017 : memref<1x4096xi32, #tpu.memory_space<hbm>> -> memref<4096xi32, #tpu.memory_space<hbm>>
        %dma_wait3A_1019 = arith.constant 0 : i32
        %dma_wait3A_1020 = tpu.memref_slice %arg4[%add3A, %dma_wait3A_1019] : memref<4x4096xi32, #tpu.memory_space<hbm>> -> memref<1x4096xi32, #tpu.memory_space<hbm>>
        %dma_wait3A_1021 = tpu.memref_squeeze %dma_wait3A_1020 : memref<1x4096xi32, #tpu.memory_space<hbm>> -> memref<4096xi32, #tpu.memory_space<hbm>>
        tpu.wait_dma2 semaphore(%run_scoped3A_1009 : memref<!tpu.dma_semaphore, #tpu.memory_space<semaphore_mem>>) src(%dma_wait3A_1021 : memref<4096xi32, #tpu.memory_space<hbm>>) dst(%arg18 : memref<4096xi32, #tpu.memory_space<vmem>>)
        tpu.yield
      }) : () -> ()
      "tpu.region"() ({
        %run_scoped3A_1009 = tpu.sem_alloc : memref<!tpu.dma_semaphore, #tpu.memory_space<semaphore_mem>>
        %dma_start3A_1010 = arith.constant 0 : i32
        %dma_start3A_1011 = tpu.memref_slice %arg6[%add3A, %dma_start3A_1010] : memref<4x4096xi32, #tpu.memory_space<hbm>> -> memref<1x4096xi32, #tpu.memory_space<hbm>>
        %dma_start3A_1012 = tpu.memref_squeeze %dma_start3A_1011 : memref<1x4096xi32, #tpu.memory_space<hbm>> -> memref<4096xi32, #tpu.memory_space<hbm>>
        %dma_start3A_1013 = arith.constant 0 : i32
        %dma_start3A_1014 = tpu.memref_slice %arg6[%add3A, %dma_start3A_1013] : memref<4x4096xi32, #tpu.memory_space<hbm>> -> memref<1x4096xi32, #tpu.memory_space<hbm>>
        %dma_start3A_1015 = tpu.memref_squeeze %dma_start3A_1014 : memref<1x4096xi32, #tpu.memory_space<hbm>> -> memref<4096xi32, #tpu.memory_space<hbm>>
        tpu.enqueue_dma source(%dma_start3A_1015 : memref<4096xi32, #tpu.memory_space<hbm>>) target(%arg19 : memref<4096xi32, #tpu.memory_space<vmem>>) target_semaphore(%run_scoped3A_1009 : memref<!tpu.dma_semaphore, #tpu.memory_space<semaphore_mem>>)
        %dma_wait3A_1016 = arith.constant 0 : i32
        %dma_wait3A_1017 = tpu.memref_slice %arg6[%add3A, %dma_wait3A_1016] : memref<4x4096xi32, #tpu.memory_space<hbm>> -> memref<1x4096xi32, #tpu.memory_space<hbm>>
        %dma_wait3A_1018 = tpu.memref_squeeze %dma_wait3A_1017 : memref<1x4096xi32, #tpu.memory_space<hbm>> -> memref<4096xi32, #tpu.memory_space<hbm>>
        %dma_wait3A_1019 = arith.constant 0 : i32
        %dma_wait3A_1020 = tpu.memref_slice %arg6[%add3A, %dma_wait3A_1019] : memref<4x4096xi32, #tpu.memory_space<hbm>> -> memref<1x4096xi32, #tpu.memory_space<hbm>>
        %dma_wait3A_1021 = tpu.memref_squeeze %dma_wait3A_1020 : memref<1x4096xi32, #tpu.memory_space<hbm>> -> memref<4096xi32, #tpu.memory_space<hbm>>
        tpu.wait_dma2 semaphore(%run_scoped3A_1009 : memref<!tpu.dma_semaphore, #tpu.memory_space<semaphore_mem>>) src(%dma_wait3A_1021 : memref<4096xi32, #tpu.memory_space<hbm>>) dst(%arg19 : memref<4096xi32, #tpu.memory_space<vmem>>)
        tpu.yield
      }) : () -> ()
      %run_scoped3A = arith.constant 0 : i32
      "tpu.region"() ({
        %run_scoped3A_1009 = tpu.sem_alloc : memref<!tpu.dma_semaphore, #tpu.memory_space<semaphore_mem>>
        %dma_start3A_1010 = arith.constant 0 : i32
        %dma_start3A_1011 = tpu.memref_slice %arg5[%run_scoped3A, %add3A, %dma_start3A_1010] : memref<3x4x4096xi32, #tpu.memory_space<hbm>> -> memref<1x1x4096xi32, #tpu.memory_space<hbm>>
        %dma_start3A_1012 = tpu.memref_squeeze %dma_start3A_1011 : memref<1x1x4096xi32, #tpu.memory_space<hbm>> -> memref<4096xi32, #tpu.memory_space<hbm>>
        %dma_start3A_1013 = arith.constant 0 : i32
        %dma_start3A_1014 = tpu.memref_slice %arg5[%run_scoped3A, %add3A, %dma_start3A_1013] : memref<3x4x4096xi32, #tpu.memory_space<hbm>> -> memref<1x1x4096xi32, #tpu.memory_space<hbm>>
        %dma_start3A_1015 = tpu.memref_squeeze %dma_start3A_1014 : memref<1x1x4096xi32, #tpu.memory_space<hbm>> -> memref<4096xi32, #tpu.memory_space<hbm>>
        tpu.enqueue_dma source(%dma_start3A_1015 : memref<4096xi32, #tpu.memory_space<hbm>>) target(%arg20 : memref<4096xi32, #tpu.memory_space<vmem>>) target_semaphore(%run_scoped3A_1009 : memref<!tpu.dma_semaphore, #tpu.memory_space<semaphore_mem>>)
        %dma_wait3A_1016 = arith.constant 0 : i32
        %dma_wait3A_1017 = tpu.memref_slice %arg5[%run_scoped3A, %add3A, %dma_wait3A_1016] : memref<3x4x4096xi32, #tpu.memory_space<hbm>> -> memref<1x1x4096xi32, #tpu.memory_space<hbm>>
        %dma_wait3A_1018 = tpu.memref_squeeze %dma_wait3A_1017 : memref<1x1x4096xi32, #tpu.memory_space<hbm>> -> memref<4096xi32, #tpu.memory_space<hbm>>
        %dma_wait3A_1019 = arith.constant 0 : i32
        %dma_wait3A_1020 = tpu.memref_slice %arg5[%run_scoped3A, %add3A, %dma_wait3A_1019] : memref<3x4x4096xi32, #tpu.memory_space<hbm>> -> memref<1x1x4096xi32, #tpu.memory_space<hbm>>
        %dma_wait3A_1021 = tpu.memref_squeeze %dma_wait3A_1020 : memref<1x1x4096xi32, #tpu.memory_space<hbm>> -> memref<4096xi32, #tpu.memory_space<hbm>>
        tpu.wait_dma2 semaphore(%run_scoped3A_1009 : memref<!tpu.dma_semaphore, #tpu.memory_space<semaphore_mem>>) src(%dma_wait3A_1021 : memref<4096xi32, #tpu.memory_space<hbm>>) dst(%arg20 : memref<4096xi32, #tpu.memory_space<vmem>>)
        tpu.yield
      }) : () -> ()
      %run_scoped3A_915 = arith.constant 1 : i32
      "tpu.region"() ({
        %run_scoped3A_1009 = tpu.sem_alloc : memref<!tpu.dma_semaphore, #tpu.memory_space<semaphore_mem>>
        %dma_start3A_1010 = arith.constant 0 : i32
        %dma_start3A_1011 = tpu.memref_slice %arg5[%run_scoped3A_915, %add3A, %dma_start3A_1010] : memref<3x4x4096xi32, #tpu.memory_space<hbm>> -> memref<1x1x4096xi32, #tpu.memory_space<hbm>>
        %dma_start3A_1012 = tpu.memref_squeeze %dma_start3A_1011 : memref<1x1x4096xi32, #tpu.memory_space<hbm>> -> memref<4096xi32, #tpu.memory_space<hbm>>
        %dma_start3A_1013 = arith.constant 0 : i32
        %dma_start3A_1014 = tpu.memref_slice %arg5[%run_scoped3A_915, %add3A, %dma_start3A_1013] : memref<3x4x4096xi32, #tpu.memory_space<hbm>> -> memref<1x1x4096xi32, #tpu.memory_space<hbm>>
        %dma_start3A_1015 = tpu.memref_squeeze %dma_start3A_1014 : memref<1x1x4096xi32, #tpu.memory_space<hbm>> -> memref<4096xi32, #tpu.memory_space<hbm>>
        tpu.enqueue_dma source(%dma_start3A_1015 : memref<4096xi32, #tpu.memory_space<hbm>>) target(%arg21 : memref<4096xi32, #tpu.memory_space<vmem>>) target_semaphore(%run_scoped3A_1009 : memref<!tpu.dma_semaphore, #tpu.memory_space<semaphore_mem>>)
        %dma_wait3A_1016 = arith.constant 0 : i32
        %dma_wait3A_1017 = tpu.memref_slice %arg5[%run_scoped3A_915, %add3A, %dma_wait3A_1016] : memref<3x4x4096xi32, #tpu.memory_space<hbm>> -> memref<1x1x4096xi32, #tpu.memory_space<hbm>>
        %dma_wait3A_1018 = tpu.memref_squeeze %dma_wait3A_1017 : memref<1x1x4096xi32, #tpu.memory_space<hbm>> -> memref<4096xi32, #tpu.memory_space<hbm>>
        %dma_wait3A_1019 = arith.constant 0 : i32
        %dma_wait3A_1020 = tpu.memref_slice %arg5[%run_scoped3A_915, %add3A, %dma_wait3A_1019] : memref<3x4x4096xi32, #tpu.memory_space<hbm>> -> memref<1x1x4096xi32, #tpu.memory_space<hbm>>
        %dma_wait3A_1021 = tpu.memref_squeeze %dma_wait3A_1020 : memref<1x1x4096xi32, #tpu.memory_space<hbm>> -> memref<4096xi32, #tpu.memory_space<hbm>>
        tpu.wait_dma2 semaphore(%run_scoped3A_1009 : memref<!tpu.dma_semaphore, #tpu.memory_space<semaphore_mem>>) src(%dma_wait3A_1021 : memref<4096xi32, #tpu.memory_space<hbm>>) dst(%arg21 : memref<4096xi32, #tpu.memory_space<vmem>>)
        tpu.yield
      }) : () -> ()
      %run_scoped3A_916 = arith.constant 2 : i32
      "tpu.region"() ({
        %run_scoped3A_1009 = tpu.sem_alloc : memref<!tpu.dma_semaphore, #tpu.memory_space<semaphore_mem>>
        %dma_start3A_1010 = arith.constant 0 : i32
        %dma_start3A_1011 = tpu.memref_slice %arg5[%run_scoped3A_916, %add3A, %dma_start3A_1010] : memref<3x4x4096xi32, #tpu.memory_space<hbm>> -> memref<1x1x4096xi32, #tpu.memory_space<hbm>>
        %dma_start3A_1012 = tpu.memref_squeeze %dma_start3A_1011 : memref<1x1x4096xi32, #tpu.memory_space<hbm>> -> memref<4096xi32, #tpu.memory_space<hbm>>
        %dma_start3A_1013 = arith.constant 0 : i32
        %dma_start3A_1014 = tpu.memref_slice %arg5[%run_scoped3A_916, %add3A, %dma_start3A_1013] : memref<3x4x4096xi32, #tpu.memory_space<hbm>> -> memref<1x1x4096xi32, #tpu.memory_space<hbm>>
        %dma_start3A_1015 = tpu.memref_squeeze %dma_start3A_1014 : memref<1x1x4096xi32, #tpu.memory_space<hbm>> -> memref<4096xi32, #tpu.memory_space<hbm>>
        tpu.enqueue_dma source(%dma_start3A_1015 : memref<4096xi32, #tpu.memory_space<hbm>>) target(%arg22 : memref<4096xi32, #tpu.memory_space<vmem>>) target_semaphore(%run_scoped3A_1009 : memref<!tpu.dma_semaphore, #tpu.memory_space<semaphore_mem>>)
        %dma_wait3A_1016 = arith.constant 0 : i32
        %dma_wait3A_1017 = tpu.memref_slice %arg5[%run_scoped3A_916, %add3A, %dma_wait3A_1016] : memref<3x4x4096xi32, #tpu.memory_space<hbm>> -> memref<1x1x4096xi32, #tpu.memory_space<hbm>>
        %dma_wait3A_1018 = tpu.memref_squeeze %dma_wait3A_1017 : memref<1x1x4096xi32, #tpu.memory_space<hbm>> -> memref<4096xi32, #tpu.memory_space<hbm>>
        %dma_wait3A_1019 = arith.constant 0 : i32
        %dma_wait3A_1020 = tpu.memref_slice %arg5[%run_scoped3A_916, %add3A, %dma_wait3A_1019] : memref<3x4x4096xi32, #tpu.memory_space<hbm>> -> memref<1x1x4096xi32, #tpu.memory_space<hbm>>
        %dma_wait3A_1021 = tpu.memref_squeeze %dma_wait3A_1020 : memref<1x1x4096xi32, #tpu.memory_space<hbm>> -> memref<4096xi32, #tpu.memory_space<hbm>>
        tpu.wait_dma2 semaphore(%run_scoped3A_1009 : memref<!tpu.dma_semaphore, #tpu.memory_space<semaphore_mem>>) src(%dma_wait3A_1021 : memref<4096xi32, #tpu.memory_space<hbm>>) dst(%arg22 : memref<4096xi32, #tpu.memory_space<vmem>>)
        tpu.yield
      }) : () -> ()
      %broadcast_in_dim3A = arith.constant -4096 : i32
      %broadcast_in_dim3A_917 = vector.broadcast %broadcast_in_dim3A : i32 to vector<16xi32>
      %broadcast_in_dim3A_918 = arith.constant -1 : i32
      %broadcast_in_dim3A_919 = vector.broadcast %broadcast_in_dim3A_918 : i32 to vector<16xi32>
      %scan3A = arith.constant 0 : i32
      %scan3A_920 = arith.constant 256 : i32
      %scan3A_921 = arith.addi %scan3A, %scan3A_920 : i32
      %scan3A_922 = arith.constant 1 : i32
      %scan3A_923:2 = scf.for %scan3A_1009 = %scan3A to %scan3A_921 step %scan3A_922 iter_args(%scan3A_1010 = %broadcast_in_dim3A_917, %scan3A_1011 = %broadcast_in_dim3A_919) -> (vector<16xi32>, vector<16xi32>)  : i32 {
        %mul3A_1012 = arith.constant 16 : i32
        %mul3A_1013 = arith.muli %scan3A_1009, %mul3A_1012 : i32
        %add3A_1014 = vector.broadcast %mul3A_1013 : i32 to vector<16xi32>
        %add3A_1015 = arith.addi %iota3A, %add3A_1014 : vector<16xi32>
        %mul3A_1016 = arith.constant 16 : i32
        %mul3A_1017 = arith.muli %scan3A_1009, %mul3A_1016 : i32
        %get3A = arith.index_cast %mul3A_1017 : i32 to index
        %get3A_1018 = tpu.vector_load %arg18[%get3A] {strides = array<i32>} : memref<4096xi32, #tpu.memory_space<vmem>>, vector<16xi32>,
        %eq3A = arith.constant 151655 : i32
        %eq3A_1019 = vector.broadcast %eq3A : i32 to vector<16xi32>
        %eq3A_1020 = arith.cmpi eq, %get3A_1018, %eq3A_1019 : vector<16xi32>
        %eq3A_1021 = arith.constant 151656 : i32
        %eq3A_1022 = vector.broadcast %eq3A_1021 : i32 to vector<16xi32>
        %eq3A_1023 = arith.cmpi eq, %get3A_1018, %eq3A_1022 : vector<16xi32>
        %or3A = arith.ori %eq3A_1020, %eq3A_1023 : vector<16xi1>
        %neg3A_1024 = arith.constant 0 : i32
        %neg3A_1025 = vector.broadcast %neg3A_1024 : i32 to vector<16xi32>
        %neg3A_1026 = arith.subi %neg3A_1025, %add3A_1015 : vector<16xi32>
        %jit3A = arith.constant -4096 : i32
        %broadcast_in_dim3A_1027 = vector.broadcast %jit3A : i32 to vector<16xi32>
        %select_n3A = arith.select %or3A, %neg3A_1026, %broadcast_in_dim3A_1027 : vector<16xi1>, vector<16xi32>
        %max3A = arith.maxsi %scan3A_1010, %select_n3A : vector<16xi32>
        %jit3A_1028 = arith.constant -1 : i32
        %broadcast_in_dim3A_1029 = vector.broadcast %jit3A_1028 : i32 to vector<16xi32>
        %select_n3A_1030 = arith.select %or3A, %add3A_1015, %broadcast_in_dim3A_1029 : vector<16xi1>, vector<16xi32>
        %max3A_1031 = arith.maxsi %scan3A_1011, %select_n3A_1030 : vector<16xi32>
        scf.yield %max3A, %max3A_1031 : vector<16xi32>, vector<16xi32>
      }
      %scan3A_924 = arith.constant 256 : i32
      %reduce_max3A = arith.constant true
      %reduce_max3A_925 = vector.broadcast %reduce_max3A : i1 to vector<16xi1>
      %reduce_max3A_926 = arith.constant -2147483648 : i32
      %reduce_max3A_927 = vector.broadcast %reduce_max3A_926 : i32 to vector<16xi32>
      %reduce_max3A_928 = arith.xori %scan3A_923#0, %reduce_max3A_927 : vector<16xi32>
      %reduce_max3A_929 = tpu.scan <max>, %reduce_max3A_928 masked %reduce_max3A_925 : vector<16xi32>, vector<16xi1> -> vector<16xi32>
      %reduce_max3A_930 = arith.xori %reduce_max3A_929, %reduce_max3A_927 : vector<16xi32>
      %reduce_max3A_931 = vector.extract %reduce_max3A_930[15] : i32 from vector<16xi32>
      %neg3A = arith.constant 0 : i32
      %neg3A_932 = arith.subi %neg3A, %reduce_max3A_931 : i32
      %reduce_max3A_933 = arith.constant true
      %reduce_max3A_934 = vector.broadcast %reduce_max3A_933 : i1 to vector<16xi1>
      %reduce_max3A_935 = arith.constant -2147483648 : i32
      %reduce_max3A_936 = vector.broadcast %reduce_max3A_935 : i32 to vector<16xi32>
      %reduce_max3A_937 = arith.xori %scan3A_923#1, %reduce_max3A_936 : vector<16xi32>
      %reduce_max3A_938 = tpu.scan <max>, %reduce_max3A_937 masked %reduce_max3A_934 : vector<16xi32>, vector<16xi1> -> vector<16xi32>
      %reduce_max3A_939 = arith.xori %reduce_max3A_938, %reduce_max3A_936 : vector<16xi32>
      %reduce_max3A_940 = vector.extract %reduce_max3A_939[15] : i32 from vector<16xi32>
      %scan3A_941 = arith.constant 0 : i32
      %scan3A_942 = arith.constant 0 : i32
      %scan3A_943 = arith.constant 256 : i32
      %scan3A_944 = arith.addi %scan3A_942, %scan3A_943 : i32
      %scan3A_945 = arith.constant 1 : i32
      %scan3A_946 = scf.for %scan3A_1009 = %scan3A_942 to %scan3A_944 step %scan3A_945 iter_args(%scan3A_1010 = %scan3A_941) -> (i32)  : i32 {
        %mul3A_1011 = arith.constant 16 : i32
        %mul3A_1012 = arith.muli %scan3A_1009, %mul3A_1011 : i32
        %add3A_1013 = vector.broadcast %mul3A_1012 : i32 to vector<16xi32>
        %add3A_1014 = arith.addi %iota3A, %add3A_1013 : vector<16xi32>
        %lt3A_1015 = vector.broadcast %neg3A_932 : i32 to vector<16xi32>
        %lt3A_1016 = arith.cmpi slt, %add3A_1014, %lt3A_1015 : vector<16xi32>
        %gt3A = vector.broadcast %reduce_max3A_940 : i32 to vector<16xi32>
        %gt3A_1017 = arith.cmpi sgt, %add3A_1014, %gt3A : vector<16xi32>
        %or3A = arith.ori %lt3A_1016, %gt3A_1017 : vector<16xi1>
        %convert_element_type3A_1018 = arith.extui %or3A : vector<16xi1> to vector<16xi32>
        %mul3A_1019 = arith.constant 16 : i32
        %mul3A_1020 = arith.muli %scan3A_1009, %mul3A_1019 : i32
        %swap3A = arith.index_cast %mul3A_1020 : i32 to index
        %swap3A_1021 = tpu.vector_load %arg23[%swap3A] {strides = array<i32>} : memref<4096xi32, #tpu.memory_space<vmem>>, vector<16xi32>,
        tpu.vector_store %arg23[%swap3A], %convert_element_type3A_1018 {strides = array<i32>} : memref<4096xi32, #tpu.memory_space<vmem>>, vector<16xi32>,
        %scan3A_1022 = arith.constant 0 : i32
        scf.yield %scan3A_1022 : i32
      }
      %scan3A_947 = arith.constant 256 : i32
      %convert_element_type3A_948 = arith.sitofp %neg3A_932 : i32 to f32
      %convert_element_type3A_949 = arith.sitofp %reduce_max3A_940 : i32 to f32
      %scan3A_950 = arith.constant 0 : i32
      %scan3A_951 = arith.constant 0 : i32
      %scan3A_952 = arith.constant 12 : i32
      %scan3A_953 = arith.addi %scan3A_951, %scan3A_952 : i32
      %scan3A_954 = arith.constant 1 : i32
      %scan3A_955 = scf.for %scan3A_1009 = %scan3A_951 to %scan3A_953 step %scan3A_954 iter_args(%scan3A_1010 = %scan3A_950) -> (i32)  : i32 {
        %mul3A_1011 = arith.constant 16 : i32
        %mul3A_1012 = arith.muli %scan3A_1009, %mul3A_1011 : i32
        %add3A_1013 = vector.broadcast %mul3A_1012 : i32 to vector<16xi32>
        %add3A_1014 = arith.addi %iota3A, %add3A_1013 : vector<16xi32>
        %convert_element_type3A_1015 = arith.sitofp %add3A_1014 : vector<16xi32> to vector<16xf32>
        %div3A = arith.constant 1.910000e+02 : f32
        %div3A_1016 = vector.broadcast %div3A : f32 to vector<16xf32>
        %div3A_1017 = arith.divf %convert_element_type3A_1015, %div3A_1016 : vector<16xf32>
        %sub3A = arith.constant 1.000000e+00 : f32
        %sub3A_1018 = vector.broadcast %sub3A : f32 to vector<16xf32>
        %sub3A_1019 = arith.subf %sub3A_1018, %div3A_1017 : vector<16xf32>
        %mul3A_1020 = vector.broadcast %convert_element_type3A_948 : f32 to vector<16xf32>
        %mul3A_1021 = arith.mulf %mul3A_1020, %sub3A_1019 : vector<16xf32>
        %mul3A_1022 = vector.broadcast %convert_element_type3A_949 : f32 to vector<16xf32>
        %mul3A_1023 = arith.mulf %mul3A_1022, %div3A_1017 : vector<16xf32>
        %add3A_1024 = arith.addf %mul3A_1021, %mul3A_1023 : vector<16xf32>
        %convert_element_type3A_1025 = arith.fptosi %add3A_1024 : vector<16xf32> to vector<16xi32>
        %broadcast_in_dim3A_1026 = arith.constant 1 : i32
        %broadcast_in_dim3A_1027 = vector.broadcast %broadcast_in_dim3A_1026 : i32 to vector<16xi32>
        tpu.vector_store_idx %arg23[%convert_element_type3A_1025], %broadcast_in_dim3A_1027 : memref<4096xi32, #tpu.memory_space<vmem>>[vector<16xi32>], vector<16xi32>,
        %scan3A_1028 = arith.constant 0 : i32
        scf.yield %scan3A_1028 : i32
      }
      %scan3A_956 = arith.constant 12 : i32
      %scan3A_957 = arith.constant 0 : i32
      %scan3A_958 = arith.constant 0 : i32
      %scan3A_959 = arith.constant 220 : i32
      %scan3A_960 = arith.addi %scan3A_958, %scan3A_959 : i32
      %scan3A_961 = arith.constant 1 : i32
      %scan3A_962 = scf.for %scan3A_1009 = %scan3A_958 to %scan3A_960 step %scan3A_961 iter_args(%scan3A_1010 = %scan3A_957) -> (i32)  : i32 {
        %broadcast_in_dim3A_1011 = arith.constant 0 : i32
        %broadcast_in_dim3A_1012 = vector.broadcast %broadcast_in_dim3A_1011 : i32 to vector<16xi32>
        %mul3A_1013 = arith.constant 16 : i32
        %mul3A_1014 = arith.muli %scan3A_1009, %mul3A_1013 : i32
        %swap3A = arith.index_cast %mul3A_1014 : i32 to index
        %swap3A_1015 = tpu.vector_load %arg24[%swap3A] {strides = array<i32>} : memref<3520xi32, #tpu.memory_space<vmem>>, vector<16xi32>,
        tpu.vector_store %arg24[%swap3A], %broadcast_in_dim3A_1012 {strides = array<i32>} : memref<3520xi32, #tpu.memory_space<vmem>>, vector<16xi32>,
        %scan3A_1016 = arith.constant 0 : i32
        scf.yield %scan3A_1016 : i32
      }
      %scan3A_963 = arith.constant 220 : i32
      %scan3A_964 = arith.constant 0 : i32
      %scan3A_965 = arith.constant 0 : i32
      %scan3A_966 = arith.constant 256 : i32
      %scan3A_967 = arith.addi %scan3A_965, %scan3A_966 : i32
      %scan3A_968 = arith.constant 1 : i32
      %scan3A_969 = scf.for %scan3A_1009 = %scan3A_965 to %scan3A_967 step %scan3A_968 iter_args(%scan3A_1010 = %scan3A_964) -> (i32)  : i32 {
        %mul3A_1011 = arith.constant 16 : i32
        %mul3A_1012 = arith.muli %scan3A_1009, %mul3A_1011 : i32
        %add3A_1013 = vector.broadcast %mul3A_1012 : i32 to vector<16xi32>
        %add3A_1014 = arith.addi %iota3A, %add3A_1013 : vector<16xi32>
        %mul3A_1015 = arith.constant 16 : i32
        %mul3A_1016 = arith.muli %scan3A_1009, %mul3A_1015 : i32
        %get3A = arith.index_cast %mul3A_1016 : i32 to index
        %get3A_1017 = tpu.vector_load %arg23[%get3A] {strides = array<i32>} : memref<4096xi32, #tpu.memory_space<vmem>>, vector<16xi32>,
        %mul3A_1018 = arith.constant 16 : i32
        %mul3A_1019 = arith.muli %scan3A_1009, %mul3A_1018 : i32
        %get3A_1020 = arith.index_cast %mul3A_1019 : i32 to index
        %get3A_1021 = tpu.vector_load %arg19[%get3A_1020] {strides = array<i32>} : memref<4096xi32, #tpu.memory_space<vmem>>, vector<16xi32>,
        %ne3A = arith.constant 0 : i32
        %ne3A_1022 = vector.broadcast %ne3A : i32 to vector<16xi32>
        %ne3A_1023 = arith.cmpi ne, %get3A_1021, %ne3A_1022 : vector<16xi32>
        %jit3A = arith.constant 0 : i32
        %broadcast_in_dim3A_1024 = vector.broadcast %jit3A : i32 to vector<16xi32>
        %select_n3A = arith.select %ne3A_1023, %get3A_1017, %broadcast_in_dim3A_1024 : vector<16xi1>, vector<16xi32>
        %broadcast_in_dim3A_1025 = arith.constant true
        %broadcast_in_dim3A_1026 = vector.broadcast %broadcast_in_dim3A_1025 : i1 to vector<16xi1>
        %masked_cumsum3A = tpu.scan <sum>, %select_n3A masked %broadcast_in_dim3A_1026 : vector<16xi32>, vector<16xi1> -> vector<16xi32>
        %add3A_1027 = vector.broadcast %scan3A_1010 : i32 to vector<16xi32>
        %add3A_1028 = arith.addi %add3A_1027, %masked_cumsum3A : vector<16xi32>
        %sub3A = arith.subi %add3A_1028, %select_n3A : vector<16xi32>
        %gt3A = arith.constant 0 : i32
        %gt3A_1029 = vector.broadcast %gt3A : i32 to vector<16xi32>
        %gt3A_1030 = arith.cmpi sgt, %select_n3A, %gt3A_1029 : vector<16xi32>
        %lt3A_1031 = arith.constant 3520 : i32
        %lt3A_1032 = vector.broadcast %lt3A_1031 : i32 to vector<16xi32>
        %lt3A_1033 = arith.cmpi slt, %sub3A, %lt3A_1032 : vector<16xi32>
        %and3A = arith.andi %gt3A_1030, %lt3A_1033 : vector<16xi1>
        tpu.vector_store_idx %arg24[%sub3A], %add3A_1014 masked %and3A : memref<3520xi32, #tpu.memory_space<vmem>>[vector<16xi32>], vector<16xi32>, vector<16xi1>
        %reduce_sum3A = arith.constant true
        %reduce_sum3A_1034 = vector.broadcast %reduce_sum3A : i1 to vector<16xi1>
        %reduce_sum3A_1035 = tpu.scan <sum>, %select_n3A masked %reduce_sum3A_1034 : vector<16xi32>, vector<16xi1> -> vector<16xi32>
        %reduce_sum3A_1036 = vector.extract %reduce_sum3A_1035[15] : i32 from vector<16xi32>
        %add3A_1037 = arith.addi %scan3A_1010, %reduce_sum3A_1036 : i32
        scf.yield %add3A_1037 : i32
      }
      %scan3A_970 = arith.constant 256 : i32
      %scan3A_971 = arith.constant 0 : i32
      %scan3A_972 = arith.constant 0 : i32
      %scan3A_973 = arith.constant 220 : i32
      %scan3A_974 = arith.addi %scan3A_972, %scan3A_973 : i32
      %scan3A_975 = arith.constant 1 : i32
      %scan3A_976 = scf.for %scan3A_1009 = %scan3A_972 to %scan3A_974 step %scan3A_975 iter_args(%scan3A_1010 = %scan3A_971) -> (i32)  : i32 {
        %mul3A_1011 = arith.constant 16 : i32
        %mul3A_1012 = arith.muli %scan3A_1009, %mul3A_1011 : i32
        %get3A = arith.index_cast %mul3A_1012 : i32 to index
        %get3A_1013 = tpu.vector_load %arg24[%get3A] {strides = array<i32>} : memref<3520xi32, #tpu.memory_space<vmem>>, vector<16xi32>,
        %gather3A = tpu.vector_load_idx %arg18[%get3A_1013] : memref<4096xi32, #tpu.memory_space<vmem>>[vector<16xi32>], vector<16xi32>,
        %mul3A_1014 = arith.constant 16 : i32
        %mul3A_1015 = arith.muli %scan3A_1009, %mul3A_1014 : i32
        %swap3A = arith.index_cast %mul3A_1015 : i32 to index
        %swap3A_1016 = tpu.vector_load %arg25[%swap3A] {strides = array<i32>} : memref<3520xi32, #tpu.memory_space<vmem>>, vector<16xi32>,
        tpu.vector_store %arg25[%swap3A], %gather3A {strides = array<i32>} : memref<3520xi32, #tpu.memory_space<vmem>>, vector<16xi32>,
        %scan3A_1017 = arith.constant 0 : i32
        scf.yield %scan3A_1017 : i32
      }
      %scan3A_977 = arith.constant 220 : i32
      "tpu.region"() ({
        %run_scoped3A_1009 = tpu.sem_alloc : memref<!tpu.dma_semaphore, #tpu.memory_space<semaphore_mem>>
        %dma_start3A_1010 = arith.constant 0 : i32
        %dma_start3A_1011 = tpu.memref_slice %arg8[%add3A, %dma_start3A_1010] : memref<4x3520xi32, #tpu.memory_space<hbm>> -> memref<1x3520xi32, #tpu.memory_space<hbm>>
        %dma_start3A_1012 = tpu.memref_squeeze %dma_start3A_1011 : memref<1x3520xi32, #tpu.memory_space<hbm>> -> memref<3520xi32, #tpu.memory_space<hbm>>
        %dma_start3A_1013 = arith.constant 0 : i32
        %dma_start3A_1014 = tpu.memref_slice %arg8[%add3A, %dma_start3A_1013] : memref<4x3520xi32, #tpu.memory_space<hbm>> -> memref<1x3520xi32, #tpu.memory_space<hbm>>
        %dma_start3A_1015 = tpu.memref_squeeze %dma_start3A_1014 : memref<1x3520xi32, #tpu.memory_space<hbm>> -> memref<3520xi32, #tpu.memory_space<hbm>>
        tpu.enqueue_dma source(%arg25 : memref<3520xi32, #tpu.memory_space<vmem>>) target(%dma_start3A_1015 : memref<3520xi32, #tpu.memory_space<hbm>>) target_semaphore(%run_scoped3A_1009 : memref<!tpu.dma_semaphore, #tpu.memory_space<semaphore_mem>>)
        %dma_wait3A_1016 = arith.constant 0 : i32
        %dma_wait3A_1017 = tpu.memref_slice %arg8[%add3A, %dma_wait3A_1016] : memref<4x3520xi32, #tpu.memory_space<hbm>> -> memref<1x3520xi32, #tpu.memory_space<hbm>>
        %dma_wait3A_1018 = tpu.memref_squeeze %dma_wait3A_1017 : memref<1x3520xi32, #tpu.memory_space<hbm>> -> memref<3520xi32, #tpu.memory_space<hbm>>
        %dma_wait3A_1019 = arith.constant 0 : i32
        %dma_wait3A_1020 = tpu.memref_slice %arg8[%add3A, %dma_wait3A_1019] : memref<4x3520xi32, #tpu.memory_space<hbm>> -> memref<1x3520xi32, #tpu.memory_space<hbm>>
        %dma_wait3A_1021 = tpu.memref_squeeze %dma_wait3A_1020 : memref<1x3520xi32, #tpu.memory_space<hbm>> -> memref<3520xi32, #tpu.memory_space<hbm>>
        tpu.wait_dma2 semaphore(%run_scoped3A_1009 : memref<!tpu.dma_semaphore, #tpu.memory_space<semaphore_mem>>) src(%arg25 : memref<3520xi32, #tpu.memory_space<vmem>>) dst(%dma_wait3A_1021 : memref<3520xi32, #tpu.memory_space<hbm>>)
        tpu.yield
      }) : () -> ()
      %scan3A_978 = arith.constant 0 : i32
      %scan3A_979 = arith.constant 0 : i32
      %scan3A_980 = arith.constant 220 : i32
      %scan3A_981 = arith.addi %scan3A_979, %scan3A_980 : i32
      %scan3A_982 = arith.constant 1 : i32
      %scan3A_983 = scf.for %scan3A_1009 = %scan3A_979 to %scan3A_981 step %scan3A_982 iter_args(%scan3A_1010 = %scan3A_978) -> (i32)  : i32 {
        %mul3A_1011 = arith.constant 16 : i32
        %mul3A_1012 = arith.muli %scan3A_1009, %mul3A_1011 : i32
        %get3A = arith.index_cast %mul3A_1012 : i32 to index
        %get3A_1013 = tpu.vector_load %arg24[%get3A] {strides = array<i32>} : memref<3520xi32, #tpu.memory_space<vmem>>, vector<16xi32>,
        %gather3A = tpu.vector_load_idx %arg19[%get3A_1013] : memref<4096xi32, #tpu.memory_space<vmem>>[vector<16xi32>], vector<16xi32>,
        %mul3A_1014 = arith.constant 16 : i32
        %mul3A_1015 = arith.muli %scan3A_1009, %mul3A_1014 : i32
        %swap3A = arith.index_cast %mul3A_1015 : i32 to index
        %swap3A_1016 = tpu.vector_load %arg25[%swap3A] {strides = array<i32>} : memref<3520xi32, #tpu.memory_space<vmem>>, vector<16xi32>,
        tpu.vector_store %arg25[%swap3A], %gather3A {strides = array<i32>} : memref<3520xi32, #tpu.memory_space<vmem>>, vector<16xi32>,
        %scan3A_1017 = arith.constant 0 : i32
        scf.yield %scan3A_1017 : i32
      }
      %scan3A_984 = arith.constant 220 : i32
      "tpu.region"() ({
        %run_scoped3A_1009 = tpu.sem_alloc : memref<!tpu.dma_semaphore, #tpu.memory_space<semaphore_mem>>
        %dma_start3A_1010 = arith.constant 0 : i32
        %dma_start3A_1011 = tpu.memref_slice %arg10[%add3A, %dma_start3A_1010] : memref<4x3520xi32, #tpu.memory_space<hbm>> -> memref<1x3520xi32, #tpu.memory_space<hbm>>
        %dma_start3A_1012 = tpu.memref_squeeze %dma_start3A_1011 : memref<1x3520xi32, #tpu.memory_space<hbm>> -> memref<3520xi32, #tpu.memory_space<hbm>>
        %dma_start3A_1013 = arith.constant 0 : i32
        %dma_start3A_1014 = tpu.memref_slice %arg10[%add3A, %dma_start3A_1013] : memref<4x3520xi32, #tpu.memory_space<hbm>> -> memref<1x3520xi32, #tpu.memory_space<hbm>>
        %dma_start3A_1015 = tpu.memref_squeeze %dma_start3A_1014 : memref<1x3520xi32, #tpu.memory_space<hbm>> -> memref<3520xi32, #tpu.memory_space<hbm>>
        tpu.enqueue_dma source(%arg25 : memref<3520xi32, #tpu.memory_space<vmem>>) target(%dma_start3A_1015 : memref<3520xi32, #tpu.memory_space<hbm>>) target_semaphore(%run_scoped3A_1009 : memref<!tpu.dma_semaphore, #tpu.memory_space<semaphore_mem>>)
        %dma_wait3A_1016 = arith.constant 0 : i32
        %dma_wait3A_1017 = tpu.memref_slice %arg10[%add3A, %dma_wait3A_1016] : memref<4x3520xi32, #tpu.memory_space<hbm>> -> memref<1x3520xi32, #tpu.memory_space<hbm>>
        %dma_wait3A_1018 = tpu.memref_squeeze %dma_wait3A_1017 : memref<1x3520xi32, #tpu.memory_space<hbm>> -> memref<3520xi32, #tpu.memory_space<hbm>>
        %dma_wait3A_1019 = arith.constant 0 : i32
        %dma_wait3A_1020 = tpu.memref_slice %arg10[%add3A, %dma_wait3A_1019] : memref<4x3520xi32, #tpu.memory_space<hbm>> -> memref<1x3520xi32, #tpu.memory_space<hbm>>
        %dma_wait3A_1021 = tpu.memref_squeeze %dma_wait3A_1020 : memref<1x3520xi32, #tpu.memory_space<hbm>> -> memref<3520xi32, #tpu.memory_space<hbm>>
        tpu.wait_dma2 semaphore(%run_scoped3A_1009 : memref<!tpu.dma_semaphore, #tpu.memory_space<semaphore_mem>>) src(%arg25 : memref<3520xi32, #tpu.memory_space<vmem>>) dst(%dma_wait3A_1021 : memref<3520xi32, #tpu.memory_space<hbm>>)
        tpu.yield
      }) : () -> ()
      %scan3A_985 = arith.constant 0 : i32
      %scan3A_986 = arith.constant 0 : i32
      %scan3A_987 = arith.constant 220 : i32
      %scan3A_988 = arith.addi %scan3A_986, %scan3A_987 : i32
      %scan3A_989 = arith.constant 1 : i32
      %scan3A_990 = scf.for %scan3A_1009 = %scan3A_986 to %scan3A_988 step %scan3A_989 iter_args(%scan3A_1010 = %scan3A_985) -> (i32)  : i32 {
        %mul3A_1011 = arith.constant 16 : i32
        %mul3A_1012 = arith.muli %scan3A_1009, %mul3A_1011 : i32
        %get3A = arith.index_cast %mul3A_1012 : i32 to index
        %get3A_1013 = tpu.vector_load %arg24[%get3A] {strides = array<i32>} : memref<3520xi32, #tpu.memory_space<vmem>>, vector<16xi32>,
        %gather3A = tpu.vector_load_idx %arg20[%get3A_1013] : memref<4096xi32, #tpu.memory_space<vmem>>[vector<16xi32>], vector<16xi32>,
        %mul3A_1014 = arith.constant 16 : i32
        %mul3A_1015 = arith.muli %scan3A_1009, %mul3A_1014 : i32
        %swap3A = arith.index_cast %mul3A_1015 : i32 to index
        %swap3A_1016 = tpu.vector_load %arg25[%swap3A] {strides = array<i32>} : memref<3520xi32, #tpu.memory_space<vmem>>, vector<16xi32>,
        tpu.vector_store %arg25[%swap3A], %gather3A {strides = array<i32>} : memref<3520xi32, #tpu.memory_space<vmem>>, vector<16xi32>,
        %scan3A_1017 = arith.constant 0 : i32
        scf.yield %scan3A_1017 : i32
      }
      %scan3A_991 = arith.constant 220 : i32
      %run_scoped3A_992 = arith.constant 0 : i32
      "tpu.region"() ({
        %run_scoped3A_1009 = tpu.sem_alloc : memref<!tpu.dma_semaphore, #tpu.memory_space<semaphore_mem>>
        %dma_start3A_1010 = arith.constant 0 : i32
        %dma_start3A_1011 = tpu.memref_slice %arg9[%run_scoped3A_992, %add3A, %dma_start3A_1010] : memref<3x4x3520xi32, #tpu.memory_space<hbm>> -> memref<1x1x3520xi32, #tpu.memory_space<hbm>>
        %dma_start3A_1012 = tpu.memref_squeeze %dma_start3A_1011 : memref<1x1x3520xi32, #tpu.memory_space<hbm>> -> memref<3520xi32, #tpu.memory_space<hbm>>
        %dma_start3A_1013 = arith.constant 0 : i32
        %dma_start3A_1014 = tpu.memref_slice %arg9[%run_scoped3A_992, %add3A, %dma_start3A_1013] : memref<3x4x3520xi32, #tpu.memory_space<hbm>> -> memref<1x1x3520xi32, #tpu.memory_space<hbm>>
        %dma_start3A_1015 = tpu.memref_squeeze %dma_start3A_1014 : memref<1x1x3520xi32, #tpu.memory_space<hbm>> -> memref<3520xi32, #tpu.memory_space<hbm>>
        tpu.enqueue_dma source(%arg25 : memref<3520xi32, #tpu.memory_space<vmem>>) target(%dma_start3A_1015 : memref<3520xi32, #tpu.memory_space<hbm>>) target_semaphore(%run_scoped3A_1009 : memref<!tpu.dma_semaphore, #tpu.memory_space<semaphore_mem>>)
        %dma_wait3A_1016 = arith.constant 0 : i32
        %dma_wait3A_1017 = tpu.memref_slice %arg9[%run_scoped3A_992, %add3A, %dma_wait3A_1016] : memref<3x4x3520xi32, #tpu.memory_space<hbm>> -> memref<1x1x3520xi32, #tpu.memory_space<hbm>>
        %dma_wait3A_1018 = tpu.memref_squeeze %dma_wait3A_1017 : memref<1x1x3520xi32, #tpu.memory_space<hbm>> -> memref<3520xi32, #tpu.memory_space<hbm>>
        %dma_wait3A_1019 = arith.constant 0 : i32
        %dma_wait3A_1020 = tpu.memref_slice %arg9[%run_scoped3A_992, %add3A, %dma_wait3A_1019] : memref<3x4x3520xi32, #tpu.memory_space<hbm>> -> memref<1x1x3520xi32, #tpu.memory_space<hbm>>
        %dma_wait3A_1021 = tpu.memref_squeeze %dma_wait3A_1020 : memref<1x1x3520xi32, #tpu.memory_space<hbm>> -> memref<3520xi32, #tpu.memory_space<hbm>>
        tpu.wait_dma2 semaphore(%run_scoped3A_1009 : memref<!tpu.dma_semaphore, #tpu.memory_space<semaphore_mem>>) src(%arg25 : memref<3520xi32, #tpu.memory_space<vmem>>) dst(%dma_wait3A_1021 : memref<3520xi32, #tpu.memory_space<hbm>>)
        tpu.yield
      }) : () -> ()
      %scan3A_993 = arith.constant 0 : i32
      %scan3A_994 = arith.constant 0 : i32
      %scan3A_995 = arith.constant 220 : i32
      %scan3A_996 = arith.addi %scan3A_994, %scan3A_995 : i32
      %scan3A_997 = arith.constant 1 : i32
      %scan3A_998 = scf.for %scan3A_1009 = %scan3A_994 to %scan3A_996 step %scan3A_997 iter_args(%scan3A_1010 = %scan3A_993) -> (i32)  : i32 {
        %mul3A_1011 = arith.constant 16 : i32
        %mul3A_1012 = arith.muli %scan3A_1009, %mul3A_1011 : i32
        %get3A = arith.index_cast %mul3A_1012 : i32 to index
        %get3A_1013 = tpu.vector_load %arg24[%get3A] {strides = array<i32>} : memref<3520xi32, #tpu.memory_space<vmem>>, vector<16xi32>,
        %gather3A = tpu.vector_load_idx %arg21[%get3A_1013] : memref<4096xi32, #tpu.memory_space<vmem>>[vector<16xi32>], vector<16xi32>,
        %mul3A_1014 = arith.constant 16 : i32
        %mul3A_1015 = arith.muli %scan3A_1009, %mul3A_1014 : i32
        %swap3A = arith.index_cast %mul3A_1015 : i32 to index
        %swap3A_1016 = tpu.vector_load %arg25[%swap3A] {strides = array<i32>} : memref<3520xi32, #tpu.memory_space<vmem>>, vector<16xi32>,
        tpu.vector_store %arg25[%swap3A], %gather3A {strides = array<i32>} : memref<3520xi32, #tpu.memory_space<vmem>>, vector<16xi32>,
        %scan3A_1017 = arith.constant 0 : i32
        scf.yield %scan3A_1017 : i32
      }
      %scan3A_999 = arith.constant 220 : i32
      %run_scoped3A_1000 = arith.constant 1 : i32
      "tpu.region"() ({
        %run_scoped3A_1009 = tpu.sem_alloc : memref<!tpu.dma_semaphore, #tpu.memory_space<semaphore_mem>>
        %dma_start3A_1010 = arith.constant 0 : i32
        %dma_start3A_1011 = tpu.memref_slice %arg9[%run_scoped3A_1000, %add3A, %dma_start3A_1010] : memref<3x4x3520xi32, #tpu.memory_space<hbm>> -> memref<1x1x3520xi32, #tpu.memory_space<hbm>>
        %dma_start3A_1012 = tpu.memref_squeeze %dma_start3A_1011 : memref<1x1x3520xi32, #tpu.memory_space<hbm>> -> memref<3520xi32, #tpu.memory_space<hbm>>
        %dma_start3A_1013 = arith.constant 0 : i32
        %dma_start3A_1014 = tpu.memref_slice %arg9[%run_scoped3A_1000, %add3A, %dma_start3A_1013] : memref<3x4x3520xi32, #tpu.memory_space<hbm>> -> memref<1x1x3520xi32, #tpu.memory_space<hbm>>
        %dma_start3A_1015 = tpu.memref_squeeze %dma_start3A_1014 : memref<1x1x3520xi32, #tpu.memory_space<hbm>> -> memref<3520xi32, #tpu.memory_space<hbm>>
        tpu.enqueue_dma source(%arg25 : memref<3520xi32, #tpu.memory_space<vmem>>) target(%dma_start3A_1015 : memref<3520xi32, #tpu.memory_space<hbm>>) target_semaphore(%run_scoped3A_1009 : memref<!tpu.dma_semaphore, #tpu.memory_space<semaphore_mem>>)
        %dma_wait3A_1016 = arith.constant 0 : i32
        %dma_wait3A_1017 = tpu.memref_slice %arg9[%run_scoped3A_1000, %add3A, %dma_wait3A_1016] : memref<3x4x3520xi32, #tpu.memory_space<hbm>> -> memref<1x1x3520xi32, #tpu.memory_space<hbm>>
        %dma_wait3A_1018 = tpu.memref_squeeze %dma_wait3A_1017 : memref<1x1x3520xi32, #tpu.memory_space<hbm>> -> memref<3520xi32, #tpu.memory_space<hbm>>
        %dma_wait3A_1019 = arith.constant 0 : i32
        %dma_wait3A_1020 = tpu.memref_slice %arg9[%run_scoped3A_1000, %add3A, %dma_wait3A_1019] : memref<3x4x3520xi32, #tpu.memory_space<hbm>> -> memref<1x1x3520xi32, #tpu.memory_space<hbm>>
        %dma_wait3A_1021 = tpu.memref_squeeze %dma_wait3A_1020 : memref<1x1x3520xi32, #tpu.memory_space<hbm>> -> memref<3520xi32, #tpu.memory_space<hbm>>
        tpu.wait_dma2 semaphore(%run_scoped3A_1009 : memref<!tpu.dma_semaphore, #tpu.memory_space<semaphore_mem>>) src(%arg25 : memref<3520xi32, #tpu.memory_space<vmem>>) dst(%dma_wait3A_1021 : memref<3520xi32, #tpu.memory_space<hbm>>)
        tpu.yield
      }) : () -> ()
      %scan3A_1001 = arith.constant 0 : i32
      %scan3A_1002 = arith.constant 0 : i32
      %scan3A_1003 = arith.constant 220 : i32
      %scan3A_1004 = arith.addi %scan3A_1002, %scan3A_1003 : i32
      %scan3A_1005 = arith.constant 1 : i32
      %scan3A_1006 = scf.for %scan3A_1009 = %scan3A_1002 to %scan3A_1004 step %scan3A_1005 iter_args(%scan3A_1010 = %scan3A_1001) -> (i32)  : i32 {
        %mul3A_1011 = arith.constant 16 : i32
        %mul3A_1012 = arith.muli %scan3A_1009, %mul3A_1011 : i32
        %get3A = arith.index_cast %mul3A_1012 : i32 to index
        %get3A_1013 = tpu.vector_load %arg24[%get3A] {strides = array<i32>} : memref<3520xi32, #tpu.memory_space<vmem>>, vector<16xi32>,
        %gather3A = tpu.vector_load_idx %arg22[%get3A_1013] : memref<4096xi32, #tpu.memory_space<vmem>>[vector<16xi32>], vector<16xi32>,
        %mul3A_1014 = arith.constant 16 : i32
        %mul3A_1015 = arith.muli %scan3A_1009, %mul3A_1014 : i32
        %swap3A = arith.index_cast %mul3A_1015 : i32 to index
        %swap3A_1016 = tpu.vector_load %arg25[%swap3A] {strides = array<i32>} : memref<3520xi32, #tpu.memory_space<vmem>>, vector<16xi32>,
        tpu.vector_store %arg25[%swap3A], %gather3A {strides = array<i32>} : memref<3520xi32, #tpu.memory_space<vmem>>, vector<16xi32>,
        %scan3A_1017 = arith.constant 0 : i32
        scf.yield %scan3A_1017 : i32
      }
      %scan3A_1007 = arith.constant 220 : i32
      %run_scoped3A_1008 = arith.constant 2 : i32
      "tpu.region"() ({
        %run_scoped3A_1009 = tpu.sem_alloc : memref<!tpu.dma_semaphore, #tpu.memory_space<semaphore_mem>>
        %dma_start3A_1010 = arith.constant 0 : i32
        %dma_start3A_1011 = tpu.memref_slice %arg9[%run_scoped3A_1008, %add3A, %dma_start3A_1010] : memref<3x4x3520xi32, #tpu.memory_space<hbm>> -> memref<1x1x3520xi32, #tpu.memory_space<hbm>>
        %dma_start3A_1012 = tpu.memref_squeeze %dma_start3A_1011 : memref<1x1x3520xi32, #tpu.memory_space<hbm>> -> memref<3520xi32, #tpu.memory_space<hbm>>
        %dma_start3A_1013 = arith.constant 0 : i32
        %dma_start3A_1014 = tpu.memref_slice %arg9[%run_scoped3A_1008, %add3A, %dma_start3A_1013] : memref<3x4x3520xi32, #tpu.memory_space<hbm>> -> memref<1x1x3520xi32, #tpu.memory_space<hbm>>
        %dma_start3A_1015 = tpu.memref_squeeze %dma_start3A_1014 : memref<1x1x3520xi32, #tpu.memory_space<hbm>> -> memref<3520xi32, #tpu.memory_space<hbm>>
        tpu.enqueue_dma source(%arg25 : memref<3520xi32, #tpu.memory_space<vmem>>) target(%dma_start3A_1015 : memref<3520xi32, #tpu.memory_space<hbm>>) target_semaphore(%run_scoped3A_1009 : memref<!tpu.dma_semaphore, #tpu.memory_space<semaphore_mem>>)
        %dma_wait3A_1016 = arith.constant 0 : i32
        %dma_wait3A_1017 = tpu.memref_slice %arg9[%run_scoped3A_1008, %add3A, %dma_wait3A_1016] : memref<3x4x3520xi32, #tpu.memory_space<hbm>> -> memref<1x1x3520xi32, #tpu.memory_space<hbm>>
        %dma_wait3A_1018 = tpu.memref_squeeze %dma_wait3A_1017 : memref<1x1x3520xi32, #tpu.memory_space<hbm>> -> memref<3520xi32, #tpu.memory_space<hbm>>
        %dma_wait3A_1019 = arith.constant 0 : i32
        %dma_wait3A_1020 = tpu.memref_slice %arg9[%run_scoped3A_1008, %add3A, %dma_wait3A_1019] : memref<3x4x3520xi32, #tpu.memory_space<hbm>> -> memref<1x1x3520xi32, #tpu.memory_space<hbm>>
        %dma_wait3A_1021 = tpu.memref_squeeze %dma_wait3A_1020 : memref<1x1x3520xi32, #tpu.memory_space<hbm>> -> memref<3520xi32, #tpu.memory_space<hbm>>
        tpu.wait_dma2 semaphore(%run_scoped3A_1009 : memref<!tpu.dma_semaphore, #tpu.memory_space<semaphore_mem>>) src(%arg25 : memref<3520xi32, #tpu.memory_space<vmem>>) dst(%dma_wait3A_1021 : memref<3520xi32, #tpu.memory_space<hbm>>)
        tpu.yield
      }) : () -> ()
    } else {
    }
    return
  }
}

module attributes {stable_mosaic.version = 14 : i64} {
  func.func @_thw_body(%arg0: memref<4x3xi32, #tpu.memory_space<vmem>>, %arg1: memref<4x3xi32, #tpu.memory_space<vmem>>) attributes {dimension_semantics = [], scalar_prefetch = 0 : i64, scratch_operands = 0 : i64, tpu.core_type = #tpu.core_type<tc>} {
    %get3A = arith.constant 0 : index
    %get3A_0 = arith.constant 0 : index
    %get3A_1 = vector.load %arg0[%get3A, %get3A_0] : memref<4x3xi32, #tpu.memory_space<vmem>>, vector<4x3xi32>
    %jit3A = arith.constant 2 : i32
    %div3A = vector.broadcast %jit3A : i32 to vector<4x3xi32>
    %div3A_2 = arith.divsi %get3A_1, %div3A : vector<4x3xi32>
    %sign3A = arith.constant 0 : i32
    %sign3A_3 = vector.broadcast %sign3A : i32 to vector<4x3xi32>
    %sign3A_4 = arith.cmpi sgt, %get3A_1, %sign3A_3 : vector<4x3xi32>
    %sign3A_5 = arith.extui %sign3A_4 : vector<4x3xi1> to vector<4x3xi32>
    %sign3A_6 = arith.constant 0 : i32
    %sign3A_7 = vector.broadcast %sign3A_6 : i32 to vector<4x3xi32>
    %sign3A_8 = arith.cmpi slt, %get3A_1, %sign3A_7 : vector<4x3xi32>
    %sign3A_9 = arith.extui %sign3A_8 : vector<4x3xi1> to vector<4x3xi32>
    %sign3A_10 = arith.subi %sign3A_5, %sign3A_9 : vector<4x3xi32>
    %sign3A_11 = arith.constant 0 : i32
    %sign3A_12 = arith.cmpi sgt, %jit3A, %sign3A_11 : i32
    %sign3A_13 = arith.extui %sign3A_12 : i1 to i32
    %sign3A_14 = arith.constant 0 : i32
    %sign3A_15 = arith.cmpi slt, %jit3A, %sign3A_14 : i32
    %sign3A_16 = arith.extui %sign3A_15 : i1 to i32
    %sign3A_17 = arith.subi %sign3A_13, %sign3A_16 : i32
    %ne3A = vector.broadcast %sign3A_17 : i32 to vector<4x3xi32>
    %ne3A_18 = arith.cmpi ne, %sign3A_10, %ne3A : vector<4x3xi32>
    %rem3A = vector.broadcast %jit3A : i32 to vector<4x3xi32>
    %rem3A_19 = arith.remsi %get3A_1, %rem3A : vector<4x3xi32>
    %ne3A_20 = arith.constant 0 : i32
    %ne3A_21 = vector.broadcast %ne3A_20 : i32 to vector<4x3xi32>
    %ne3A_22 = arith.cmpi ne, %rem3A_19, %ne3A_21 : vector<4x3xi32>
    %and3A = arith.andi %ne3A_18, %ne3A_22 : vector<4x3xi1>
    %sub3A = arith.constant 1 : i32
    %sub3A_23 = vector.broadcast %sub3A : i32 to vector<4x3xi32>
    %sub3A_24 = arith.subi %div3A_2, %sub3A_23 : vector<4x3xi32>
    %select_n3A = arith.select %and3A, %sub3A_24, %div3A_2 : vector<4x3xi1>, vector<4x3xi32>
    %iota3A = tpu.iota {dimensions = array<i32: 1>} : vector<4x3xi32>
    %eq3A = arith.constant 0 : i32
    %eq3A_25 = vector.broadcast %eq3A : i32 to vector<4x3xi32>
    %eq3A_26 = arith.cmpi eq, %iota3A, %eq3A_25 : vector<4x3xi32>
    %select_n3A_27 = arith.select %eq3A_26, %get3A_1, %select_n3A : vector<4x3xi1>, vector<4x3xi32>
    %swap3A = arith.constant 0 : index
    %swap3A_28 = arith.constant 0 : index
    %swap3A_29 = vector.load %arg1[%swap3A, %swap3A_28] : memref<4x3xi32, #tpu.memory_space<vmem>>, vector<4x3xi32>
    tpu.vector_store %arg1[%swap3A, %swap3A_28], %select_n3A_27 {strides = array<i32>} : memref<4x3xi32, #tpu.memory_space<vmem>>, vector<4x3xi32>,
    return
  }
}

</mosaic_0001>

<sc_bundles>
// kernel: kernel.4.cloned.1.call-start
scs
__scs_entry_jumppad:
0x0: {  	(pc) =	sbr.rel $0x88, $3  }
0x1: {  	(tag) =	ssettag $0x0;
	lr =	simm.s32 $0x1  }
0x2: {  	[smem:$0x3F9C] =	sst lr;
	_ =	strace $0xD0000000  }
0x3: {  	_ = 	snop  }
0x4: {  	_ = 	snop  }
0x5: {  	_ = 	snop  }
0x6: {  	_ = 	snop  }
0x7: {  	_ = 	snop  }
__scs_overlays_trampoline_lowered:
0x8: {  	[smem:$0x3FAB] =	sst s0  }
0x9: {  	[smem:$0x3FAC] =	sst s1  }
0xa: {  	[smem:$0x3FAD] =	sst s2  }
0xb: {  	[smem:$0x3FAE] =	sst s3  }
0xc: {  	[smem:$0x3FAF] =	sst s4  }
0xd: {  	[smem:$0x3FB0] =	sst s5  }
0xe: {  	[smem:$0x3FB1] =	sst s6  }
0xf: {  	[smem:$0x3FB2] =	sst s7  }
0x10: {  	[smem:$0x3FB3] =	sst s8  }
0x11: {  	[smem:$0x3FB4] =	sst s9;
	s0 =	simm.s32 @!p0 $0x0  }
0x12: {  	s1 =	sld [smem:$0x3F9A];
	s0 =	simm.s32 @p0 $0x1  }
0x13: {  	[smem:$0x3FB5] =	sst s0;
	s0 =	simm.s32 @!p1 $0x0  }
0x14: {  	s2 =	sld [smem:$0x3F99];
	s0 =	simm.s32 @p1 $0x1  }
0x15: {  	[smem:$0x3FB6] =	sst s0;
	s0 =	simm.s32 @!p2 $0x0  }
0x16: {  	s3 =	sld [smem:$0x3FDB];
	s0 =	simm.s32 @p2 $0x1  }
0x17: {  	s4 =	simm.s32 $0x1BF5;
	[smem:$0x3FB8] =	sst s0  }
0x18: {  	s0 =	sld [smem:$0x3F9B];
	_ =	swait.ge [sflag:s4], $0x0  }
0x19: {  	s7 =	sld [smem:$0x3F9C]  }
0x1a: {  	s8 =	sadd.s32 $0xFFFFE003, lr  }
0x1b: {  	s9 =	sadd.s32 $0xFFFFFEF7, lr;
	s5 =	simm.s32 $0xFFFFFFFF;
	p2 =	slt.u32 s8, $0xFFFFF086  }
0x1c: {  	p1 =	slt.u32 s9, $0xF7A;
	s5 =	simm.s32 @!p2 $0x0  }
0x1d: {  	s5 =	simm.s32 @p1 $0x1;
	p0 =	seq.s32 s7, s2  }
0x1e: {  	s7 =	smul.u32 @!p0 $0xF7A, s2;
	p2 =	seq.s32 @!p0 s5, $0x0  }
0x1f: {  	s9 =	smul.u32 $0xF7A, s1;
	s8 =	simm.s32 @!p0 $0x1BF5;
	p2 =	por !p2, p0  }
0x20: {  	[sflag:s8] =	ssyncset.s32 @!p0 $0xFFFFF086;
	s6 =	sadd.s32 @!p0 s3, s7;
	s7 =	simm.s32 @!p0 $0x108  }
0x21: {  	s3 =	sadd.s32 s3, s9;
	s6 =	sadd.s32 @!p0 $0x88, s6;
	s7 =	simm.s32 @p2 $0x1082  }
0x22: {  	[simem:s7], [sflag:s8] =	dma.local @!p0 [hbm:s6], $0xF7A  }
0x23: {  	s9 =	sor.u32 $0xD0000000, s2;
	s6 =	simm.s32 $0x108;
	_ =	swait.ge @!p0 [sflag:s8], $0x0  }
0x24: {  	s3 =	sadd.s32 $0x88, s3;
	s6 =	simm.s32 @!p1 $0x1082;
	[sflag:s4] =	ssyncset.s32 $0xFFFFF086  }
0x25: {  	[simem:s6], [sflag:s4] =	dma.local [hbm:s3], $0xF7A  }
0x26: {  	[smem:$0x3F9C] =	sst s1;
	(tag) =	ssettag s2;
	_ =	strace s9  }
0x27: {  	s1 =	sld [smem:$0x3FAC]  }
0x28: {  	s2 =	sld [smem:$0x3FAD]  }
0x29: {  	s4 =	sld [smem:$0x3FAF]  }
0x2a: {  	p0 =	seq.s32 s5, $0x0;
	s5 =	sld [smem:$0x3FB0]  }
0x2b: {  	s6 =	sld [smem:$0x3FB1]  }
0x2c: {  	s7 =	sld [smem:$0x3FB2]  }
0x2d: {  	s3 =	simm.s32 $0x108;
	s8 =	sld [smem:$0x3FB3]  }
0x2e: {  	s3 =	simm.s32 @!p0 $0x1082;
	s9 =	sld [smem:$0x3FB4]  }
0x2f: {  	lr =	sadd.s32 s0, s3;
	s0 =	sld [smem:$0x3FAB]  }
0x30: {  	s3 =	sld [smem:$0x3FAE]  }
0x31: {  	[smem:$0x3FB7] =	sst s10  }
0x32: {  	s10 =	sld [smem:$0x3FB5];
	_ =	sdelay $0x3  }
0x33: {  	p0 =	seq.s32 s10, $0x1;
	s10 =	sld [smem:$0x3FB7];
	_ =	sdelay $0x3  }
0x34: {  	[smem:$0x3FB7] =	sst s10  }
0x35: {  	s10 =	sld [smem:$0x3FB6];
	_ =	sdelay $0x3  }
0x36: {  	p1 =	seq.s32 s10, $0x1;
	s10 =	sld [smem:$0x3FB7];
	_ =	sdelay $0x3  }
0x37: {  	[smem:$0x3FB7] =	sst s10  }
0x38: {  	s10 =	sld [smem:$0x3FB8]  }
0x39: {  	_ = 	snop;
	(pc) =	sbr.ind lr, $3  }
0x3a: {  	_ = 	snop  }
0x3b: {  	_ = 	snop  }
0x3c: {  	p2 =	seq.s32 s10, $0x1;
	s10 =	sld [smem:$0x3FB7]  }
0x3d: {  	_ =	shalt  }
0x3e: {  	_ =	shalt  }
0x3f: {  	_ =	shalt  }
0x40: {  	_ =	shalt  }
0x41: {  	_ =	shalt  }
0x42: {  	_ =	shalt  }
0x43: {  	_ =	shalt  }
0x44: {  	_ =	shalt  }
0x45: {  	_ =	shalt  }
0x46: {  	_ =	shalt  }
0x47: {  	_ =	shalt  }
0x48: {  	_ =	shalt  }
0x49: {  	_ =	shalt  }
0x4a: {  	_ =	shalt  }
0x4b: {  	_ =	shalt  }
0x4c: {  	_ =	shalt  }
0x4d: {  	_ =	shalt  }
0x4e: {  	_ =	shalt  }
0x4f: {  	_ =	shalt  }
0x50: {  	_ =	shalt  }
0x51: {  	_ =	shalt  }
0x52: {  	_ =	shalt  }
0x53: {  	_ =	shalt  }
0x54: {  	_ =	shalt  }
0x55: {  	_ =	shalt  }
0x56: {  	_ =	shalt  }
0x57: {  	_ =	shalt  }
0x58: {  	_ =	shalt  }
0x59: {  	_ =	shalt  }
0x5a: {  	_ =	shalt  }
0x5b: {  	_ =	shalt  }
0x5c: {  	_ =	shalt  }
0x5d: {  	_ =	shalt  }
0x5e: {  	_ =	shalt  }
0x5f: {  	_ =	shalt  }
0x60: {  	_ =	shalt  }
0x61: {  	_ =	shalt  }
0x62: {  	_ =	shalt  }
0x63: {  	_ =	shalt  }
0x64: {  	_ =	shalt  }
0x65: {  	_ =	shalt  }
0x66: {  	_ =	shalt  }
0x67: {  	_ =	shalt  }
0x68: {  	_ =	shalt  }
0x69: {  	_ =	shalt  }
0x6a: {  	_ =	shalt  }
0x6b: {  	_ =	shalt  }
0x6c: {  	_ =	shalt  }
0x6d: {  	_ =	shalt  }
0x6e: {  	_ =	shalt  }
0x6f: {  	_ =	shalt  }
0x70: {  	_ =	shalt  }
0x71: {  	_ =	shalt  }
0x72: {  	_ =	shalt  }
0x73: {  	_ =	shalt  }
0x74: {  	_ =	shalt  }
0x75: {  	_ =	shalt  }
0x76: {  	_ =	shalt  }
0x77: {  	_ =	shalt  }
0x78: {  	_ =	shalt  }
0x79: {  	_ =	shalt  }
0x7a: {  	_ =	shalt  }
0x7b: {  	_ =	shalt  }
0x7c: {  	_ =	shalt  }
0x7d: {  	_ =	shalt  }
0x7e: {  	_ =	shalt  }
0x7f: {  	_ =	shalt  }
0x80: {  	_ =	shalt  }
0x81: {  	_ =	shalt  }
0x82: {  	_ =	shalt  }
0x83: {  	_ =	shalt  }
0x84: {  	_ =	shalt  }
0x85: {  	_ =	shalt  }
0x86: {  	_ =	shalt  }
0x87: {  	_ =	shalt  }
.Lfunc_end0:
.L_simem_size_0:
called_computation_lowered:
.L_overlay_start_0:
0x88: {  	s2 =	sld [smem:$0x3FD9]  }
0x89: {  	s3 =	sld [smem:$0x3FFE];
	_ =	sdelay $0x1  }
0x8a: {  	s1 =	srdreg.scid  }
0x8b: {  	s0 =	sand.u32 $0x1, s1  }
0x8c: {  	s14 =	sshll.u32 s0, $0xA;
	s2 =	sadd.s32 s3, s2  }
0x8d: {  	s2 =	sadd.s32 s2, s14  }
0x8e: {  	[smem:$0x3FC3] =	sst s2  }
0x8f: {  	_ = 	snop  }
0x90: {  	s2 =	sld [smem:$0x3FC9]  }
0x91: {  	s15 =	sld [smem:$0x3FD0]  }
0x92: {  	s4 =	sld [smem:$0x3FC7]  }
0x93: {  	s5 =	sld [smem:$0x3FC6]  }
0x94: {  	s7 =	simm.s32 $0xA;
	s8 =	simm.s32 $0x10;
	s6 =	sld [smem:$0x3FC5]  }
0x95: {  	[smem:s8], [sflag:s7] =	dma.local [hbm:s15], $0x1  }
0x96: {  	_ =	swait.eq [sflag:s7], $0x1  }
0x97: {  	s16 =	sld [smem:$0x10]  }
0x98: {  	s17 =	sld [smem:$0x12];
	[sflag:s7] =	ssyncset.done $0x0  }
0x99: {  	s9 =	sld [smem:$0x13];
	[sflag:s7] =	ssyncadd.s32 $0xFFFFFFFF  }
0x9a: {  	s18 =	sld [smem:$0x14];
	(tm) =	ssettm $0x1  }
0x9b: {  	s10 =	sld [smem:$0x3FFB];
	_ =	sdelay $0x3  }
0x9c: {  	_ =	strace s10  }
0x9d: {  	s10 =	sld [smem:$0x3FFC];
	_ =	sdelay $0x3  }
0x9e: {  	_ =	strace s10  }
0x9f: {  	s10 =	sld [smem:$0x3FFD];
	_ =	sdelay $0x3  }
0xa0: {  	_ =	strace s10  }
0xa1: {  	_ =	strace $0x8FFFFFFF  }
0xa2: {  	s19 =	sld [smem:$0x3FDB];
	_ =	sdelay $0x1  }
0xa3: {  	s11 =	simm.s32 $_scs_section_size  }
0xa4: {  	s12 =	simm.s32 $_size__tile_overlayer_lowered;
	s13 =	simm.s32 $_tile_overlayer_lowered  }
0xa5: {  	s22 =	simm.s32 $0x1BFF;
	s21 =	sshll.u32 s13, $0x1;
	s10 =	sadd.s32 s11, s19  }
0xa6: {  	s20 =	sshll.u32 s12, $0x1;
	s14 =	simm.s32 $0x0;
	s12 =	sadd.s32 s21, s10  }
0xa7: {  	[timem:s14], [sflag:s22] =	dma.local [hbm:s12], s20  }
0xa8: {  	_ =	swait.ge [sflag:s22], s20  }
0xa9: {  	s11 =	ssub.s32 $0x0, s20;
	[sflag:s22] =	ssyncset.done $0x0  }
0xaa: {  	[sflag:s22] =	ssyncadd.s32 s11;
	_ =	sdelay $0x1  }
0xab: {  	s23 =	simm.s32 $0x1B8B  }
0xac: {  	_ =	swait.ge [sflag:s23], $0x1  }
0xad: {  	[sflag:s23] =	ssyncset.done $0x0  }
0xae: {  	s25 =	simm.s32 $0x1B8E;
	s24 =	sld [smem:$0x3FFE];
	[sflag:s23] =	ssyncadd.s32 $0xFFFFFFFF  }
0xaf: {  	s26 =	simm.s32 $execute0_lowered;
	[smem:$0x3FD2] =	sst s25  }
0xb0: {  	s12 =	sshll.u32 s26, $0x1;
	_ =	strace $0x80000046;
	[dreg:$0x1] =	wrdreg $0xFFFFFFFF  }
0xb1: {  	s28 =	simm.s32 $_size_execute0_lowered;
	s10 =	sadd.s32 s10, s12;
	[dreg:$0x0] =	wrdreg $0x0  }
0xb2: {  	s12 =	sshll.u32 s28, $0x1;
	[dreg:$0x2] =	wrdreg s10  }
0xb3: {  	[dreg:$0x3] =	wrdreg s12  }
0xb4: {  	[dreg:$0x4] =	wrdreg $0xC0  }
0xb5: {  	_ =	task [dreg:s14], $0x5FFFF  }
0xb6: {  	[dreg:$0x1] =	wrdreg $0xFFFFFFFF  }
0xb7: {  	[dreg:$0x0] =	wrdreg $0x60  }
0xb8: {  	[dreg:$0x2] =	wrdreg s24  }
0xb9: {  	[dreg:$0x3] =	wrdreg s2  }
0xba: {  	[dreg:$0x4] =	wrdreg s4  }
0xbb: {  	[dreg:$0x5] =	wrdreg s5  }
0xbc: {  	[dreg:$0x6] =	wrdreg s6  }
0xbd: {  	[dreg:$0x7] =	wrdreg s16  }
0xbe: {  	[dreg:$0x8] =	wrdreg s17  }
0xbf: {  	[dreg:$0x9] =	wrdreg s9  }
0xc0: {  	[dreg:$0xa] =	wrdreg s18  }
0xc1: {  	[dreg:$0xb] =	wrdreg $0x9  }
0xc2: {  	_ =	task.clear_ibuf [dreg:s14], $0xCFFFF;
	_ =	strace $0x90000046  }
0xc3: {  	s29 =	simm.s32 $0x9;
	_ =	strace $0x80000048  }
0xc4: {  	_ =	swait.ge [sflag:s29], $0x1  }
0xc5: {  	[sflag:s29] =	ssyncadd.s32 $0xFFFFFFFF  }
0xc6: {  	_ =	strace $0x90000048  }
0xc7: {  	_ =	sfence  }
0xc8: {  	s30 =	sld [smem:$0x0];
	_ =	sdelay $0x2  }
0xc9: {  	s31 =	sshll.u32 s1, $0xD;
	s1 =	sshrl.u32 s1, $0x2  }
0xca: {  	s3 =	sand.u32 $0x4000, s31;
	s1 =	sadd.s32 s1, s30  }
0xcb: {  	s0 =	sor.u32 s3, s0;
	s1 =	sshll.u32 s1, $0x11  }
0xcc: {  	s0 =	sor.u32 s1, s0  }
0xcd: {  	s0 =	sadd.s32 $0x8F2B, s0  }
0xce: {  	[sflag:s0] =	ssyncadd.remote.s32 $0x1  }
0xcf: {  	_ =	sfence.sel $0xFFFF  }
0xd0: {  	[dreg:$0x0] =	wrdreg $0xFFFFFFFF;
	(pc) =	sbr.abs _section_cstart, $3  }
0xd1: {  	[dreg:$0x1] =	wrdreg $0xFFFFFFFF  }
0xd2: {  	_ =	task.clear_ibuf [dreg:s14], $0x2FFFF;
	_ =	strace $0x9FFFFFFF  }
0xd3: {  	(tm) =	ssettm $0x7FFFFFFF  }
tec
execute0_lowered:
.L_overlay_start_1:
0x0: {  	(tag) =	ssettag $0x1  }
0x1: {  	s1 =	rddreg [dreg:$0x0]  }
0x2: {  	s0 =	rddreg [dreg:$0x1]  }
0x3: {  	s2 =	rddreg [dreg:$0x2]  }
0x4: {  	s4 =	rddreg [dreg:$0x3]  }
0x5: {  	s9 =	rddreg [dreg:$0x4]  }
0x6: {  	s10 =	rddreg [dreg:$0x5]  }
0x7: {  	s11 =	rddreg [dreg:$0x6]  }
0x8: {  	s12 =	rddreg [dreg:$0x7]  }
0x9: {  	s3 =	srdreg.scid;
	s20 =	stileid.u32  }
0xa: {  	s13 =	rddreg [dreg:$0x8];
	s28 =	simm.s32 $0x17200;
	s29 =	simm.s32 $0x0  }
0xb: {  	s5 =	sand.u32 $0x1, s3;
	s6 =	sshll.u32 s20, $0x1;
	s3 =	simm.s32 $0x0  }
0xc: {  	p0 =	sgt.u32 s20, $0x1;
	s20 =	simm.s32 $0x800;
	s14 =	sor.u32 s5, s6  }
0xd: {  	[smem:$0x7FF] =	sst s3;
	s5 =	ssub.s32 $0x2, s5;
	s15 =	smul.u32 $0x60, s14  }
0xe: {  	_ =	strace $0x80000047;
	s6 =	sshll.u32 s14, $0x6;
	s7 =	sshrl.u32 s5, $0x1  }
0xf: {  	s26 =	sshll.u32 s14, $0x4;
	s1 =	sadd.s32 s6, s1;
	s16 =	ssub.s32 s5, s7  }
0x10: {  	s5 =	sadd.s32 $0x100, s0;
	s6 =	sadd.s32 $0x200, s0;
	s7 =	sadd.s32 $0x300, s0  }
0x11: {  	s2 =	sadd.s32 s2, s26;
	s9 =	sadd.s32 s9, s26;
	s11 =	sadd.s32 s11, s26  }
0x12: {  	s14 =	sadd.s32 s13, s26;
	s8 =	sshrl.u32 s15, $0x3;
	[dreg:$0x10] =	wrdreg s2  }
0x13: {  	s31 =	sadd.s32 $0xA00, s1;
	s21 =	sadd.s32 $0x28, s15;
	[dreg:$0x11] =	wrdreg s9  }
0x14: {  	s18 =	sadd.s32 $0x38, s15;
	[dreg:$0x13] =	wrdreg s11;
	s19 =	smul.u32 $0x1400, s8  }
0x15: {  	[dreg:$0x14] =	wrdreg s14;
	s17 =	smul.u32 $0xA000, s8;
	s1 =	sshrl.u32 s21, $0x3  }
0x16: {  	s14 =	simm.s32 $0x1;
	s18 =	sshrl.u32 s18, $0x3;
	s1 =	smul.u32 $0x1400, s1  }
0x17: {  	[dreg:$0x1d] =	wrdreg s31;
	s18 =	smul.u32 $0x1400, s18;
	s23 =	sadd.s32 s10, s19  }
0x18: {  	s9 =	simm.s32 $0x18200;
	s1 =	sadd.s32 s10, s1;
	[dreg:$0xa] =	wrdreg s23  }
0x19: {  	s17 =	sshrl.u32 s17, $0x3;
	s24 =	sadd.s32 s10, s18;
	[dreg:$0xc] =	wrdreg s1  }
0x1a: {  	s17 =	sadd.s32 s10, s17;
	s30 =	sadd.s32 $0x5000, s23;
	[dreg:$0xd] =	wrdreg s24  }
0x1b: {  	s8 =	sadd.s32 $0x400, s0;
	s21 =	sadd.s32 $0x1400, s17;
	[dreg:$0xf] =	wrdreg s30  }
0x1c: {  	s19 =	sadd.s32 $0x48, s15;
	s22 =	sadd.s32 $0x2800, s17;
	[smem:$0x7FC] =	sst s21  }
0x1d: {  	s15 =	sadd.s32 $0x58, s15;
	s17 =	sadd.s32 $0x3C00, s17;
	[dreg:$0x1e] =	wrdreg s22  }
0x1e: {  	s19 =	sshrl.u32 s19, $0x3;
	s1 =	sadd.s32 s12, s26;
	[dreg:$0xb] =	wrdreg s17  }
0x1f: {  	s15 =	sshrl.u32 s15, $0x3;
	s21 =	sadd.s32 $0xA000, s23;
	[dreg:$0x15] =	wrdreg s1  }
0x20: {  	v0 =	vimm.f32 $1.910000000e+02;
	s18 =	simm.s32 $0x19200;
	s30 =	sadd.s32 $0x700, s1;
	[dreg:$0x17] =	wrdreg s21  }
0x21: {  	(erf) = vrcp.f32 v0;
	s19 =	smul.u32 $0x1400, s19;
	s1 =	sadd.s32 $0xE00, s1;
	[dreg:$0x1b] =	wrdreg s30  }
0x22: {  	s15 =	smul.u32 $0x1400, s15;
	s17 =	smax.u32 s16, $0x1;
	[dreg:$0x1c] =	wrdreg s1  }
0x23: {  	s24 =	simm.s32 $0x5;
	s25 =	sadd.s32 s10, s19;
	[dreg:$0x1f] =	wrdreg s17  }
0x24: {  	s22 =	sadd.s32 s10, s15;
	s15 =	sadd.s32 $0x7800, s23;
	[dreg:$0xe] =	wrdreg s25  }
0x25: {  	s16 =	simm.s32 $0x2;
	s10 =	sadd.s32 s4, s26;
	[dreg:$0x16] =	wrdreg s15  }
.Ltmp0:
0x26: {  	s23 =	sadd.s32 $0xC800, s23;
	[dreg:$0x12] =	wrdreg s10;
	(pc) =	sbr.rel .LBB2_1-.Ltmp0, $4  }
0x27: {  	s19 =	simm.s32 $0x1A200;
	s21 =	simm.s32 $0x14200;
	[dreg:$0x18] =	wrdreg s22  }
0x28: {  	v0 =	vlaneseq.u32;
	s17 =	simm.s32 $0x3;
	s26 =	sadd.s32 $0x800, s10;
	[smem:$0x7FD] =	sst s23  }
0x29: {  	vm0 =	vmmov $0xffff;
	v4 =	vimm.s32 $0x0;
	v2 =	vshrl.u32 v0, $0x3;
	s2 =	sadd.s32 $0x1000, s10;
	s25 =	simm.s32 $0x15200;
	[dreg:$0x19] =	wrdreg s26  }
0x2a: {  	v5 =	vimm.s32 $0x1;
	v1 =	vand.u32 $0x7, v0;
	v2 =	vmul.u32 $0x8, v2;
	v3 =	vpop (erf);
	s22 =	simm.s32 $0xA000;
	[dreg:$0x1a] =	wrdreg s2;
	s26 =	simm.s32 $0x16200  }
.LBB2_22:
0x2b: {  	v7 =	vld [tilespmem:s20+$0x1A200];
	_ =	sdelay $0x6  }
0x2c: {  	[tilespmem:s2+$0x1B000] =	vst v6  }
0x2d: {  	v6 =	vld.idx.msk [tilespmem:v7+s9+$0x0], $0xffff;
	_ =	sdelay $0x4  }
0x2e: {  	s30 =	rddreg [dreg:$0x1c];
	[tilespmem:s20+$0x1B000] =	vst v6  }
0x2f: {  	[hbm4b:s30+s10] =	stream.strided.scatter [tilespmem:s4], [sflag:$0x5], $0xE00, s23, s10, $0x38;
	[tilespmem:$0x1BE00] =	vst v63  }
0x30: {  	_ =	swait.ge [sflag:s24], $0xE00  }
0x31: {  	[sflag:s24] =	ssyncset.done $0x0  }
0x32: {  	s29 =	smov.u32 s1;
	s20 =	simm.s32 $0x800;
	[sflag:s24] =	ssyncadd.s32 $0xFFFFF200  }
.LBB2_23:
0x33: {  	s29 =	sadd.s32 $0x1, s29  }
0x34: {  	p1 =	sne.s32 s29, s13  }
.Ltmp1:
0x35: {  	_ = 	snop;
	(pc) =	sbr.rel @!p1 .LBB2_24-.Ltmp1, $1  }
0x36: {  	_ =	sdelay $0x3  }
.LBB2_1:
0x37: {  	s2 =	simm.s32 $0x14000  }
0x38: {  	[tilespmem:s2], [sflag:$0x5] =	stream.linear.gather [hbm4b:s31+s3], $0x200, $0x38;
	[tilespmem:$0x1BE00] =	vst v63  }
0x39: {  	_ =	swait.ge [sflag:s24], $0x200  }
0x3a: {  	[sflag:s24] =	ssyncset.done $0x0  }
0x3b: {  	[sflag:s24] =	ssyncadd.s32 $0xFFFFFE00  }
0x3c: {  	v6 =	vld.msk [tilespmem:$0x14000], $0xff;
	_ =	sdelay $0x4  }
0x3d: {  	v7 =	vshrl.u32 v6, $0x3  }
0x3e: {  	v7 =	vmul.u32 $0x50, v7  }
0x3f: {  	v6 =	vand.u32 $0x7, v6  }
0x40: {  	v6 =	vor.u32 v6, v7  }
0x41: {  	v6 =	vperm.xlane v6, v1;
	_ =	sdelay $0x1  }
0x42: {  	v6 =	vadd.s32 v2, v6;
	_ =	sdelay $0x4  }
0x43: {  	[tilespmem:s3], [sflag:$0x1] =	stream.indirect_vreg.gather [hbm4b:s0+s3], $0x80, v6, vm0, $0xb8;
	[tilespmem:$0x1BE00] =	vst v63  }
0x44: {  	_ = 	snop  }
0x45: {  	[tilespmem:s20], [sflag:$0x1] =	stream.indirect_vreg.gather [hbm4b:s5+s3], $0x80, v6, vm0, $0xb8;
	[tilespmem:$0x1BE00] =	vst v63  }
0x46: {  	s24 =	simm.s32 $0x1000  }
0x47: {  	[tilespmem:s24], [sflag:$0x1] =	stream.indirect_vreg.gather [hbm4b:s6+s3], $0x80, v6, vm0, $0xb8;
	[tilespmem:$0x1BE00] =	vst v63  }
0x48: {  	s1 =	simm.s32 $0x1800  }
0x49: {  	[tilespmem:s1], [sflag:$0x1] =	stream.indirect_vreg.gather [hbm4b:s7+s3], $0x80, v6, vm0, $0xb8;
	[tilespmem:$0x1BE00] =	vst v63  }
0x4a: {  	s4 =	simm.s32 $0x2000  }
0x4b: {  	[tilespmem:s4], [sflag:$0x1] =	stream.indirect_vreg.gather [hbm4b:s8+s3], $0x80, v6, vm0, $0xb8;
	[tilespmem:$0x1BE00] =	vst v63  }
0x4c: {  	v6 =	vld.msk [tilespmem:$0x14080], $0xff;
	_ =	sdelay $0x4  }
0x4d: {  	v7 =	vshrl.u32 v6, $0x3  }
0x4e: {  	v7 =	vmul.u32 $0x50, v7  }
0x4f: {  	v6 =	vand.u32 $0x7, v6  }
0x50: {  	v6 =	vor.u32 v6, v7  }
0x51: {  	v6 =	vperm.xlane v6, v1;
	_ =	sdelay $0x1  }
0x52: {  	v6 =	vadd.s32 v2, v6;
	_ =	sdelay $0x3  }
0x53: {  	s10 =	simm.s32 $0x2800  }
0x54: {  	[tilespmem:s10], [sflag:$0x1] =	stream.indirect_vreg.gather [hbm4b:s0+s3], $0x80, v6, vm0, $0xb8;
	[tilespmem:$0x1BE00] =	vst v63  }
0x55: {  	s11 =	simm.s32 $0x3000  }
0x56: {  	[tilespmem:s11], [sflag:$0x1] =	stream.indirect_vreg.gather [hbm4b:s5+s3], $0x80, v6, vm0, $0xb8;
	[tilespmem:$0x1BE00] =	vst v63  }
0x57: {  	s12 =	simm.s32 $0x3800  }
0x58: {  	[tilespmem:s12], [sflag:$0x1] =	stream.indirect_vreg.gather [hbm4b:s6+s3], $0x80, v6, vm0, $0xb8;
	[tilespmem:$0x1BE00] =	vst v63  }
0x59: {  	s13 =	simm.s32 $0x4000  }
0x5a: {  	[tilespmem:s13], [sflag:$0x1] =	stream.indirect_vreg.gather [hbm4b:s7+s3], $0x80, v6, vm0, $0xb8;
	[tilespmem:$0x1BE00] =	vst v63  }
0x5b: {  	s15 =	simm.s32 $0x4800  }
0x5c: {  	[tilespmem:s15], [sflag:$0x1] =	stream.indirect_vreg.gather [hbm4b:s8+s3], $0x80, v6, vm0, $0xb8;
	[tilespmem:$0x1BE00] =	vst v63  }
0x5d: {  	v6 =	vld.msk [tilespmem:$0x14100], $0xff;
	_ =	sdelay $0x4  }
0x5e: {  	v7 =	vshrl.u32 v6, $0x3  }
0x5f: {  	v7 =	vmul.u32 $0x50, v7  }
0x60: {  	v6 =	vand.u32 $0x7, v6  }
0x61: {  	v6 =	vor.u32 v6, v7  }
0x62: {  	v6 =	vperm.xlane v6, v1;
	_ =	sdelay $0x1  }
0x63: {  	v6 =	vadd.s32 v2, v6;
	_ =	sdelay $0x3  }
0x64: {  	s23 =	simm.s32 $0x5000  }
0x65: {  	[tilespmem:s23], [sflag:$0x1] =	stream.indirect_vreg.gather [hbm4b:s0+s3], $0x80, v6, vm0, $0xb8;
	[tilespmem:$0x1BE00] =	vst v63  }
0x66: {  	s13 =	simm.s32 $0x5800  }
0x67: {  	[tilespmem:s13], [sflag:$0x1] =	stream.indirect_vreg.gather [hbm4b:s5+s3], $0x80, v6, vm0, $0xb8;
	[tilespmem:$0x1BE00] =	vst v63  }
0x68: {  	s15 =	simm.s32 $0x6000  }
0x69: {  	[tilespmem:s15], [sflag:$0x1] =	stream.indirect_vreg.gather [hbm4b:s6+s3], $0x80, v6, vm0, $0xb8;
	[tilespmem:$0x1BE00] =	vst v63  }
0x6a: {  	s23 =	simm.s32 $0x6800  }
0x6b: {  	[tilespmem:s23], [sflag:$0x1] =	stream.indirect_vreg.gather [hbm4b:s7+s3], $0x80, v6, vm0, $0xb8;
	[tilespmem:$0x1BE00] =	vst v63  }
0x6c: {  	s2 =	simm.s32 $0x7000  }
0x6d: {  	[tilespmem:s2], [sflag:$0x1] =	stream.indirect_vreg.gather [hbm4b:s8+s3], $0x80, v6, vm0, $0xb8;
	[tilespmem:$0x1BE00] =	vst v63  }
0x6e: {  	v6 =	vld.msk [tilespmem:$0x14180], $0xff;
	_ =	sdelay $0x4  }
0x6f: {  	v7 =	vshrl.u32 v6, $0x3  }
0x70: {  	v7 =	vmul.u32 $0x50, v7  }
0x71: {  	v6 =	vand.u32 $0x7, v6  }
0x72: {  	v6 =	vor.u32 v6, v7  }
0x73: {  	v6 =	vperm.xlane v6, v1;
	_ =	sdelay $0x1  }
0x74: {  	v6 =	vadd.s32 v2, v6;
	_ =	sdelay $0x3  }
0x75: {  	s2 =	simm.s32 $0x7800  }
0x76: {  	[tilespmem:s2], [sflag:$0x1] =	stream.indirect_vreg.gather [hbm4b:s0+s3], $0x80, v6, vm0, $0xb8;
	[tilespmem:$0x1BE00] =	vst v63  }
0x77: {  	s2 =	simm.s32 $0x8000  }
0x78: {  	[tilespmem:s2], [sflag:$0x1] =	stream.indirect_vreg.gather [hbm4b:s5+s3], $0x80, v6, vm0, $0xb8;
	[tilespmem:$0x1BE00] =	vst v63  }
0x79: {  	s2 =	simm.s32 $0x8800  }
0x7a: {  	[tilespmem:s2], [sflag:$0x1] =	stream.indirect_vreg.gather [hbm4b:s6+s3], $0x80, v6, vm0, $0xb8;
	[tilespmem:$0x1BE00] =	vst v63  }
0x7b: {  	s2 =	simm.s32 $0x9000  }
0x7c: {  	[tilespmem:s2], [sflag:$0x1] =	stream.indirect_vreg.gather [hbm4b:s7+s3], $0x80, v6, vm0, $0xb8;
	[tilespmem:$0x1BE00] =	vst v63  }
0x7d: {  	s2 =	simm.s32 $0x9800  }
0x7e: {  	[tilespmem:s2], [sflag:$0x1] =	stream.indirect_vreg.gather [hbm4b:s8+s3], $0x80, v6, vm0, $0xb8;
	[tilespmem:$0x1BE00] =	vst v63  }
0x7f: {  	v6 =	vld.msk [tilespmem:$0x14008], $0xff;
	_ =	sdelay $0x4  }
0x80: {  	v7 =	vshrl.u32 v6, $0x3  }
0x81: {  	v7 =	vmul.u32 $0x50, v7  }
0x82: {  	v6 =	vand.u32 $0x7, v6  }
0x83: {  	v6 =	vor.u32 v6, v7  }
0x84: {  	v6 =	vperm.xlane v6, v1;
	_ =	sdelay $0x1  }
0x85: {  	v6 =	vadd.s32 v2, v6;
	_ =	sdelay $0x4  }
0x86: {  	[tilespmem:s22], [sflag:$0x2] =	stream.indirect_vreg.gather [hbm4b:s0+s3], $0x80, v6, vm0, $0xb8;
	[tilespmem:$0x1BE00] =	vst v63  }
0x87: {  	s2 =	simm.s32 $0xA800  }
0x88: {  	[tilespmem:s2], [sflag:$0x2] =	stream.indirect_vreg.gather [hbm4b:s5+s3], $0x80, v6, vm0, $0xb8;
	[tilespmem:$0x1BE00] =	vst v63  }
0x89: {  	s2 =	simm.s32 $0xB000  }
0x8a: {  	[tilespmem:s2], [sflag:$0x2] =	stream.indirect_vreg.gather [hbm4b:s6+s3], $0x80, v6, vm0, $0xb8;
	[tilespmem:$0x1BE00] =	vst v63  }
0x8b: {  	s2 =	simm.s32 $0xB800  }
0x8c: {  	[tilespmem:s2], [sflag:$0x2] =	stream.indirect_vreg.gather [hbm4b:s7+s3], $0x80, v6, vm0, $0xb8;
	[tilespmem:$0x1BE00] =	vst v63  }
0x8d: {  	s2 =	simm.s32 $0xC000  }
0x8e: {  	[tilespmem:s2], [sflag:$0x2] =	stream.indirect_vreg.gather [hbm4b:s8+s3], $0x80, v6, vm0, $0xb8;
	[tilespmem:$0x1BE00] =	vst v63  }
0x8f: {  	v6 =	vld.msk [tilespmem:$0x14088], $0xff;
	_ =	sdelay $0x4  }
0x90: {  	v7 =	vshrl.u32 v6, $0x3  }
0x91: {  	v7 =	vmul.u32 $0x50, v7  }
0x92: {  	v6 =	vand.u32 $0x7, v6  }
0x93: {  	v6 =	vor.u32 v6, v7  }
0x94: {  	v6 =	vperm.xlane v6, v1;
	_ =	sdelay $0x1  }
0x95: {  	v6 =	vadd.s32 v2, v6;
	_ =	sdelay $0x3  }
0x96: {  	s2 =	simm.s32 $0xC800  }
0x97: {  	[tilespmem:s2], [sflag:$0x2] =	stream.indirect_vreg.gather [hbm4b:s0+s3], $0x80, v6, vm0, $0xb8;
	[tilespmem:$0x1BE00] =	vst v63  }
0x98: {  	s2 =	simm.s32 $0xD000  }
0x99: {  	[tilespmem:s2], [sflag:$0x2] =	stream.indirect_vreg.gather [hbm4b:s5+s3], $0x80, v6, vm0, $0xb8;
	[tilespmem:$0x1BE00] =	vst v63  }
0x9a: {  	s2 =	simm.s32 $0xD800  }
0x9b: {  	[tilespmem:s2], [sflag:$0x2] =	stream.indirect_vreg.gather [hbm4b:s6+s3], $0x80, v6, vm0, $0xb8;
	[tilespmem:$0x1BE00] =	vst v63  }
0x9c: {  	s2 =	simm.s32 $0xE000  }
0x9d: {  	[tilespmem:s2], [sflag:$0x2] =	stream.indirect_vreg.gather [hbm4b:s7+s3], $0x80, v6, vm0, $0xb8;
	[tilespmem:$0x1BE00] =	vst v63  }
0x9e: {  	s2 =	simm.s32 $0xE800  }
0x9f: {  	[tilespmem:s2], [sflag:$0x2] =	stream.indirect_vreg.gather [hbm4b:s8+s3], $0x80, v6, vm0, $0xb8;
	[tilespmem:$0x1BE00] =	vst v63  }
0xa0: {  	v6 =	vld.msk [tilespmem:$0x14108], $0xff;
	_ =	sdelay $0x4  }
0xa1: {  	v7 =	vshrl.u32 v6, $0x3  }
0xa2: {  	v7 =	vmul.u32 $0x50, v7  }
0xa3: {  	v6 =	vand.u32 $0x7, v6  }
0xa4: {  	v6 =	vor.u32 v6, v7  }
0xa5: {  	v6 =	vperm.xlane v6, v1;
	_ =	sdelay $0x1  }
0xa6: {  	v6 =	vadd.s32 v2, v6;
	_ =	sdelay $0x3  }
0xa7: {  	s2 =	simm.s32 $0xF000  }
0xa8: {  	[tilespmem:s2], [sflag:$0x2] =	stream.indirect_vreg.gather [hbm4b:s0+s3], $0x80, v6, vm0, $0xb8;
	[tilespmem:$0x1BE00] =	vst v63  }
0xa9: {  	s2 =	simm.s32 $0xF800  }
0xaa: {  	[tilespmem:s2], [sflag:$0x2] =	stream.indirect_vreg.gather [hbm4b:s5+s3], $0x80, v6, vm0, $0xb8;
	[tilespmem:$0x1BE00] =	vst v63  }
0xab: {  	s2 =	simm.s32 $0x10000  }
0xac: {  	[tilespmem:s2], [sflag:$0x2] =	stream.indirect_vreg.gather [hbm4b:s6+s3], $0x80, v6, vm0, $0xb8;
	[tilespmem:$0x1BE00] =	vst v63  }
0xad: {  	s2 =	simm.s32 $0x10800  }
0xae: {  	[tilespmem:s2], [sflag:$0x2] =	stream.indirect_vreg.gather [hbm4b:s7+s3], $0x80, v6, vm0, $0xb8;
	[tilespmem:$0x1BE00] =	vst v63  }
0xaf: {  	s2 =	simm.s32 $0x11000  }
0xb0: {  	[tilespmem:s2], [sflag:$0x2] =	stream.indirect_vreg.gather [hbm4b:s8+s3], $0x80, v6, vm0, $0xb8;
	[tilespmem:$0x1BE00] =	vst v63  }
0xb1: {  	v6 =	vld.msk [tilespmem:$0x14188], $0xff;
	_ =	sdelay $0x4  }
0xb2: {  	v7 =	vshrl.u32 v6, $0x3  }
0xb3: {  	v7 =	vmul.u32 $0x50, v7  }
0xb4: {  	v6 =	vand.u32 $0x7, v6  }
0xb5: {  	v6 =	vor.u32 v6, v7  }
0xb6: {  	v6 =	vperm.xlane v6, v1;
	_ =	sdelay $0x1  }
0xb7: {  	v6 =	vadd.s32 v2, v6;
	_ =	sdelay $0x3  }
0xb8: {  	s2 =	simm.s32 $0x11800  }
0xb9: {  	[tilespmem:s2], [sflag:$0x2] =	stream.indirect_vreg.gather [hbm4b:s0+s3], $0x80, v6, vm0, $0xb8;
	[tilespmem:$0x1BE00] =	vst v63  }
0xba: {  	s2 =	simm.s32 $0x12000  }
0xbb: {  	[tilespmem:s2], [sflag:$0x2] =	stream.indirect_vreg.gather [hbm4b:s5+s3], $0x80, v6, vm0, $0xb8;
	[tilespmem:$0x1BE00] =	vst v63  }
0xbc: {  	s2 =	simm.s32 $0x12800  }
0xbd: {  	[tilespmem:s2], [sflag:$0x2] =	stream.indirect_vreg.gather [hbm4b:s6+s3], $0x80, v6, vm0, $0xb8;
	[tilespmem:$0x1BE00] =	vst v63  }
0xbe: {  	s2 =	simm.s32 $0x13000  }
0xbf: {  	[tilespmem:s2], [sflag:$0x2] =	stream.indirect_vreg.gather [hbm4b:s7+s3], $0x80, v6, vm0, $0xb8;
	[tilespmem:$0x1BE00] =	vst v63  }
0xc0: {  	s2 =	simm.s32 $0x13800  }
0xc1: {  	[tilespmem:s2], [sflag:$0x2] =	stream.indirect_vreg.gather [hbm4b:s8+s3], $0x80, v6, vm0, $0xb8;
	[tilespmem:$0x1BE00] =	vst v63  }
0xc2: {  	_ =	swait.ge [sflag:s14], $0x2800  }
0xc3: {  	[sflag:s14] =	ssyncset.done $0x0  }
0xc4: {  	[sflag:s14] =	ssyncadd.s32 $0xFFFFD800  }
0xc5: {  	_ =	swait.ge [sflag:s14], $0x2800  }
0xc6: {  	[sflag:s14] =	ssyncset.done $0x0  }
0xc7: {  	[sflag:s14] =	ssyncadd.s32 $0xFFFFD800  }
0xc8: {  	_ =	swait.ge [sflag:s14], $0x2800  }
0xc9: {  	[sflag:s14] =	ssyncset.done $0x0  }
0xca: {  	[sflag:s14] =	ssyncadd.s32 $0xFFFFD800  }
0xcb: {  	_ =	swait.ge [sflag:s14], $0x2800  }
0xcc: {  	[sflag:s14] =	ssyncset.done $0x0  }
0xcd: {  	s2 =	rddreg [dreg:$0xa];
	[sflag:s14] =	ssyncadd.s32 $0xFFFFD800  }
0xce: {  	[hbm4b:s2+s3] =	stream.linear.scatter [tilespmem:s3], [sflag:$0x3], $0xA000, $0x38;
	[tilespmem:$0x1BE00] =	vst v63  }
0xcf: {  	_ =	swait.ge [sflag:s17], $0xA000  }
0xd0: {  	[sflag:s17] =	ssyncset.done $0x0  }
0xd1: {  	[sflag:s17] =	ssyncadd.s32 $0xFFFF6000  }
0xd2: {  	v6 =	vld.msk [tilespmem:$0x14010], $0xff;
	_ =	sdelay $0x4  }
0xd3: {  	v7 =	vshrl.u32 v6, $0x3  }
0xd4: {  	v7 =	vmul.u32 $0x50, v7  }
0xd5: {  	v6 =	vand.u32 $0x7, v6  }
0xd6: {  	v6 =	vor.u32 v6, v7  }
0xd7: {  	v6 =	vperm.xlane v6, v1;
	_ =	sdelay $0x1  }
0xd8: {  	v6 =	vadd.s32 v2, v6;
	_ =	sdelay $0x4  }
0xd9: {  	[tilespmem:s3], [sflag:$0x1] =	stream.indirect_vreg.gather [hbm4b:s0+s3], $0x80, v6, vm0, $0xb8;
	[tilespmem:$0x1BE00] =	vst v63  }
0xda: {  	_ = 	snop  }
0xdb: {  	[tilespmem:s20], [sflag:$0x1] =	stream.indirect_vreg.gather [hbm4b:s5+s3], $0x80, v6, vm0, $0xb8;
	[tilespmem:$0x1BE00] =	vst v63  }
0xdc: {  	s24 =	simm.s32 $0x1000  }
0xdd: {  	[tilespmem:s24], [sflag:$0x1] =	stream.indirect_vreg.gather [hbm4b:s6+s3], $0x80, v6, vm0, $0xb8;
	[tilespmem:$0x1BE00] =	vst v63  }
0xde: {  	s31 =	simm.s32 $0x1800  }
0xdf: {  	[tilespmem:s31], [sflag:$0x1] =	stream.indirect_vreg.gather [hbm4b:s7+s3], $0x80, v6, vm0, $0xb8;
	[tilespmem:$0x1BE00] =	vst v63  }
0xe0: {  	s4 =	simm.s32 $0x2000  }
0xe1: {  	[tilespmem:s4], [sflag:$0x1] =	stream.indirect_vreg.gather [hbm4b:s8+s3], $0x80, v6, vm0, $0xb8;
	[tilespmem:$0x1BE00] =	vst v63  }
0xe2: {  	v6 =	vld.msk [tilespmem:$0x14090], $0xff;
	_ =	sdelay $0x4  }
0xe3: {  	v7 =	vshrl.u32 v6, $0x3  }
0xe4: {  	v7 =	vmul.u32 $0x50, v7  }
0xe5: {  	v6 =	vand.u32 $0x7, v6  }
0xe6: {  	v6 =	vor.u32 v6, v7  }
0xe7: {  	v6 =	vperm.xlane v6, v1;
	_ =	sdelay $0x1  }
0xe8: {  	v6 =	vadd.s32 v2, v6;
	_ =	sdelay $0x3  }
0xe9: {  	s4 =	simm.s32 $0x2800  }
0xea: {  	[tilespmem:s4], [sflag:$0x1] =	stream.indirect_vreg.gather [hbm4b:s0+s3], $0x80, v6, vm0, $0xb8;
	[tilespmem:$0x1BE00] =	vst v63  }
0xeb: {  	s10 =	simm.s32 $0x3000  }
0xec: {  	[tilespmem:s10], [sflag:$0x1] =	stream.indirect_vreg.gather [hbm4b:s5+s3], $0x80, v6, vm0, $0xb8;
	[tilespmem:$0x1BE00] =	vst v63  }
0xed: {  	s11 =	simm.s32 $0x3800  }
0xee: {  	[tilespmem:s11], [sflag:$0x1] =	stream.indirect_vreg.gather [hbm4b:s6+s3], $0x80, v6, vm0, $0xb8;
	[tilespmem:$0x1BE00] =	vst v63  }
0xef: {  	s12 =	simm.s32 $0x4000  }
0xf0: {  	[tilespmem:s12], [sflag:$0x1] =	stream.indirect_vreg.gather [hbm4b:s7+s3], $0x80, v6, vm0, $0xb8;
	[tilespmem:$0x1BE00] =	vst v63  }
0xf1: {  	s1 =	simm.s32 $0x4800  }
0xf2: {  	[tilespmem:s1], [sflag:$0x1] =	stream.indirect_vreg.gather [hbm4b:s8+s3], $0x80, v6, vm0, $0xb8;
	[tilespmem:$0x1BE00] =	vst v63  }
0xf3: {  	v6 =	vld.msk [tilespmem:$0x14110], $0xff;
	_ =	sdelay $0x4  }
0xf4: {  	v7 =	vshrl.u32 v6, $0x3  }
0xf5: {  	v7 =	vmul.u32 $0x50, v7  }
0xf6: {  	v6 =	vand.u32 $0x7, v6  }
0xf7: {  	v6 =	vor.u32 v6, v7  }
0xf8: {  	v6 =	vperm.xlane v6, v1;
	_ =	sdelay $0x1  }
0xf9: {  	v6 =	vadd.s32 v2, v6;
	_ =	sdelay $0x3  }
0xfa: {  	s10 =	simm.s32 $0x5000  }
0xfb: {  	[tilespmem:s10], [sflag:$0x1] =	stream.indirect_vreg.gather [hbm4b:s0+s3], $0x80, v6, vm0, $0xb8;
	[tilespmem:$0x1BE00] =	vst v63  }
0xfc: {  	s13 =	simm.s32 $0x5800  }
0xfd: {  	[tilespmem:s13], [sflag:$0x1] =	stream.indirect_vreg.gather [hbm4b:s5+s3], $0x80, v6, vm0, $0xb8;
	[tilespmem:$0x1BE00] =	vst v63  }
0xfe: {  	s15 =	simm.s32 $0x6000  }
0xff: {  	[tilespmem:s15], [sflag:$0x1] =	stream.indirect_vreg.gather [hbm4b:s6+s3], $0x80, v6, vm0, $0xb8;
	[tilespmem:$0x1BE00] =	vst v63  }
0x100: {  	s23 =	simm.s32 $0x6800  }
0x101: {  	[tilespmem:s23], [sflag:$0x1] =	stream.indirect_vreg.gather [hbm4b:s7+s3], $0x80, v6, vm0, $0xb8;
	[tilespmem:$0x1BE00] =	vst v63  }
0x102: {  	s30 =	simm.s32 $0x7000  }
0x103: {  	[tilespmem:s30], [sflag:$0x1] =	stream.indirect_vreg.gather [hbm4b:s8+s3], $0x80, v6, vm0, $0xb8;
	[tilespmem:$0x1BE00] =	vst v63  }
0x104: {  	v6 =	vld.msk [tilespmem:$0x14190], $0xff;
	_ =	sdelay $0x4  }
0x105: {  	v7 =	vshrl.u32 v6, $0x3  }
0x106: {  	v7 =	vmul.u32 $0x50, v7  }
0x107: {  	v6 =	vand.u32 $0x7, v6  }
0x108: {  	v6 =	vor.u32 v6, v7  }
0x109: {  	v6 =	vperm.xlane v6, v1;
	_ =	sdelay $0x1  }
0x10a: {  	v6 =	vadd.s32 v2, v6;
	_ =	sdelay $0x3  }
0x10b: {  	s11 =	simm.s32 $0x7800  }
0x10c: {  	[tilespmem:s11], [sflag:$0x1] =	stream.indirect_vreg.gather [hbm4b:s0+s3], $0x80, v6, vm0, $0xb8;
	[tilespmem:$0x1BE00] =	vst v63  }
0x10d: {  	s12 =	simm.s32 $0x8000  }
0x10e: {  	[tilespmem:s12], [sflag:$0x1] =	stream.indirect_vreg.gather [hbm4b:s5+s3], $0x80, v6, vm0, $0xb8;
	[tilespmem:$0x1BE00] =	vst v63  }
0x10f: {  	s13 =	simm.s32 $0x8800  }
0x110: {  	[tilespmem:s13], [sflag:$0x1] =	stream.indirect_vreg.gather [hbm4b:s6+s3], $0x80, v6, vm0, $0xb8;
	[tilespmem:$0x1BE00] =	vst v63  }
0x111: {  	s15 =	simm.s32 $0x9000  }
0x112: {  	[tilespmem:s15], [sflag:$0x1] =	stream.indirect_vreg.gather [hbm4b:s7+s3], $0x80, v6, vm0, $0xb8;
	[tilespmem:$0x1BE00] =	vst v63  }
0x113: {  	s23 =	simm.s32 $0x9800  }
0x114: {  	[tilespmem:s23], [sflag:$0x1] =	stream.indirect_vreg.gather [hbm4b:s8+s3], $0x80, v6, vm0, $0xb8;
	[tilespmem:$0x1BE00] =	vst v63  }
0x115: {  	_ =	swait.ge [sflag:s16], $0x2800  }
0x116: {  	[sflag:s16] =	ssyncset.done $0x0  }
0x117: {  	[sflag:s16] =	ssyncadd.s32 $0xFFFFD800  }
0x118: {  	_ =	swait.ge [sflag:s16], $0x2800  }
0x119: {  	[sflag:s16] =	ssyncset.done $0x0  }
0x11a: {  	[sflag:s16] =	ssyncadd.s32 $0xFFFFD800  }
0x11b: {  	_ =	swait.ge [sflag:s16], $0x2800  }
0x11c: {  	[sflag:s16] =	ssyncset.done $0x0  }
0x11d: {  	[sflag:s16] =	ssyncadd.s32 $0xFFFFD800  }
0x11e: {  	_ =	swait.ge [sflag:s16], $0x2800  }
0x11f: {  	s1 =	sld [smem:$0x7FC]  }
0x120: {  	[sflag:s16] =	ssyncset.done $0x0  }
0x121: {  	s15 =	simm.s32 $0x4;
	[sflag:s16] =	ssyncadd.s32 $0xFFFFD800  }
0x122: {  	[hbm4b:s1+s3] =	stream.linear.scatter [tilespmem:s22], [sflag:$0x4], $0xA000, $0x38;
	[tilespmem:$0x1BE00] =	vst v63  }
0x123: {  	_ =	swait.ge [sflag:s15], $0xA000  }
0x124: {  	[sflag:s15] =	ssyncset.done $0x0  }
0x125: {  	[sflag:s15] =	ssyncadd.s32 $0xFFFF6000  }
0x126: {  	v6 =	vld.msk [tilespmem:$0x14018], $0xff;
	_ =	sdelay $0x4  }
0x127: {  	v7 =	vshrl.u32 v6, $0x3  }
0x128: {  	v7 =	vmul.u32 $0x50, v7  }
0x129: {  	v6 =	vand.u32 $0x7, v6  }
0x12a: {  	v6 =	vor.u32 v6, v7  }
0x12b: {  	v6 =	vperm.xlane v6, v1;
	_ =	sdelay $0x1  }
0x12c: {  	v6 =	vadd.s32 v2, v6;
	_ =	sdelay $0x4  }
0x12d: {  	[tilespmem:s22], [sflag:$0x2] =	stream.indirect_vreg.gather [hbm4b:s0+s3], $0x80, v6, vm0, $0xb8;
	[tilespmem:$0x1BE00] =	vst v63  }
0x12e: {  	s4 =	simm.s32 $0xA800  }
0x12f: {  	[tilespmem:s4], [sflag:$0x2] =	stream.indirect_vreg.gather [hbm4b:s5+s3], $0x80, v6, vm0, $0xb8;
	[tilespmem:$0x1BE00] =	vst v63  }
0x130: {  	s10 =	simm.s32 $0xB000  }
0x131: {  	[tilespmem:s10], [sflag:$0x2] =	stream.indirect_vreg.gather [hbm4b:s6+s3], $0x80, v6, vm0, $0xb8;
	[tilespmem:$0x1BE00] =	vst v63  }
0x132: {  	s11 =	simm.s32 $0xB800  }
0x133: {  	[tilespmem:s11], [sflag:$0x2] =	stream.indirect_vreg.gather [hbm4b:s7+s3], $0x80, v6, vm0, $0xb8;
	[tilespmem:$0x1BE00] =	vst v63  }
0x134: {  	s12 =	simm.s32 $0xC000  }
0x135: {  	[tilespmem:s12], [sflag:$0x2] =	stream.indirect_vreg.gather [hbm4b:s8+s3], $0x80, v6, vm0, $0xb8;
	[tilespmem:$0x1BE00] =	vst v63  }
0x136: {  	v6 =	vld.msk [tilespmem:$0x14098], $0xff;
	_ =	sdelay $0x4  }
0x137: {  	v7 =	vshrl.u32 v6, $0x3  }
0x138: {  	v7 =	vmul.u32 $0x50, v7  }
0x139: {  	v6 =	vand.u32 $0x7, v6  }
0x13a: {  	v6 =	vor.u32 v6, v7  }
0x13b: {  	v6 =	vperm.xlane v6, v1;
	_ =	sdelay $0x1  }
0x13c: {  	v6 =	vadd.s32 v2, v6;
	_ =	sdelay $0x3  }
0x13d: {  	s13 =	simm.s32 $0xC800  }
0x13e: {  	[tilespmem:s13], [sflag:$0x2] =	stream.indirect_vreg.gather [hbm4b:s0+s3], $0x80, v6, vm0, $0xb8;
	[tilespmem:$0x1BE00] =	vst v63  }
0x13f: {  	s10 =	simm.s32 $0xD000  }
0x140: {  	[tilespmem:s10], [sflag:$0x2] =	stream.indirect_vreg.gather [hbm4b:s5+s3], $0x80, v6, vm0, $0xb8;
	[tilespmem:$0x1BE00] =	vst v63  }
0x141: {  	s11 =	simm.s32 $0xD800  }
0x142: {  	[tilespmem:s11], [sflag:$0x2] =	stream.indirect_vreg.gather [hbm4b:s6+s3], $0x80, v6, vm0, $0xb8;
	[tilespmem:$0x1BE00] =	vst v63  }
0x143: {  	s10 =	simm.s32 $0xE000  }
0x144: {  	[tilespmem:s10], [sflag:$0x2] =	stream.indirect_vreg.gather [hbm4b:s7+s3], $0x80, v6, vm0, $0xb8;
	[tilespmem:$0x1BE00] =	vst v63  }
0x145: {  	s11 =	simm.s32 $0xE800  }
0x146: {  	[tilespmem:s11], [sflag:$0x2] =	stream.indirect_vreg.gather [hbm4b:s8+s3], $0x80, v6, vm0, $0xb8;
	[tilespmem:$0x1BE00] =	vst v63  }
0x147: {  	v6 =	vld.msk [tilespmem:$0x14118], $0xff;
	_ =	sdelay $0x4  }
0x148: {  	v7 =	vshrl.u32 v6, $0x3  }
0x149: {  	v7 =	vmul.u32 $0x50, v7  }
0x14a: {  	v6 =	vand.u32 $0x7, v6  }
0x14b: {  	v6 =	vor.u32 v6, v7  }
0x14c: {  	v6 =	vperm.xlane v6, v1;
	_ =	sdelay $0x1  }
0x14d: {  	v6 =	vadd.s32 v2, v6;
	_ =	sdelay $0x3  }
0x14e: {  	s11 =	simm.s32 $0xF000  }
0x14f: {  	[tilespmem:s11], [sflag:$0x2] =	stream.indirect_vreg.gather [hbm4b:s0+s3], $0x80, v6, vm0, $0xb8;
	[tilespmem:$0x1BE00] =	vst v63  }
0x150: {  	s2 =	simm.s32 $0xF800  }
0x151: {  	[tilespmem:s2], [sflag:$0x2] =	stream.indirect_vreg.gather [hbm4b:s5+s3], $0x80, v6, vm0, $0xb8;
	[tilespmem:$0x1BE00] =	vst v63  }
0x152: {  	s2 =	simm.s32 $0x10000  }
0x153: {  	[tilespmem:s2], [sflag:$0x2] =	stream.indirect_vreg.gather [hbm4b:s6+s3], $0x80, v6, vm0, $0xb8;
	[tilespmem:$0x1BE00] =	vst v63  }
0x154: {  	s2 =	simm.s32 $0x10800  }
0x155: {  	[tilespmem:s2], [sflag:$0x2] =	stream.indirect_vreg.gather [hbm4b:s7+s3], $0x80, v6, vm0, $0xb8;
	[tilespmem:$0x1BE00] =	vst v63  }
0x156: {  	s2 =	simm.s32 $0x11000  }
0x157: {  	[tilespmem:s2], [sflag:$0x2] =	stream.indirect_vreg.gather [hbm4b:s8+s3], $0x80, v6, vm0, $0xb8;
	[tilespmem:$0x1BE00] =	vst v63  }
0x158: {  	v6 =	vld.msk [tilespmem:$0x14198], $0xff;
	_ =	sdelay $0x4  }
0x159: {  	v7 =	vshrl.u32 v6, $0x3  }
0x15a: {  	v7 =	vmul.u32 $0x50, v7  }
0x15b: {  	v6 =	vand.u32 $0x7, v6  }
0x15c: {  	v6 =	vor.u32 v6, v7  }
0x15d: {  	v6 =	vperm.xlane v6, v1;
	_ =	sdelay $0x1  }
0x15e: {  	v6 =	vadd.s32 v2, v6;
	_ =	sdelay $0x3  }
0x15f: {  	s2 =	simm.s32 $0x11800  }
0x160: {  	[tilespmem:s2], [sflag:$0x2] =	stream.indirect_vreg.gather [hbm4b:s0+s3], $0x80, v6, vm0, $0xb8;
	[tilespmem:$0x1BE00] =	vst v63  }
0x161: {  	s2 =	simm.s32 $0x12000  }
0x162: {  	[tilespmem:s2], [sflag:$0x2] =	stream.indirect_vreg.gather [hbm4b:s5+s3], $0x80, v6, vm0, $0xb8;
	[tilespmem:$0x1BE00] =	vst v63  }
0x163: {  	s2 =	simm.s32 $0x12800  }
0x164: {  	[tilespmem:s2], [sflag:$0x2] =	stream.indirect_vreg.gather [hbm4b:s6+s3], $0x80, v6, vm0, $0xb8;
	[tilespmem:$0x1BE00] =	vst v63  }
0x165: {  	s2 =	simm.s32 $0x13000  }
0x166: {  	[tilespmem:s2], [sflag:$0x2] =	stream.indirect_vreg.gather [hbm4b:s7+s3], $0x80, v6, vm0, $0xb8;
	[tilespmem:$0x1BE00] =	vst v63  }
0x167: {  	s2 =	simm.s32 $0x13800  }
0x168: {  	[tilespmem:s2], [sflag:$0x2] =	stream.indirect_vreg.gather [hbm4b:s8+s3], $0x80, v6, vm0, $0xb8;
	[tilespmem:$0x1BE00] =	vst v63  }
0x169: {  	_ =	swait.ge [sflag:s14], $0x2800  }
0x16a: {  	[sflag:s14] =	ssyncset.done $0x0  }
0x16b: {  	[sflag:s14] =	ssyncadd.s32 $0xFFFFD800  }
0x16c: {  	_ =	swait.ge [sflag:s14], $0x2800  }
0x16d: {  	[sflag:s14] =	ssyncset.done $0x0  }
0x16e: {  	[sflag:s14] =	ssyncadd.s32 $0xFFFFD800  }
0x16f: {  	_ =	swait.ge [sflag:s14], $0x2800  }
0x170: {  	[sflag:s14] =	ssyncset.done $0x0  }
0x171: {  	[sflag:s14] =	ssyncadd.s32 $0xFFFFD800  }
0x172: {  	_ =	swait.ge [sflag:s14], $0x2800  }
0x173: {  	[sflag:s14] =	ssyncset.done $0x0  }
0x174: {  	s2 =	rddreg [dreg:$0x1e];
	[sflag:s14] =	ssyncadd.s32 $0xFFFFD800  }
0x175: {  	[hbm4b:s2+s3] =	stream.linear.scatter [tilespmem:s3], [sflag:$0x3], $0xA000, $0x38;
	[tilespmem:$0x1BE00] =	vst v63  }
0x176: {  	_ =	swait.ge [sflag:s17], $0xA000  }
0x177: {  	[sflag:s17] =	ssyncset.done $0x0  }
0x178: {  	[sflag:s17] =	ssyncadd.s32 $0xFFFF6000  }
0x179: {  	v6 =	vld.msk [tilespmem:$0x14020], $0xff;
	_ =	sdelay $0x4  }
0x17a: {  	v7 =	vshrl.u32 v6, $0x3  }
0x17b: {  	v7 =	vmul.u32 $0x50, v7  }
0x17c: {  	v6 =	vand.u32 $0x7, v6  }
0x17d: {  	v6 =	vor.u32 v6, v7  }
0x17e: {  	v6 =	vperm.xlane v6, v1;
	_ =	sdelay $0x1  }
0x17f: {  	v6 =	vadd.s32 v2, v6;
	_ =	sdelay $0x4  }
0x180: {  	[tilespmem:s3], [sflag:$0x1] =	stream.indirect_vreg.gather [hbm4b:s0+s3], $0x80, v6, vm0, $0xb8;
	[tilespmem:$0x1BE00] =	vst v63  }
0x181: {  	_ = 	snop  }
0x182: {  	[tilespmem:s20], [sflag:$0x1] =	stream.indirect_vreg.gather [hbm4b:s5+s3], $0x80, v6, vm0, $0xb8;
	[tilespmem:$0x1BE00] =	vst v63  }
0x183: {  	s2 =	simm.s32 $0x1000  }
0x184: {  	[tilespmem:s2], [sflag:$0x1] =	stream.indirect_vreg.gather [hbm4b:s6+s3], $0x80, v6, vm0, $0xb8;
	[tilespmem:$0x1BE00] =	vst v63  }
0x185: {  	s2 =	simm.s32 $0x1800  }
0x186: {  	[tilespmem:s2], [sflag:$0x1] =	stream.indirect_vreg.gather [hbm4b:s7+s3], $0x80, v6, vm0, $0xb8;
	[tilespmem:$0x1BE00] =	vst v63  }
0x187: {  	s2 =	simm.s32 $0x2000  }
0x188: {  	[tilespmem:s2], [sflag:$0x1] =	stream.indirect_vreg.gather [hbm4b:s8+s3], $0x80, v6, vm0, $0xb8;
	[tilespmem:$0x1BE00] =	vst v63  }
0x189: {  	v6 =	vld.msk [tilespmem:$0x140A0], $0xff;
	_ =	sdelay $0x4  }
0x18a: {  	v7 =	vshrl.u32 v6, $0x3  }
0x18b: {  	v7 =	vmul.u32 $0x50, v7  }
0x18c: {  	v6 =	vand.u32 $0x7, v6  }
0x18d: {  	v6 =	vor.u32 v6, v7  }
0x18e: {  	v6 =	vperm.xlane v6, v1;
	_ =	sdelay $0x1  }
0x18f: {  	v6 =	vadd.s32 v2, v6;
	_ =	sdelay $0x3  }
0x190: {  	s2 =	simm.s32 $0x2800  }
0x191: {  	[tilespmem:s2], [sflag:$0x1] =	stream.indirect_vreg.gather [hbm4b:s0+s3], $0x80, v6, vm0, $0xb8;
	[tilespmem:$0x1BE00] =	vst v63  }
0x192: {  	s2 =	simm.s32 $0x3000  }
0x193: {  	[tilespmem:s2], [sflag:$0x1] =	stream.indirect_vreg.gather [hbm4b:s5+s3], $0x80, v6, vm0, $0xb8;
	[tilespmem:$0x1BE00] =	vst v63  }
0x194: {  	s2 =	simm.s32 $0x3800  }
0x195: {  	[tilespmem:s2], [sflag:$0x1] =	stream.indirect_vreg.gather [hbm4b:s6+s3], $0x80, v6, vm0, $0xb8;
	[tilespmem:$0x1BE00] =	vst v63  }
0x196: {  	s2 =	simm.s32 $0x4000  }
0x197: {  	[tilespmem:s2], [sflag:$0x1] =	stream.indirect_vreg.gather [hbm4b:s7+s3], $0x80, v6, vm0, $0xb8;
	[tilespmem:$0x1BE00] =	vst v63  }
0x198: {  	s2 =	simm.s32 $0x4800  }
0x199: {  	[tilespmem:s2], [sflag:$0x1] =	stream.indirect_vreg.gather [hbm4b:s8+s3], $0x80, v6, vm0, $0xb8;
	[tilespmem:$0x1BE00] =	vst v63  }
0x19a: {  	v6 =	vld.msk [tilespmem:$0x14120], $0xff;
	_ =	sdelay $0x4  }
0x19b: {  	v7 =	vshrl.u32 v6, $0x3  }
0x19c: {  	v7 =	vmul.u32 $0x50, v7  }
0x19d: {  	v6 =	vand.u32 $0x7, v6  }
0x19e: {  	v6 =	vor.u32 v6, v7  }
0x19f: {  	v6 =	vperm.xlane v6, v1;
	_ =	sdelay $0x1  }
0x1a0: {  	v6 =	vadd.s32 v2, v6;
	_ =	sdelay $0x3  }
0x1a1: {  	s2 =	simm.s32 $0x5000  }
0x1a2: {  	[tilespmem:s2], [sflag:$0x1] =	stream.indirect_vreg.gather [hbm4b:s0+s3], $0x80, v6, vm0, $0xb8;
	[tilespmem:$0x1BE00] =	vst v63  }
0x1a3: {  	s2 =	simm.s32 $0x5800  }
0x1a4: {  	[tilespmem:s2], [sflag:$0x1] =	stream.indirect_vreg.gather [hbm4b:s5+s3], $0x80, v6, vm0, $0xb8;
	[tilespmem:$0x1BE00] =	vst v63  }
0x1a5: {  	s2 =	simm.s32 $0x6000  }
0x1a6: {  	[tilespmem:s2], [sflag:$0x1] =	stream.indirect_vreg.gather [hbm4b:s6+s3], $0x80, v6, vm0, $0xb8;
	[tilespmem:$0x1BE00] =	vst v63  }
0x1a7: {  	s2 =	simm.s32 $0x6800  }
0x1a8: {  	[tilespmem:s2], [sflag:$0x1] =	stream.indirect_vreg.gather [hbm4b:s7+s3], $0x80, v6, vm0, $0xb8;
	[tilespmem:$0x1BE00] =	vst v63  }
0x1a9: {  	s2 =	simm.s32 $0x7000  }
0x1aa: {  	[tilespmem:s2], [sflag:$0x1] =	stream.indirect_vreg.gather [hbm4b:s8+s3], $0x80, v6, vm0, $0xb8;
	[tilespmem:$0x1BE00] =	vst v63  }
0x1ab: {  	v6 =	vld.msk [tilespmem:$0x141A0], $0xff;
	_ =	sdelay $0x4  }
0x1ac: {  	v7 =	vshrl.u32 v6, $0x3  }
0x1ad: {  	v7 =	vmul.u32 $0x50, v7  }
0x1ae: {  	v6 =	vand.u32 $0x7, v6  }
0x1af: {  	v6 =	vor.u32 v6, v7  }
0x1b0: {  	v6 =	vperm.xlane v6, v1;
	_ =	sdelay $0x1  }
0x1b1: {  	v6 =	vadd.s32 v2, v6;
	_ =	sdelay $0x3  }
0x1b2: {  	s2 =	simm.s32 $0x7800  }
0x1b3: {  	[tilespmem:s2], [sflag:$0x1] =	stream.indirect_vreg.gather [hbm4b:s0+s3], $0x80, v6, vm0, $0xb8;
	[tilespmem:$0x1BE00] =	vst v63  }
0x1b4: {  	s2 =	simm.s32 $0x8000  }
0x1b5: {  	[tilespmem:s2], [sflag:$0x1] =	stream.indirect_vreg.gather [hbm4b:s5+s3], $0x80, v6, vm0, $0xb8;
	[tilespmem:$0x1BE00] =	vst v63  }
0x1b6: {  	s2 =	simm.s32 $0x8800  }
0x1b7: {  	[tilespmem:s2], [sflag:$0x1] =	stream.indirect_vreg.gather [hbm4b:s6+s3], $0x80, v6, vm0, $0xb8;
	[tilespmem:$0x1BE00] =	vst v63  }
0x1b8: {  	s2 =	simm.s32 $0x9000  }
0x1b9: {  	[tilespmem:s2], [sflag:$0x1] =	stream.indirect_vreg.gather [hbm4b:s7+s3], $0x80, v6, vm0, $0xb8;
	[tilespmem:$0x1BE00] =	vst v63  }
0x1ba: {  	s2 =	simm.s32 $0x9800  }
0x1bb: {  	[tilespmem:s2], [sflag:$0x1] =	stream.indirect_vreg.gather [hbm4b:s8+s3], $0x80, v6, vm0, $0xb8;
	[tilespmem:$0x1BE00] =	vst v63  }
0x1bc: {  	_ =	swait.ge [sflag:s16], $0x2800  }
0x1bd: {  	[sflag:s16] =	ssyncset.done $0x0  }
0x1be: {  	[sflag:s16] =	ssyncadd.s32 $0xFFFFD800  }
0x1bf: {  	_ =	swait.ge [sflag:s16], $0x2800  }
0x1c0: {  	[sflag:s16] =	ssyncset.done $0x0  }
0x1c1: {  	[sflag:s16] =	ssyncadd.s32 $0xFFFFD800  }
0x1c2: {  	_ =	swait.ge [sflag:s16], $0x2800  }
0x1c3: {  	[sflag:s16] =	ssyncset.done $0x0  }
0x1c4: {  	[sflag:s16] =	ssyncadd.s32 $0xFFFFD800  }
0x1c5: {  	_ =	swait.ge [sflag:s16], $0x2800  }
0x1c6: {  	[sflag:s16] =	ssyncset.done $0x0  }
0x1c7: {  	s2 =	rddreg [dreg:$0xb];
	[sflag:s16] =	ssyncadd.s32 $0xFFFFD800  }
0x1c8: {  	[hbm4b:s2+s3] =	stream.linear.scatter [tilespmem:s22], [sflag:$0x4], $0xA000, $0x38;
	[tilespmem:$0x1BE00] =	vst v63  }
0x1c9: {  	_ =	swait.ge [sflag:s15], $0xA000  }
0x1ca: {  	[sflag:s15] =	ssyncset.done $0x0  }
0x1cb: {  	[sflag:s15] =	ssyncadd.s32 $0xFFFF6000  }
0x1cc: {  	v6 =	vld.msk [tilespmem:$0x14028], $0xff;
	_ =	sdelay $0x4  }
0x1cd: {  	v7 =	vshrl.u32 v6, $0x3  }
0x1ce: {  	v7 =	vmul.u32 $0x50, v7  }
0x1cf: {  	v6 =	vand.u32 $0x7, v6  }
0x1d0: {  	v6 =	vor.u32 v6, v7  }
0x1d1: {  	v6 =	vperm.xlane v6, v1;
	_ =	sdelay $0x1  }
0x1d2: {  	v6 =	vadd.s32 v2, v6;
	_ =	sdelay $0x4  }
0x1d3: {  	[tilespmem:s22], [sflag:$0x2] =	stream.indirect_vreg.gather [hbm4b:s0+s3], $0x80, v6, vm0, $0xb8;
	[tilespmem:$0x1BE00] =	vst v63  }
0x1d4: {  	s23 =	simm.s32 $0xA800  }
0x1d5: {  	[tilespmem:s23], [sflag:$0x2] =	stream.indirect_vreg.gather [hbm4b:s5+s3], $0x80, v6, vm0, $0xb8;
	[tilespmem:$0x1BE00] =	vst v63  }
0x1d6: {  	s1 =	simm.s32 $0xB000  }
0x1d7: {  	[tilespmem:s1], [sflag:$0x2] =	stream.indirect_vreg.gather [hbm4b:s6+s3], $0x80, v6, vm0, $0xb8;
	[tilespmem:$0x1BE00] =	vst v63  }
0x1d8: {  	s4 =	simm.s32 $0xB800  }
0x1d9: {  	[tilespmem:s4], [sflag:$0x2] =	stream.indirect_vreg.gather [hbm4b:s7+s3], $0x80, v6, vm0, $0xb8;
	[tilespmem:$0x1BE00] =	vst v63  }
0x1da: {  	s2 =	simm.s32 $0xC000  }
0x1db: {  	[tilespmem:s2], [sflag:$0x2] =	stream.indirect_vreg.gather [hbm4b:s8+s3], $0x80, v6, vm0, $0xb8;
	[tilespmem:$0x1BE00] =	vst v63  }
0x1dc: {  	v6 =	vld.msk [tilespmem:$0x140A8], $0xff;
	_ =	sdelay $0x4  }
0x1dd: {  	v7 =	vshrl.u32 v6, $0x3  }
0x1de: {  	v7 =	vmul.u32 $0x50, v7  }
0x1df: {  	v6 =	vand.u32 $0x7, v6  }
0x1e0: {  	v6 =	vor.u32 v6, v7  }
0x1e1: {  	v6 =	vperm.xlane v6, v1;
	_ =	sdelay $0x1  }
0x1e2: {  	v6 =	vadd.s32 v2, v6;
	_ =	sdelay $0x3  }
0x1e3: {  	s12 =	simm.s32 $0xC800  }
0x1e4: {  	[tilespmem:s12], [sflag:$0x2] =	stream.indirect_vreg.gather [hbm4b:s0+s3], $0x80, v6, vm0, $0xb8;
	[tilespmem:$0x1BE00] =	vst v63  }
0x1e5: {  	s13 =	simm.s32 $0xD000  }
0x1e6: {  	[tilespmem:s13], [sflag:$0x2] =	stream.indirect_vreg.gather [hbm4b:s5+s3], $0x80, v6, vm0, $0xb8;
	[tilespmem:$0x1BE00] =	vst v63  }
0x1e7: {  	s31 =	simm.s32 $0xD800  }
0x1e8: {  	[tilespmem:s31], [sflag:$0x2] =	stream.indirect_vreg.gather [hbm4b:s6+s3], $0x80, v6, vm0, $0xb8;
	[tilespmem:$0x1BE00] =	vst v63  }
0x1e9: {  	s10 =	simm.s32 $0xE000  }
0x1ea: {  	[tilespmem:s10], [sflag:$0x2] =	stream.indirect_vreg.gather [hbm4b:s7+s3], $0x80, v6, vm0, $0xb8;
	[tilespmem:$0x1BE00] =	vst v63  }
0x1eb: {  	s2 =	simm.s32 $0xE800  }
0x1ec: {  	[tilespmem:s2], [sflag:$0x2] =	stream.indirect_vreg.gather [hbm4b:s8+s3], $0x80, v6, vm0, $0xb8;
	[tilespmem:$0x1BE00] =	vst v63  }
0x1ed: {  	v6 =	vld.msk [tilespmem:$0x14128], $0xff;
	_ =	sdelay $0x4  }
0x1ee: {  	v7 =	vshrl.u32 v6, $0x3  }
0x1ef: {  	v7 =	vmul.u32 $0x50, v7  }
0x1f0: {  	v6 =	vand.u32 $0x7, v6  }
0x1f1: {  	v6 =	vor.u32 v6, v7  }
0x1f2: {  	v6 =	vperm.xlane v6, v1;
	_ =	sdelay $0x1  }
0x1f3: {  	v6 =	vadd.s32 v2, v6;
	_ =	sdelay $0x3  }
0x1f4: {  	s11 =	simm.s32 $0xF000  }
0x1f5: {  	[tilespmem:s11], [sflag:$0x2] =	stream.indirect_vreg.gather [hbm4b:s0+s3], $0x80, v6, vm0, $0xb8;
	[tilespmem:$0x1BE00] =	vst v63  }
0x1f6: {  	s30 =	simm.s32 $0xF800  }
0x1f7: {  	[tilespmem:s30], [sflag:$0x2] =	stream.indirect_vreg.gather [hbm4b:s5+s3], $0x80, v6, vm0, $0xb8;
	[tilespmem:$0x1BE00] =	vst v63  }
0x1f8: {  	s2 =	simm.s32 $0x10000  }
0x1f9: {  	[tilespmem:s2], [sflag:$0x2] =	stream.indirect_vreg.gather [hbm4b:s6+s3], $0x80, v6, vm0, $0xb8;
	[tilespmem:$0x1BE00] =	vst v63  }
0x1fa: {  	s2 =	simm.s32 $0x10800  }
0x1fb: {  	[tilespmem:s2], [sflag:$0x2] =	stream.indirect_vreg.gather [hbm4b:s7+s3], $0x80, v6, vm0, $0xb8;
	[tilespmem:$0x1BE00] =	vst v63  }
0x1fc: {  	s2 =	simm.s32 $0x11000  }
0x1fd: {  	[tilespmem:s2], [sflag:$0x2] =	stream.indirect_vreg.gather [hbm4b:s8+s3], $0x80, v6, vm0, $0xb8;
	[tilespmem:$0x1BE00] =	vst v63  }
0x1fe: {  	v6 =	vld.msk [tilespmem:$0x141A8], $0xff;
	_ =	sdelay $0x4  }
0x1ff: {  	v7 =	vshrl.u32 v6, $0x3  }
0x200: {  	v7 =	vmul.u32 $0x50, v7  }
0x201: {  	v6 =	vand.u32 $0x7, v6  }
0x202: {  	v6 =	vor.u32 v6, v7  }
0x203: {  	v6 =	vperm.xlane v6, v1;
	_ =	sdelay $0x1  }
0x204: {  	v6 =	vadd.s32 v2, v6;
	_ =	sdelay $0x3  }
0x205: {  	s2 =	simm.s32 $0x11800  }
0x206: {  	[tilespmem:s2], [sflag:$0x2] =	stream.indirect_vreg.gather [hbm4b:s0+s3], $0x80, v6, vm0, $0xb8;
	[tilespmem:$0x1BE00] =	vst v63  }
0x207: {  	s2 =	simm.s32 $0x12000  }
0x208: {  	[tilespmem:s2], [sflag:$0x2] =	stream.indirect_vreg.gather [hbm4b:s5+s3], $0x80, v6, vm0, $0xb8;
	[tilespmem:$0x1BE00] =	vst v63  }
0x209: {  	s2 =	simm.s32 $0x12800  }
0x20a: {  	[tilespmem:s2], [sflag:$0x2] =	stream.indirect_vreg.gather [hbm4b:s6+s3], $0x80, v6, vm0, $0xb8;
	[tilespmem:$0x1BE00] =	vst v63  }
0x20b: {  	s2 =	simm.s32 $0x13000  }
0x20c: {  	[tilespmem:s2], [sflag:$0x2] =	stream.indirect_vreg.gather [hbm4b:s7+s3], $0x80, v6, vm0, $0xb8;
	[tilespmem:$0x1BE00] =	vst v63  }
0x20d: {  	s2 =	simm.s32 $0x13800  }
0x20e: {  	[tilespmem:s2], [sflag:$0x2] =	stream.indirect_vreg.gather [hbm4b:s8+s3], $0x80, v6, vm0, $0xb8;
	[tilespmem:$0x1BE00] =	vst v63  }
0x20f: {  	_ =	swait.ge [sflag:s14], $0x2800  }
0x210: {  	[sflag:s14] =	ssyncset.done $0x0  }
0x211: {  	[sflag:s14] =	ssyncadd.s32 $0xFFFFD800  }
0x212: {  	_ =	swait.ge [sflag:s14], $0x2800  }
0x213: {  	[sflag:s14] =	ssyncset.done $0x0  }
0x214: {  	[sflag:s14] =	ssyncadd.s32 $0xFFFFD800  }
0x215: {  	_ =	swait.ge [sflag:s14], $0x2800  }
0x216: {  	[sflag:s14] =	ssyncset.done $0x0  }
0x217: {  	[sflag:s14] =	ssyncadd.s32 $0xFFFFD800  }
0x218: {  	_ =	swait.ge [sflag:s14], $0x2800  }
0x219: {  	[sflag:s14] =	ssyncset.done $0x0  }
0x21a: {  	s2 =	rddreg [dreg:$0xf];
	[sflag:s14] =	ssyncadd.s32 $0xFFFFD800  }
0x21b: {  	[hbm4b:s2+s3] =	stream.linear.scatter [tilespmem:s3], [sflag:$0x3], $0xA000, $0x38;
	[tilespmem:$0x1BE00] =	vst v63  }
0x21c: {  	_ =	swait.ge [sflag:s17], $0xA000  }
0x21d: {  	[sflag:s17] =	ssyncset.done $0x0  }
0x21e: {  	[sflag:s17] =	ssyncadd.s32 $0xFFFF6000  }
0x21f: {  	v6 =	vld.msk [tilespmem:$0x14030], $0xff;
	_ =	sdelay $0x4  }
0x220: {  	v7 =	vshrl.u32 v6, $0x3  }
0x221: {  	v7 =	vmul.u32 $0x50, v7  }
0x222: {  	v6 =	vand.u32 $0x7, v6  }
0x223: {  	v6 =	vor.u32 v6, v7  }
0x224: {  	v6 =	vperm.xlane v6, v1;
	_ =	sdelay $0x1  }
0x225: {  	v6 =	vadd.s32 v2, v6;
	_ =	sdelay $0x4  }
0x226: {  	[tilespmem:s3], [sflag:$0x1] =	stream.indirect_vreg.gather [hbm4b:s0+s3], $0x80, v6, vm0, $0xb8;
	[tilespmem:$0x1BE00] =	vst v63  }
0x227: {  	_ = 	snop  }
0x228: {  	[tilespmem:s20], [sflag:$0x1] =	stream.indirect_vreg.gather [hbm4b:s5+s3], $0x80, v6, vm0, $0xb8;
	[tilespmem:$0x1BE00] =	vst v63  }
0x229: {  	s2 =	simm.s32 $0x1000  }
0x22a: {  	[tilespmem:s2], [sflag:$0x1] =	stream.indirect_vreg.gather [hbm4b:s6+s3], $0x80, v6, vm0, $0xb8;
	[tilespmem:$0x1BE00] =	vst v63  }
0x22b: {  	s2 =	simm.s32 $0x1800  }
0x22c: {  	[tilespmem:s2], [sflag:$0x1] =	stream.indirect_vreg.gather [hbm4b:s7+s3], $0x80, v6, vm0, $0xb8;
	[tilespmem:$0x1BE00] =	vst v63  }
0x22d: {  	s2 =	simm.s32 $0x2000  }
0x22e: {  	[tilespmem:s2], [sflag:$0x1] =	stream.indirect_vreg.gather [hbm4b:s8+s3], $0x80, v6, vm0, $0xb8;
	[tilespmem:$0x1BE00] =	vst v63  }
0x22f: {  	v6 =	vld.msk [tilespmem:$0x140B0], $0xff;
	_ =	sdelay $0x4  }
0x230: {  	v7 =	vshrl.u32 v6, $0x3  }
0x231: {  	v7 =	vmul.u32 $0x50, v7  }
0x232: {  	v6 =	vand.u32 $0x7, v6  }
0x233: {  	v6 =	vor.u32 v6, v7  }
0x234: {  	v6 =	vperm.xlane v6, v1;
	_ =	sdelay $0x1  }
0x235: {  	v6 =	vadd.s32 v2, v6;
	_ =	sdelay $0x3  }
0x236: {  	s2 =	simm.s32 $0x2800  }
0x237: {  	[tilespmem:s2], [sflag:$0x1] =	stream.indirect_vreg.gather [hbm4b:s0+s3], $0x80, v6, vm0, $0xb8;
	[tilespmem:$0x1BE00] =	vst v63  }
0x238: {  	s2 =	simm.s32 $0x3000  }
0x239: {  	[tilespmem:s2], [sflag:$0x1] =	stream.indirect_vreg.gather [hbm4b:s5+s3], $0x80, v6, vm0, $0xb8;
	[tilespmem:$0x1BE00] =	vst v63  }
0x23a: {  	s2 =	simm.s32 $0x3800  }
0x23b: {  	[tilespmem:s2], [sflag:$0x1] =	stream.indirect_vreg.gather [hbm4b:s6+s3], $0x80, v6, vm0, $0xb8;
	[tilespmem:$0x1BE00] =	vst v63  }
0x23c: {  	s2 =	simm.s32 $0x4000  }
0x23d: {  	[tilespmem:s2], [sflag:$0x1] =	stream.indirect_vreg.gather [hbm4b:s7+s3], $0x80, v6, vm0, $0xb8;
	[tilespmem:$0x1BE00] =	vst v63  }
0x23e: {  	s2 =	simm.s32 $0x4800  }
0x23f: {  	[tilespmem:s2], [sflag:$0x1] =	stream.indirect_vreg.gather [hbm4b:s8+s3], $0x80, v6, vm0, $0xb8;
	[tilespmem:$0x1BE00] =	vst v63  }
0x240: {  	v6 =	vld.msk [tilespmem:$0x14130], $0xff;
	_ =	sdelay $0x4  }
0x241: {  	v7 =	vshrl.u32 v6, $0x3  }
0x242: {  	v7 =	vmul.u32 $0x50, v7  }
0x243: {  	v6 =	vand.u32 $0x7, v6  }
0x244: {  	v6 =	vor.u32 v6, v7  }
0x245: {  	v6 =	vperm.xlane v6, v1;
	_ =	sdelay $0x1  }
0x246: {  	v6 =	vadd.s32 v2, v6;
	_ =	sdelay $0x3  }
0x247: {  	s2 =	simm.s32 $0x5000  }
0x248: {  	[tilespmem:s2], [sflag:$0x1] =	stream.indirect_vreg.gather [hbm4b:s0+s3], $0x80, v6, vm0, $0xb8;
	[tilespmem:$0x1BE00] =	vst v63  }
0x249: {  	s2 =	simm.s32 $0x5800  }
0x24a: {  	[tilespmem:s2], [sflag:$0x1] =	stream.indirect_vreg.gather [hbm4b:s5+s3], $0x80, v6, vm0, $0xb8;
	[tilespmem:$0x1BE00] =	vst v63  }
0x24b: {  	s2 =	simm.s32 $0x6000  }
0x24c: {  	[tilespmem:s2], [sflag:$0x1] =	stream.indirect_vreg.gather [hbm4b:s6+s3], $0x80, v6, vm0, $0xb8;
	[tilespmem:$0x1BE00] =	vst v63  }
0x24d: {  	s2 =	simm.s32 $0x6800  }
0x24e: {  	[tilespmem:s2], [sflag:$0x1] =	stream.indirect_vreg.gather [hbm4b:s7+s3], $0x80, v6, vm0, $0xb8;
	[tilespmem:$0x1BE00] =	vst v63  }
0x24f: {  	s2 =	simm.s32 $0x7000  }
0x250: {  	[tilespmem:s2], [sflag:$0x1] =	stream.indirect_vreg.gather [hbm4b:s8+s3], $0x80, v6, vm0, $0xb8;
	[tilespmem:$0x1BE00] =	vst v63  }
0x251: {  	v6 =	vld.msk [tilespmem:$0x141B0], $0xff;
	_ =	sdelay $0x4  }
0x252: {  	v7 =	vshrl.u32 v6, $0x3  }
0x253: {  	v7 =	vmul.u32 $0x50, v7  }
0x254: {  	v6 =	vand.u32 $0x7, v6  }
0x255: {  	v6 =	vor.u32 v6, v7  }
0x256: {  	v6 =	vperm.xlane v6, v1;
	_ =	sdelay $0x1  }
0x257: {  	v6 =	vadd.s32 v2, v6;
	_ =	sdelay $0x3  }
0x258: {  	s2 =	simm.s32 $0x7800  }
0x259: {  	[tilespmem:s2], [sflag:$0x1] =	stream.indirect_vreg.gather [hbm4b:s0+s3], $0x80, v6, vm0, $0xb8;
	[tilespmem:$0x1BE00] =	vst v63  }
0x25a: {  	s2 =	simm.s32 $0x8000  }
0x25b: {  	[tilespmem:s2], [sflag:$0x1] =	stream.indirect_vreg.gather [hbm4b:s5+s3], $0x80, v6, vm0, $0xb8;
	[tilespmem:$0x1BE00] =	vst v63  }
0x25c: {  	s2 =	simm.s32 $0x8800  }
0x25d: {  	[tilespmem:s2], [sflag:$0x1] =	stream.indirect_vreg.gather [hbm4b:s6+s3], $0x80, v6, vm0, $0xb8;
	[tilespmem:$0x1BE00] =	vst v63  }
0x25e: {  	s2 =	simm.s32 $0x9000  }
0x25f: {  	[tilespmem:s2], [sflag:$0x1] =	stream.indirect_vreg.gather [hbm4b:s7+s3], $0x80, v6, vm0, $0xb8;
	[tilespmem:$0x1BE00] =	vst v63  }
0x260: {  	s2 =	simm.s32 $0x9800  }
0x261: {  	[tilespmem:s2], [sflag:$0x1] =	stream.indirect_vreg.gather [hbm4b:s8+s3], $0x80, v6, vm0, $0xb8;
	[tilespmem:$0x1BE00] =	vst v63  }
0x262: {  	_ =	swait.ge [sflag:s16], $0x2800  }
0x263: {  	[sflag:s16] =	ssyncset.done $0x0  }
0x264: {  	[sflag:s16] =	ssyncadd.s32 $0xFFFFD800  }
0x265: {  	_ =	swait.ge [sflag:s16], $0x2800  }
0x266: {  	[sflag:s16] =	ssyncset.done $0x0  }
0x267: {  	[sflag:s16] =	ssyncadd.s32 $0xFFFFD800  }
0x268: {  	_ =	swait.ge [sflag:s16], $0x2800  }
0x269: {  	[sflag:s16] =	ssyncset.done $0x0  }
0x26a: {  	[sflag:s16] =	ssyncadd.s32 $0xFFFFD800  }
0x26b: {  	_ =	swait.ge [sflag:s16], $0x2800  }
0x26c: {  	[sflag:s16] =	ssyncset.done $0x0  }
0x26d: {  	s2 =	rddreg [dreg:$0xc];
	[sflag:s16] =	ssyncadd.s32 $0xFFFFD800  }
0x26e: {  	[hbm4b:s2+s3] =	stream.linear.scatter [tilespmem:s22], [sflag:$0x4], $0xA000, $0x38;
	[tilespmem:$0x1BE00] =	vst v63  }
0x26f: {  	_ =	swait.ge [sflag:s15], $0xA000  }
0x270: {  	[sflag:s15] =	ssyncset.done $0x0  }
0x271: {  	[sflag:s15] =	ssyncadd.s32 $0xFFFF6000  }
0x272: {  	v6 =	vld.msk [tilespmem:$0x14038], $0xff;
	_ =	sdelay $0x4  }
0x273: {  	v7 =	vshrl.u32 v6, $0x3  }
0x274: {  	v7 =	vmul.u32 $0x50, v7  }
0x275: {  	v6 =	vand.u32 $0x7, v6  }
0x276: {  	v6 =	vor.u32 v6, v7  }
0x277: {  	v6 =	vperm.xlane v6, v1;
	_ =	sdelay $0x1  }
0x278: {  	v6 =	vadd.s32 v2, v6;
	_ =	sdelay $0x4  }
0x279: {  	[tilespmem:s22], [sflag:$0x2] =	stream.indirect_vreg.gather [hbm4b:s0+s3], $0x80, v6, vm0, $0xb8;
	[tilespmem:$0x1BE00] =	vst v63  }
0x27a: {  	s2 =	simm.s32 $0xA800  }
0x27b: {  	[tilespmem:s2], [sflag:$0x2] =	stream.indirect_vreg.gather [hbm4b:s5+s3], $0x80, v6, vm0, $0xb8;
	[tilespmem:$0x1BE00] =	vst v63  }
0x27c: {  	s23 =	simm.s32 $0xB000  }
0x27d: {  	[tilespmem:s23], [sflag:$0x2] =	stream.indirect_vreg.gather [hbm4b:s6+s3], $0x80, v6, vm0, $0xb8;
	[tilespmem:$0x1BE00] =	vst v63  }
0x27e: {  	s4 =	simm.s32 $0xB800  }
0x27f: {  	[tilespmem:s4], [sflag:$0x2] =	stream.indirect_vreg.gather [hbm4b:s7+s3], $0x80, v6, vm0, $0xb8;
	[tilespmem:$0x1BE00] =	vst v63  }
0x280: {  	s2 =	simm.s32 $0xC000  }
0x281: {  	[tilespmem:s2], [sflag:$0x2] =	stream.indirect_vreg.gather [hbm4b:s8+s3], $0x80, v6, vm0, $0xb8;
	[tilespmem:$0x1BE00] =	vst v63  }
0x282: {  	v6 =	vld.msk [tilespmem:$0x140B8], $0xff;
	_ =	sdelay $0x4  }
0x283: {  	v7 =	vshrl.u32 v6, $0x3  }
0x284: {  	v7 =	vmul.u32 $0x50, v7  }
0x285: {  	v6 =	vand.u32 $0x7, v6  }
0x286: {  	v6 =	vor.u32 v6, v7  }
0x287: {  	v6 =	vperm.xlane v6, v1;
	_ =	sdelay $0x1  }
0x288: {  	v6 =	vadd.s32 v2, v6;
	_ =	sdelay $0x3  }
0x289: {  	s12 =	simm.s32 $0xC800  }
0x28a: {  	[tilespmem:s12], [sflag:$0x2] =	stream.indirect_vreg.gather [hbm4b:s0+s3], $0x80, v6, vm0, $0xb8;
	[tilespmem:$0x1BE00] =	vst v63  }
0x28b: {  	s1 =	simm.s32 $0xD000  }
0x28c: {  	[tilespmem:s1], [sflag:$0x2] =	stream.indirect_vreg.gather [hbm4b:s5+s3], $0x80, v6, vm0, $0xb8;
	[tilespmem:$0x1BE00] =	vst v63  }
0x28d: {  	s13 =	simm.s32 $0xD800  }
0x28e: {  	[tilespmem:s13], [sflag:$0x2] =	stream.indirect_vreg.gather [hbm4b:s6+s3], $0x80, v6, vm0, $0xb8;
	[tilespmem:$0x1BE00] =	vst v63  }
0x28f: {  	s10 =	simm.s32 $0xE000  }
0x290: {  	[tilespmem:s10], [sflag:$0x2] =	stream.indirect_vreg.gather [hbm4b:s7+s3], $0x80, v6, vm0, $0xb8;
	[tilespmem:$0x1BE00] =	vst v63  }
0x291: {  	s2 =	simm.s32 $0xE800  }
0x292: {  	[tilespmem:s2], [sflag:$0x2] =	stream.indirect_vreg.gather [hbm4b:s8+s3], $0x80, v6, vm0, $0xb8;
	[tilespmem:$0x1BE00] =	vst v63  }
0x293: {  	v6 =	vld.msk [tilespmem:$0x14138], $0xff;
	_ =	sdelay $0x4  }
0x294: {  	v7 =	vshrl.u32 v6, $0x3  }
0x295: {  	v7 =	vmul.u32 $0x50, v7  }
0x296: {  	v6 =	vand.u32 $0x7, v6  }
0x297: {  	v6 =	vor.u32 v6, v7  }
0x298: {  	v6 =	vperm.xlane v6, v1;
	_ =	sdelay $0x1  }
0x299: {  	v6 =	vadd.s32 v2, v6;
	_ =	sdelay $0x3  }
0x29a: {  	s11 =	simm.s32 $0xF000  }
0x29b: {  	[tilespmem:s11], [sflag:$0x2] =	stream.indirect_vreg.gather [hbm4b:s0+s3], $0x80, v6, vm0, $0xb8;
	[tilespmem:$0x1BE00] =	vst v63  }
0x29c: {  	s31 =	simm.s32 $0xF800  }
0x29d: {  	[tilespmem:s31], [sflag:$0x2] =	stream.indirect_vreg.gather [hbm4b:s5+s3], $0x80, v6, vm0, $0xb8;
	[tilespmem:$0x1BE00] =	vst v63  }
0x29e: {  	s30 =	simm.s32 $0x10000  }
0x29f: {  	[tilespmem:s30], [sflag:$0x2] =	stream.indirect_vreg.gather [hbm4b:s6+s3], $0x80, v6, vm0, $0xb8;
	[tilespmem:$0x1BE00] =	vst v63  }
0x2a0: {  	s10 =	simm.s32 $0x10800  }
0x2a1: {  	[tilespmem:s10], [sflag:$0x2] =	stream.indirect_vreg.gather [hbm4b:s7+s3], $0x80, v6, vm0, $0xb8;
	[tilespmem:$0x1BE00] =	vst v63  }
0x2a2: {  	s2 =	simm.s32 $0x11000  }
0x2a3: {  	[tilespmem:s2], [sflag:$0x2] =	stream.indirect_vreg.gather [hbm4b:s8+s3], $0x80, v6, vm0, $0xb8;
	[tilespmem:$0x1BE00] =	vst v63  }
0x2a4: {  	v6 =	vld.msk [tilespmem:$0x141B8], $0xff;
	_ =	sdelay $0x4  }
0x2a5: {  	v7 =	vshrl.u32 v6, $0x3  }
0x2a6: {  	v7 =	vmul.u32 $0x50, v7  }
0x2a7: {  	v6 =	vand.u32 $0x7, v6  }
0x2a8: {  	v6 =	vor.u32 v6, v7  }
0x2a9: {  	v6 =	vperm.xlane v6, v1;
	_ =	sdelay $0x1  }
0x2aa: {  	v6 =	vadd.s32 v2, v6;
	_ =	sdelay $0x3  }
0x2ab: {  	s10 =	simm.s32 $0x11800  }
0x2ac: {  	[tilespmem:s10], [sflag:$0x2] =	stream.indirect_vreg.gather [hbm4b:s0+s3], $0x80, v6, vm0, $0xb8;
	[tilespmem:$0x1BE00] =	vst v63  }
0x2ad: {  	s2 =	simm.s32 $0x12000  }
0x2ae: {  	[tilespmem:s2], [sflag:$0x2] =	stream.indirect_vreg.gather [hbm4b:s5+s3], $0x80, v6, vm0, $0xb8;
	[tilespmem:$0x1BE00] =	vst v63  }
0x2af: {  	s10 =	simm.s32 $0x12800  }
0x2b0: {  	[tilespmem:s10], [sflag:$0x2] =	stream.indirect_vreg.gather [hbm4b:s6+s3], $0x80, v6, vm0, $0xb8;
	[tilespmem:$0x1BE00] =	vst v63  }
0x2b1: {  	s2 =	simm.s32 $0x13000  }
0x2b2: {  	[tilespmem:s2], [sflag:$0x2] =	stream.indirect_vreg.gather [hbm4b:s7+s3], $0x80, v6, vm0, $0xb8;
	[tilespmem:$0x1BE00] =	vst v63  }
0x2b3: {  	s10 =	simm.s32 $0x13800  }
0x2b4: {  	[tilespmem:s10], [sflag:$0x2] =	stream.indirect_vreg.gather [hbm4b:s8+s3], $0x80, v6, vm0, $0xb8;
	[tilespmem:$0x1BE00] =	vst v63  }
0x2b5: {  	_ =	swait.ge [sflag:s14], $0x2800  }
0x2b6: {  	[sflag:s14] =	ssyncset.done $0x0  }
0x2b7: {  	[sflag:s14] =	ssyncadd.s32 $0xFFFFD800  }
0x2b8: {  	_ =	swait.ge [sflag:s14], $0x2800  }
0x2b9: {  	[sflag:s14] =	ssyncset.done $0x0  }
0x2ba: {  	[sflag:s14] =	ssyncadd.s32 $0xFFFFD800  }
0x2bb: {  	_ =	swait.ge [sflag:s14], $0x2800  }
0x2bc: {  	[sflag:s14] =	ssyncset.done $0x0  }
0x2bd: {  	[sflag:s14] =	ssyncadd.s32 $0xFFFFD800  }
0x2be: {  	_ =	swait.ge [sflag:s14], $0x2800  }
0x2bf: {  	[sflag:s14] =	ssyncset.done $0x0  }
0x2c0: {  	s1 =	rddreg [dreg:$0x16];
	[sflag:s14] =	ssyncadd.s32 $0xFFFFD800  }
0x2c1: {  	[hbm4b:s1+s3] =	stream.linear.scatter [tilespmem:s3], [sflag:$0x3], $0xA000, $0x38;
	[tilespmem:$0x1BE00] =	vst v63  }
0x2c2: {  	_ =	swait.ge [sflag:s17], $0xA000  }
0x2c3: {  	[sflag:s17] =	ssyncset.done $0x0  }
0x2c4: {  	[sflag:s17] =	ssyncadd.s32 $0xFFFF6000  }
0x2c5: {  	v6 =	vld.msk [tilespmem:$0x14040], $0xff;
	_ =	sdelay $0x4  }
0x2c6: {  	v7 =	vshrl.u32 v6, $0x3  }
0x2c7: {  	v7 =	vmul.u32 $0x50, v7  }
0x2c8: {  	v6 =	vand.u32 $0x7, v6  }
0x2c9: {  	v6 =	vor.u32 v6, v7  }
0x2ca: {  	v6 =	vperm.xlane v6, v1;
	_ =	sdelay $0x1  }
0x2cb: {  	v6 =	vadd.s32 v2, v6;
	_ =	sdelay $0x4  }
0x2cc: {  	[tilespmem:s3], [sflag:$0x1] =	stream.indirect_vreg.gather [hbm4b:s0+s3], $0x80, v6, vm0, $0xb8;
	[tilespmem:$0x1BE00] =	vst v63  }
0x2cd: {  	_ = 	snop  }
0x2ce: {  	[tilespmem:s20], [sflag:$0x1] =	stream.indirect_vreg.gather [hbm4b:s5+s3], $0x80, v6, vm0, $0xb8;
	[tilespmem:$0x1BE00] =	vst v63  }
0x2cf: {  	s2 =	simm.s32 $0x1000  }
0x2d0: {  	[tilespmem:s2], [sflag:$0x1] =	stream.indirect_vreg.gather [hbm4b:s6+s3], $0x80, v6, vm0, $0xb8;
	[tilespmem:$0x1BE00] =	vst v63  }
0x2d1: {  	s10 =	simm.s32 $0x1800  }
0x2d2: {  	[tilespmem:s10], [sflag:$0x1] =	stream.indirect_vreg.gather [hbm4b:s7+s3], $0x80, v6, vm0, $0xb8;
	[tilespmem:$0x1BE00] =	vst v63  }
0x2d3: {  	s2 =	simm.s32 $0x2000  }
0x2d4: {  	[tilespmem:s2], [sflag:$0x1] =	stream.indirect_vreg.gather [hbm4b:s8+s3], $0x80, v6, vm0, $0xb8;
	[tilespmem:$0x1BE00] =	vst v63  }
0x2d5: {  	v6 =	vld.msk [tilespmem:$0x140C0], $0xff;
	_ =	sdelay $0x4  }
0x2d6: {  	v7 =	vshrl.u32 v6, $0x3  }
0x2d7: {  	v7 =	vmul.u32 $0x50, v7  }
0x2d8: {  	v6 =	vand.u32 $0x7, v6  }
0x2d9: {  	v6 =	vor.u32 v6, v7  }
0x2da: {  	v6 =	vperm.xlane v6, v1;
	_ =	sdelay $0x1  }
0x2db: {  	v6 =	vadd.s32 v2, v6;
	_ =	sdelay $0x3  }
0x2dc: {  	s10 =	simm.s32 $0x2800  }
0x2dd: {  	[tilespmem:s10], [sflag:$0x1] =	stream.indirect_vreg.gather [hbm4b:s0+s3], $0x80, v6, vm0, $0xb8;
	[tilespmem:$0x1BE00] =	vst v63  }
0x2de: {  	s2 =	simm.s32 $0x3000  }
0x2df: {  	[tilespmem:s2], [sflag:$0x1] =	stream.indirect_vreg.gather [hbm4b:s5+s3], $0x80, v6, vm0, $0xb8;
	[tilespmem:$0x1BE00] =	vst v63  }
0x2e0: {  	s10 =	simm.s32 $0x3800  }
0x2e1: {  	[tilespmem:s10], [sflag:$0x1] =	stream.indirect_vreg.gather [hbm4b:s6+s3], $0x80, v6, vm0, $0xb8;
	[tilespmem:$0x1BE00] =	vst v63  }
0x2e2: {  	s2 =	simm.s32 $0x4000  }
0x2e3: {  	[tilespmem:s2], [sflag:$0x1] =	stream.indirect_vreg.gather [hbm4b:s7+s3], $0x80, v6, vm0, $0xb8;
	[tilespmem:$0x1BE00] =	vst v63  }
0x2e4: {  	s10 =	simm.s32 $0x4800  }
0x2e5: {  	[tilespmem:s10], [sflag:$0x1] =	stream.indirect_vreg.gather [hbm4b:s8+s3], $0x80, v6, vm0, $0xb8;
	[tilespmem:$0x1BE00] =	vst v63  }
0x2e6: {  	v6 =	vld.msk [tilespmem:$0x14140], $0xff;
	_ =	sdelay $0x4  }
0x2e7: {  	v7 =	vshrl.u32 v6, $0x3  }
0x2e8: {  	v7 =	vmul.u32 $0x50, v7  }
0x2e9: {  	v6 =	vand.u32 $0x7, v6  }
0x2ea: {  	v6 =	vor.u32 v6, v7  }
0x2eb: {  	v6 =	vperm.xlane v6, v1;
	_ =	sdelay $0x1  }
0x2ec: {  	v6 =	vadd.s32 v2, v6;
	_ =	sdelay $0x3  }
0x2ed: {  	s2 =	simm.s32 $0x5000  }
0x2ee: {  	[tilespmem:s2], [sflag:$0x1] =	stream.indirect_vreg.gather [hbm4b:s0+s3], $0x80, v6, vm0, $0xb8;
	[tilespmem:$0x1BE00] =	vst v63  }
0x2ef: {  	s10 =	simm.s32 $0x5800  }
0x2f0: {  	[tilespmem:s10], [sflag:$0x1] =	stream.indirect_vreg.gather [hbm4b:s5+s3], $0x80, v6, vm0, $0xb8;
	[tilespmem:$0x1BE00] =	vst v63  }
0x2f1: {  	s2 =	simm.s32 $0x6000  }
0x2f2: {  	[tilespmem:s2], [sflag:$0x1] =	stream.indirect_vreg.gather [hbm4b:s6+s3], $0x80, v6, vm0, $0xb8;
	[tilespmem:$0x1BE00] =	vst v63  }
0x2f3: {  	s10 =	simm.s32 $0x6800  }
0x2f4: {  	[tilespmem:s10], [sflag:$0x1] =	stream.indirect_vreg.gather [hbm4b:s7+s3], $0x80, v6, vm0, $0xb8;
	[tilespmem:$0x1BE00] =	vst v63  }
0x2f5: {  	s2 =	simm.s32 $0x7000  }
0x2f6: {  	[tilespmem:s2], [sflag:$0x1] =	stream.indirect_vreg.gather [hbm4b:s8+s3], $0x80, v6, vm0, $0xb8;
	[tilespmem:$0x1BE00] =	vst v63  }
0x2f7: {  	v6 =	vld.msk [tilespmem:$0x141C0], $0xff;
	_ =	sdelay $0x4  }
0x2f8: {  	v7 =	vshrl.u32 v6, $0x3  }
0x2f9: {  	v7 =	vmul.u32 $0x50, v7  }
0x2fa: {  	v6 =	vand.u32 $0x7, v6  }
0x2fb: {  	v6 =	vor.u32 v6, v7  }
0x2fc: {  	v6 =	vperm.xlane v6, v1;
	_ =	sdelay $0x1  }
0x2fd: {  	v6 =	vadd.s32 v2, v6;
	_ =	sdelay $0x3  }
0x2fe: {  	s10 =	simm.s32 $0x7800  }
0x2ff: {  	[tilespmem:s10], [sflag:$0x1] =	stream.indirect_vreg.gather [hbm4b:s0+s3], $0x80, v6, vm0, $0xb8;
	[tilespmem:$0x1BE00] =	vst v63  }
0x300: {  	s2 =	simm.s32 $0x8000  }
0x301: {  	[tilespmem:s2], [sflag:$0x1] =	stream.indirect_vreg.gather [hbm4b:s5+s3], $0x80, v6, vm0, $0xb8;
	[tilespmem:$0x1BE00] =	vst v63  }
0x302: {  	s10 =	simm.s32 $0x8800  }
0x303: {  	[tilespmem:s10], [sflag:$0x1] =	stream.indirect_vreg.gather [hbm4b:s6+s3], $0x80, v6, vm0, $0xb8;
	[tilespmem:$0x1BE00] =	vst v63  }
0x304: {  	s2 =	simm.s32 $0x9000  }
0x305: {  	[tilespmem:s2], [sflag:$0x1] =	stream.indirect_vreg.gather [hbm4b:s7+s3], $0x80, v6, vm0, $0xb8;
	[tilespmem:$0x1BE00] =	vst v63  }
0x306: {  	s10 =	simm.s32 $0x9800  }
0x307: {  	[tilespmem:s10], [sflag:$0x1] =	stream.indirect_vreg.gather [hbm4b:s8+s3], $0x80, v6, vm0, $0xb8;
	[tilespmem:$0x1BE00] =	vst v63  }
0x308: {  	_ =	swait.ge [sflag:s16], $0x2800  }
0x309: {  	[sflag:s16] =	ssyncset.done $0x0  }
0x30a: {  	[sflag:s16] =	ssyncadd.s32 $0xFFFFD800  }
0x30b: {  	_ =	swait.ge [sflag:s16], $0x2800  }
0x30c: {  	[sflag:s16] =	ssyncset.done $0x0  }
0x30d: {  	[sflag:s16] =	ssyncadd.s32 $0xFFFFD800  }
0x30e: {  	_ =	swait.ge [sflag:s16], $0x2800  }
0x30f: {  	[sflag:s16] =	ssyncset.done $0x0  }
0x310: {  	[sflag:s16] =	ssyncadd.s32 $0xFFFFD800  }
0x311: {  	_ =	swait.ge [sflag:s16], $0x2800  }
0x312: {  	[sflag:s16] =	ssyncset.done $0x0  }
0x313: {  	s1 =	rddreg [dreg:$0xd];
	[sflag:s16] =	ssyncadd.s32 $0xFFFFD800  }
0x314: {  	[hbm4b:s1+s3] =	stream.linear.scatter [tilespmem:s22], [sflag:$0x4], $0xA000, $0x38;
	[tilespmem:$0x1BE00] =	vst v63  }
0x315: {  	_ =	swait.ge [sflag:s15], $0xA000  }
0x316: {  	[sflag:s15] =	ssyncset.done $0x0  }
0x317: {  	[sflag:s15] =	ssyncadd.s32 $0xFFFF6000  }
0x318: {  	v6 =	vld.msk [tilespmem:$0x14048], $0xff;
	_ =	sdelay $0x4  }
0x319: {  	v7 =	vshrl.u32 v6, $0x3  }
0x31a: {  	v7 =	vmul.u32 $0x50, v7  }
0x31b: {  	v6 =	vand.u32 $0x7, v6  }
0x31c: {  	v6 =	vor.u32 v6, v7  }
0x31d: {  	v6 =	vperm.xlane v6, v1;
	_ =	sdelay $0x1  }
0x31e: {  	v6 =	vadd.s32 v2, v6;
	_ =	sdelay $0x4  }
0x31f: {  	[tilespmem:s22], [sflag:$0x2] =	stream.indirect_vreg.gather [hbm4b:s0+s3], $0x80, v6, vm0, $0xb8;
	[tilespmem:$0x1BE00] =	vst v63  }
0x320: {  	s10 =	simm.s32 $0xA800  }
0x321: {  	[tilespmem:s10], [sflag:$0x2] =	stream.indirect_vreg.gather [hbm4b:s5+s3], $0x80, v6, vm0, $0xb8;
	[tilespmem:$0x1BE00] =	vst v63  }
0x322: {  	s23 =	simm.s32 $0xB000  }
0x323: {  	[tilespmem:s23], [sflag:$0x2] =	stream.indirect_vreg.gather [hbm4b:s6+s3], $0x80, v6, vm0, $0xb8;
	[tilespmem:$0x1BE00] =	vst v63  }
0x324: {  	s4 =	simm.s32 $0xB800  }
0x325: {  	[tilespmem:s4], [sflag:$0x2] =	stream.indirect_vreg.gather [hbm4b:s7+s3], $0x80, v6, vm0, $0xb8;
	[tilespmem:$0x1BE00] =	vst v63  }
0x326: {  	s23 =	simm.s32 $0xC000  }
0x327: {  	[tilespmem:s23], [sflag:$0x2] =	stream.indirect_vreg.gather [hbm4b:s8+s3], $0x80, v6, vm0, $0xb8;
	[tilespmem:$0x1BE00] =	vst v63  }
0x328: {  	v6 =	vld.msk [tilespmem:$0x140C8], $0xff;
	_ =	sdelay $0x4  }
0x329: {  	v7 =	vshrl.u32 v6, $0x3  }
0x32a: {  	v7 =	vmul.u32 $0x50, v7  }
0x32b: {  	v6 =	vand.u32 $0x7, v6  }
0x32c: {  	v6 =	vor.u32 v6, v7  }
0x32d: {  	v6 =	vperm.xlane v6, v1;
	_ =	sdelay $0x1  }
0x32e: {  	v6 =	vadd.s32 v2, v6;
	_ =	sdelay $0x3  }
0x32f: {  	s10 =	simm.s32 $0xC800  }
0x330: {  	[tilespmem:s10], [sflag:$0x2] =	stream.indirect_vreg.gather [hbm4b:s0+s3], $0x80, v6, vm0, $0xb8;
	[tilespmem:$0x1BE00] =	vst v63  }
0x331: {  	s12 =	simm.s32 $0xD000  }
0x332: {  	[tilespmem:s12], [sflag:$0x2] =	stream.indirect_vreg.gather [hbm4b:s5+s3], $0x80, v6, vm0, $0xb8;
	[tilespmem:$0x1BE00] =	vst v63  }
0x333: {  	s13 =	simm.s32 $0xD800  }
0x334: {  	[tilespmem:s13], [sflag:$0x2] =	stream.indirect_vreg.gather [hbm4b:s6+s3], $0x80, v6, vm0, $0xb8;
	[tilespmem:$0x1BE00] =	vst v63  }
0x335: {  	s12 =	simm.s32 $0xE000  }
0x336: {  	[tilespmem:s12], [sflag:$0x2] =	stream.indirect_vreg.gather [hbm4b:s7+s3], $0x80, v6, vm0, $0xb8;
	[tilespmem:$0x1BE00] =	vst v63  }
0x337: {  	s13 =	simm.s32 $0xE800  }
0x338: {  	[tilespmem:s13], [sflag:$0x2] =	stream.indirect_vreg.gather [hbm4b:s8+s3], $0x80, v6, vm0, $0xb8;
	[tilespmem:$0x1BE00] =	vst v63  }
0x339: {  	v6 =	vld.msk [tilespmem:$0x14148], $0xff;
	_ =	sdelay $0x4  }
0x33a: {  	v7 =	vshrl.u32 v6, $0x3  }
0x33b: {  	v7 =	vmul.u32 $0x50, v7  }
0x33c: {  	v6 =	vand.u32 $0x7, v6  }
0x33d: {  	v6 =	vor.u32 v6, v7  }
0x33e: {  	v6 =	vperm.xlane v6, v1;
	_ =	sdelay $0x1  }
0x33f: {  	v6 =	vadd.s32 v2, v6;
	_ =	sdelay $0x3  }
0x340: {  	s11 =	simm.s32 $0xF000  }
0x341: {  	[tilespmem:s11], [sflag:$0x2] =	stream.indirect_vreg.gather [hbm4b:s0+s3], $0x80, v6, vm0, $0xb8;
	[tilespmem:$0x1BE00] =	vst v63  }
0x342: {  	s31 =	simm.s32 $0xF800  }
0x343: {  	[tilespmem:s31], [sflag:$0x2] =	stream.indirect_vreg.gather [hbm4b:s5+s3], $0x80, v6, vm0, $0xb8;
	[tilespmem:$0x1BE00] =	vst v63  }
0x344: {  	s30 =	simm.s32 $0x10000  }
0x345: {  	[tilespmem:s30], [sflag:$0x2] =	stream.indirect_vreg.gather [hbm4b:s6+s3], $0x80, v6, vm0, $0xb8;
	[tilespmem:$0x1BE00] =	vst v63  }
0x346: {  	s11 =	simm.s32 $0x10800  }
0x347: {  	[tilespmem:s11], [sflag:$0x2] =	stream.indirect_vreg.gather [hbm4b:s7+s3], $0x80, v6, vm0, $0xb8;
	[tilespmem:$0x1BE00] =	vst v63  }
0x348: {  	s12 =	simm.s32 $0x11000  }
0x349: {  	[tilespmem:s12], [sflag:$0x2] =	stream.indirect_vreg.gather [hbm4b:s8+s3], $0x80, v6, vm0, $0xb8;
	[tilespmem:$0x1BE00] =	vst v63  }
0x34a: {  	v6 =	vld.msk [tilespmem:$0x141C8], $0xff;
	_ =	sdelay $0x4  }
0x34b: {  	v7 =	vshrl.u32 v6, $0x3  }
0x34c: {  	v7 =	vmul.u32 $0x50, v7  }
0x34d: {  	v6 =	vand.u32 $0x7, v6  }
0x34e: {  	v6 =	vor.u32 v6, v7  }
0x34f: {  	v6 =	vperm.xlane v6, v1;
	_ =	sdelay $0x1  }
0x350: {  	v6 =	vadd.s32 v2, v6;
	_ =	sdelay $0x3  }
0x351: {  	s13 =	simm.s32 $0x11800  }
0x352: {  	[tilespmem:s13], [sflag:$0x2] =	stream.indirect_vreg.gather [hbm4b:s0+s3], $0x80, v6, vm0, $0xb8;
	[tilespmem:$0x1BE00] =	vst v63  }
0x353: {  	s11 =	simm.s32 $0x12000  }
0x354: {  	[tilespmem:s11], [sflag:$0x2] =	stream.indirect_vreg.gather [hbm4b:s5+s3], $0x80, v6, vm0, $0xb8;
	[tilespmem:$0x1BE00] =	vst v63  }
0x355: {  	s12 =	simm.s32 $0x12800  }
0x356: {  	[tilespmem:s12], [sflag:$0x2] =	stream.indirect_vreg.gather [hbm4b:s6+s3], $0x80, v6, vm0, $0xb8;
	[tilespmem:$0x1BE00] =	vst v63  }
0x357: {  	s13 =	simm.s32 $0x13000  }
0x358: {  	[tilespmem:s13], [sflag:$0x2] =	stream.indirect_vreg.gather [hbm4b:s7+s3], $0x80, v6, vm0, $0xb8;
	[tilespmem:$0x1BE00] =	vst v63  }
0x359: {  	s11 =	simm.s32 $0x13800  }
0x35a: {  	[tilespmem:s11], [sflag:$0x2] =	stream.indirect_vreg.gather [hbm4b:s8+s3], $0x80, v6, vm0, $0xb8;
	[tilespmem:$0x1BE00] =	vst v63  }
0x35b: {  	_ =	swait.ge [sflag:s14], $0x2800  }
0x35c: {  	[sflag:s14] =	ssyncset.done $0x0  }
0x35d: {  	[sflag:s14] =	ssyncadd.s32 $0xFFFFD800  }
0x35e: {  	_ =	swait.ge [sflag:s14], $0x2800  }
0x35f: {  	[sflag:s14] =	ssyncset.done $0x0  }
0x360: {  	[sflag:s14] =	ssyncadd.s32 $0xFFFFD800  }
0x361: {  	_ =	swait.ge [sflag:s14], $0x2800  }
0x362: {  	[sflag:s14] =	ssyncset.done $0x0  }
0x363: {  	[sflag:s14] =	ssyncadd.s32 $0xFFFFD800  }
0x364: {  	_ =	swait.ge [sflag:s14], $0x2800  }
0x365: {  	[sflag:s14] =	ssyncset.done $0x0  }
0x366: {  	s12 =	rddreg [dreg:$0x17];
	[sflag:s14] =	ssyncadd.s32 $0xFFFFD800  }
0x367: {  	[hbm4b:s12+s3] =	stream.linear.scatter [tilespmem:s3], [sflag:$0x3], $0xA000, $0x38;
	[tilespmem:$0x1BE00] =	vst v63  }
0x368: {  	_ =	swait.ge [sflag:s17], $0xA000  }
0x369: {  	[sflag:s17] =	ssyncset.done $0x0  }
0x36a: {  	[sflag:s17] =	ssyncadd.s32 $0xFFFF6000  }
0x36b: {  	v6 =	vld.msk [tilespmem:$0x14050], $0xff;
	_ =	sdelay $0x4  }
0x36c: {  	v7 =	vshrl.u32 v6, $0x3  }
0x36d: {  	v7 =	vmul.u32 $0x50, v7  }
0x36e: {  	v6 =	vand.u32 $0x7, v6  }
0x36f: {  	v6 =	vor.u32 v6, v7  }
0x370: {  	v6 =	vperm.xlane v6, v1;
	_ =	sdelay $0x1  }
0x371: {  	v6 =	vadd.s32 v2, v6;
	_ =	sdelay $0x4  }
0x372: {  	[tilespmem:s3], [sflag:$0x1] =	stream.indirect_vreg.gather [hbm4b:s0+s3], $0x80, v6, vm0, $0xb8;
	[tilespmem:$0x1BE00] =	vst v63  }
0x373: {  	_ = 	snop  }
0x374: {  	[tilespmem:s20], [sflag:$0x1] =	stream.indirect_vreg.gather [hbm4b:s5+s3], $0x80, v6, vm0, $0xb8;
	[tilespmem:$0x1BE00] =	vst v63  }
0x375: {  	s13 =	simm.s32 $0x1000  }
0x376: {  	[tilespmem:s13], [sflag:$0x1] =	stream.indirect_vreg.gather [hbm4b:s6+s3], $0x80, v6, vm0, $0xb8;
	[tilespmem:$0x1BE00] =	vst v63  }
0x377: {  	s11 =	simm.s32 $0x1800  }
0x378: {  	[tilespmem:s11], [sflag:$0x1] =	stream.indirect_vreg.gather [hbm4b:s7+s3], $0x80, v6, vm0, $0xb8;
	[tilespmem:$0x1BE00] =	vst v63  }
0x379: {  	s13 =	simm.s32 $0x2000  }
0x37a: {  	[tilespmem:s13], [sflag:$0x1] =	stream.indirect_vreg.gather [hbm4b:s8+s3], $0x80, v6, vm0, $0xb8;
	[tilespmem:$0x1BE00] =	vst v63  }
0x37b: {  	v6 =	vld.msk [tilespmem:$0x140D0], $0xff;
	_ =	sdelay $0x4  }
0x37c: {  	v7 =	vshrl.u32 v6, $0x3  }
0x37d: {  	v7 =	vmul.u32 $0x50, v7  }
0x37e: {  	v6 =	vand.u32 $0x7, v6  }
0x37f: {  	v6 =	vor.u32 v6, v7  }
0x380: {  	v6 =	vperm.xlane v6, v1;
	_ =	sdelay $0x1  }
0x381: {  	v6 =	vadd.s32 v2, v6;
	_ =	sdelay $0x3  }
0x382: {  	s11 =	simm.s32 $0x2800  }
0x383: {  	[tilespmem:s11], [sflag:$0x1] =	stream.indirect_vreg.gather [hbm4b:s0+s3], $0x80, v6, vm0, $0xb8;
	[tilespmem:$0x1BE00] =	vst v63  }
0x384: {  	s13 =	simm.s32 $0x3000  }
0x385: {  	[tilespmem:s13], [sflag:$0x1] =	stream.indirect_vreg.gather [hbm4b:s5+s3], $0x80, v6, vm0, $0xb8;
	[tilespmem:$0x1BE00] =	vst v63  }
0x386: {  	s11 =	simm.s32 $0x3800  }
0x387: {  	[tilespmem:s11], [sflag:$0x1] =	stream.indirect_vreg.gather [hbm4b:s6+s3], $0x80, v6, vm0, $0xb8;
	[tilespmem:$0x1BE00] =	vst v63  }
0x388: {  	s11 =	simm.s32 $0x4000  }
0x389: {  	[tilespmem:s11], [sflag:$0x1] =	stream.indirect_vreg.gather [hbm4b:s7+s3], $0x80, v6, vm0, $0xb8;
	[tilespmem:$0x1BE00] =	vst v63  }
0x38a: {  	s11 =	simm.s32 $0x4800  }
0x38b: {  	[tilespmem:s11], [sflag:$0x1] =	stream.indirect_vreg.gather [hbm4b:s8+s3], $0x80, v6, vm0, $0xb8;
	[tilespmem:$0x1BE00] =	vst v63  }
0x38c: {  	v6 =	vld.msk [tilespmem:$0x14150], $0xff;
	_ =	sdelay $0x4  }
0x38d: {  	v7 =	vshrl.u32 v6, $0x3  }
0x38e: {  	v7 =	vmul.u32 $0x50, v7  }
0x38f: {  	v6 =	vand.u32 $0x7, v6  }
0x390: {  	v6 =	vor.u32 v6, v7  }
0x391: {  	v6 =	vperm.xlane v6, v1;
	_ =	sdelay $0x1  }
0x392: {  	v6 =	vadd.s32 v2, v6;
	_ =	sdelay $0x3  }
0x393: {  	s2 =	simm.s32 $0x5000  }
0x394: {  	[tilespmem:s2], [sflag:$0x1] =	stream.indirect_vreg.gather [hbm4b:s0+s3], $0x80, v6, vm0, $0xb8;
	[tilespmem:$0x1BE00] =	vst v63  }
0x395: {  	s2 =	simm.s32 $0x5800  }
0x396: {  	[tilespmem:s2], [sflag:$0x1] =	stream.indirect_vreg.gather [hbm4b:s5+s3], $0x80, v6, vm0, $0xb8;
	[tilespmem:$0x1BE00] =	vst v63  }
0x397: {  	s2 =	simm.s32 $0x6000  }
0x398: {  	[tilespmem:s2], [sflag:$0x1] =	stream.indirect_vreg.gather [hbm4b:s6+s3], $0x80, v6, vm0, $0xb8;
	[tilespmem:$0x1BE00] =	vst v63  }
0x399: {  	s2 =	simm.s32 $0x6800  }
0x39a: {  	[tilespmem:s2], [sflag:$0x1] =	stream.indirect_vreg.gather [hbm4b:s7+s3], $0x80, v6, vm0, $0xb8;
	[tilespmem:$0x1BE00] =	vst v63  }
0x39b: {  	s2 =	simm.s32 $0x7000  }
0x39c: {  	[tilespmem:s2], [sflag:$0x1] =	stream.indirect_vreg.gather [hbm4b:s8+s3], $0x80, v6, vm0, $0xb8;
	[tilespmem:$0x1BE00] =	vst v63  }
0x39d: {  	v6 =	vld.msk [tilespmem:$0x141D0], $0xff;
	_ =	sdelay $0x4  }
0x39e: {  	v7 =	vshrl.u32 v6, $0x3  }
0x39f: {  	v7 =	vmul.u32 $0x50, v7  }
0x3a0: {  	v6 =	vand.u32 $0x7, v6  }
0x3a1: {  	v6 =	vor.u32 v6, v7  }
0x3a2: {  	v6 =	vperm.xlane v6, v1;
	_ =	sdelay $0x1  }
0x3a3: {  	v6 =	vadd.s32 v2, v6;
	_ =	sdelay $0x3  }
0x3a4: {  	s2 =	simm.s32 $0x7800  }
0x3a5: {  	[tilespmem:s2], [sflag:$0x1] =	stream.indirect_vreg.gather [hbm4b:s0+s3], $0x80, v6, vm0, $0xb8;
	[tilespmem:$0x1BE00] =	vst v63  }
0x3a6: {  	s2 =	simm.s32 $0x8000  }
0x3a7: {  	[tilespmem:s2], [sflag:$0x1] =	stream.indirect_vreg.gather [hbm4b:s5+s3], $0x80, v6, vm0, $0xb8;
	[tilespmem:$0x1BE00] =	vst v63  }
0x3a8: {  	s2 =	simm.s32 $0x8800  }
0x3a9: {  	[tilespmem:s2], [sflag:$0x1] =	stream.indirect_vreg.gather [hbm4b:s6+s3], $0x80, v6, vm0, $0xb8;
	[tilespmem:$0x1BE00] =	vst v63  }
0x3aa: {  	s12 =	sld [smem:$0x7FD];
	s2 =	simm.s32 $0x9000  }
0x3ab: {  	[tilespmem:s2], [sflag:$0x1] =	stream.indirect_vreg.gather [hbm4b:s7+s3], $0x80, v6, vm0, $0xb8;
	[tilespmem:$0x1BE00] =	vst v63  }
0x3ac: {  	s31 =	rddreg [dreg:$0x1d];
	s2 =	simm.s32 $0x9800  }
0x3ad: {  	[tilespmem:s2], [sflag:$0x1] =	stream.indirect_vreg.gather [hbm4b:s8+s3], $0x80, v6, vm0, $0xb8;
	[tilespmem:$0x1BE00] =	vst v63  }
0x3ae: {  	s13 =	rddreg [dreg:$0x1f];
	_ =	swait.ge [sflag:s16], $0x2800  }
0x3af: {  	[sflag:s16] =	ssyncset.done $0x0  }
0x3b0: {  	[sflag:s16] =	ssyncadd.s32 $0xFFFFD800  }
0x3b1: {  	_ =	swait.ge [sflag:s16], $0x2800  }
0x3b2: {  	[sflag:s16] =	ssyncset.done $0x0  }
0x3b3: {  	[sflag:s16] =	ssyncadd.s32 $0xFFFFD800  }
0x3b4: {  	_ =	swait.ge [sflag:s16], $0x2800  }
0x3b5: {  	[sflag:s16] =	ssyncset.done $0x0  }
0x3b6: {  	[sflag:s16] =	ssyncadd.s32 $0xFFFFD800  }
0x3b7: {  	_ =	swait.ge [sflag:s16], $0x2800  }
0x3b8: {  	[sflag:s16] =	ssyncset.done $0x0  }
0x3b9: {  	s2 =	rddreg [dreg:$0xe];
	[sflag:s16] =	ssyncadd.s32 $0xFFFFD800  }
0x3ba: {  	[hbm4b:s2+s3] =	stream.linear.scatter [tilespmem:s22], [sflag:$0x4], $0xA000, $0x38;
	[tilespmem:$0x1BE00] =	vst v63  }
0x3bb: {  	_ =	swait.ge [sflag:s15], $0xA000  }
0x3bc: {  	[sflag:s15] =	ssyncset.done $0x0  }
0x3bd: {  	[sflag:s15] =	ssyncadd.s32 $0xFFFF6000  }
0x3be: {  	v6 =	vld.msk [tilespmem:$0x14058], $0xff;
	_ =	sdelay $0x4  }
0x3bf: {  	v7 =	vshrl.u32 v6, $0x3  }
0x3c0: {  	v7 =	vmul.u32 $0x50, v7  }
0x3c1: {  	v6 =	vand.u32 $0x7, v6  }
0x3c2: {  	v6 =	vor.u32 v6, v7  }
0x3c3: {  	v6 =	vperm.xlane v6, v1;
	_ =	sdelay $0x1  }
0x3c4: {  	v6 =	vadd.s32 v2, v6;
	_ =	sdelay $0x4  }
0x3c5: {  	[tilespmem:s22], [sflag:$0x2] =	stream.indirect_vreg.gather [hbm4b:s0+s3], $0x80, v6, vm0, $0xb8;
	[tilespmem:$0x1BE00] =	vst v63  }
0x3c6: {  	s2 =	simm.s32 $0xA800  }
0x3c7: {  	[tilespmem:s2], [sflag:$0x2] =	stream.indirect_vreg.gather [hbm4b:s5+s3], $0x80, v6, vm0, $0xb8;
	[tilespmem:$0x1BE00] =	vst v63  }
0x3c8: {  	s1 =	simm.s32 $0xB000  }
0x3c9: {  	[tilespmem:s1], [sflag:$0x2] =	stream.indirect_vreg.gather [hbm4b:s6+s3], $0x80, v6, vm0, $0xb8;
	[tilespmem:$0x1BE00] =	vst v63  }
0x3ca: {  	s4 =	simm.s32 $0xB800  }
0x3cb: {  	[tilespmem:s4], [sflag:$0x2] =	stream.indirect_vreg.gather [hbm4b:s7+s3], $0x80, v6, vm0, $0xb8;
	[tilespmem:$0x1BE00] =	vst v63  }
0x3cc: {  	s4 =	simm.s32 $0xC000  }
0x3cd: {  	[tilespmem:s4], [sflag:$0x2] =	stream.indirect_vreg.gather [hbm4b:s8+s3], $0x80, v6, vm0, $0xb8;
	[tilespmem:$0x1BE00] =	vst v63  }
0x3ce: {  	v6 =	vld.msk [tilespmem:$0x140D8], $0xff;
	_ =	sdelay $0x4  }
0x3cf: {  	v7 =	vshrl.u32 v6, $0x3  }
0x3d0: {  	v7 =	vmul.u32 $0x50, v7  }
0x3d1: {  	v6 =	vand.u32 $0x7, v6  }
0x3d2: {  	v6 =	vor.u32 v6, v7  }
0x3d3: {  	v6 =	vperm.xlane v6, v1;
	_ =	sdelay $0x1  }
0x3d4: {  	v6 =	vadd.s32 v2, v6;
	_ =	sdelay $0x3  }
0x3d5: {  	s10 =	simm.s32 $0xC800  }
0x3d6: {  	[tilespmem:s10], [sflag:$0x2] =	stream.indirect_vreg.gather [hbm4b:s0+s3], $0x80, v6, vm0, $0xb8;
	[tilespmem:$0x1BE00] =	vst v63  }
0x3d7: {  	s23 =	simm.s32 $0xD000  }
0x3d8: {  	[tilespmem:s23], [sflag:$0x2] =	stream.indirect_vreg.gather [hbm4b:s5+s3], $0x80, v6, vm0, $0xb8;
	[tilespmem:$0x1BE00] =	vst v63  }
0x3d9: {  	s10 =	simm.s32 $0xD800  }
0x3da: {  	[tilespmem:s10], [sflag:$0x2] =	stream.indirect_vreg.gather [hbm4b:s6+s3], $0x80, v6, vm0, $0xb8;
	[tilespmem:$0x1BE00] =	vst v63  }
0x3db: {  	s23 =	simm.s32 $0xE000  }
0x3dc: {  	[tilespmem:s23], [sflag:$0x2] =	stream.indirect_vreg.gather [hbm4b:s7+s3], $0x80, v6, vm0, $0xb8;
	[tilespmem:$0x1BE00] =	vst v63  }
0x3dd: {  	s2 =	simm.s32 $0xE800  }
0x3de: {  	[tilespmem:s2], [sflag:$0x2] =	stream.indirect_vreg.gather [hbm4b:s8+s3], $0x80, v6, vm0, $0xb8;
	[tilespmem:$0x1BE00] =	vst v63  }
0x3df: {  	v6 =	vld.msk [tilespmem:$0x14158], $0xff;
	_ =	sdelay $0x4  }
0x3e0: {  	v7 =	vshrl.u32 v6, $0x3  }
0x3e1: {  	v7 =	vmul.u32 $0x50, v7  }
0x3e2: {  	v6 =	vand.u32 $0x7, v6  }
0x3e3: {  	v6 =	vor.u32 v6, v7  }
0x3e4: {  	v6 =	vperm.xlane v6, v1;
	_ =	sdelay $0x1  }
0x3e5: {  	v6 =	vadd.s32 v2, v6;
	_ =	sdelay $0x3  }
0x3e6: {  	s4 =	simm.s32 $0xF000  }
0x3e7: {  	[tilespmem:s4], [sflag:$0x2] =	stream.indirect_vreg.gather [hbm4b:s0+s3], $0x80, v6, vm0, $0xb8;
	[tilespmem:$0x1BE00] =	vst v63  }
0x3e8: {  	s10 =	simm.s32 $0xF800  }
0x3e9: {  	[tilespmem:s10], [sflag:$0x2] =	stream.indirect_vreg.gather [hbm4b:s5+s3], $0x80, v6, vm0, $0xb8;
	[tilespmem:$0x1BE00] =	vst v63  }
0x3ea: {  	s23 =	simm.s32 $0x10000  }
0x3eb: {  	[tilespmem:s23], [sflag:$0x2] =	stream.indirect_vreg.gather [hbm4b:s6+s3], $0x80, v6, vm0, $0xb8;
	[tilespmem:$0x1BE00] =	vst v63  }
0x3ec: {  	s2 =	simm.s32 $0x10800  }
0x3ed: {  	[tilespmem:s2], [sflag:$0x2] =	stream.indirect_vreg.gather [hbm4b:s7+s3], $0x80, v6, vm0, $0xb8;
	[tilespmem:$0x1BE00] =	vst v63  }
0x3ee: {  	s4 =	simm.s32 $0x11000  }
0x3ef: {  	[tilespmem:s4], [sflag:$0x2] =	stream.indirect_vreg.gather [hbm4b:s8+s3], $0x80, v6, vm0, $0xb8;
	[tilespmem:$0x1BE00] =	vst v63  }
0x3f0: {  	v6 =	vld.msk [tilespmem:$0x141D8], $0xff;
	_ =	sdelay $0x4  }
0x3f1: {  	v7 =	vshrl.u32 v6, $0x3  }
0x3f2: {  	v7 =	vmul.u32 $0x50, v7  }
0x3f3: {  	v6 =	vand.u32 $0x7, v6  }
0x3f4: {  	v6 =	vor.u32 v6, v7  }
0x3f5: {  	v6 =	vperm.xlane v6, v1;
	_ =	sdelay $0x1  }
0x3f6: {  	v6 =	vadd.s32 v2, v6;
	_ =	sdelay $0x3  }
0x3f7: {  	s10 =	simm.s32 $0x11800  }
0x3f8: {  	[tilespmem:s10], [sflag:$0x2] =	stream.indirect_vreg.gather [hbm4b:s0+s3], $0x80, v6, vm0, $0xb8;
	[tilespmem:$0x1BE00] =	vst v63  }
0x3f9: {  	s23 =	simm.s32 $0x12000  }
0x3fa: {  	[tilespmem:s23], [sflag:$0x2] =	stream.indirect_vreg.gather [hbm4b:s5+s3], $0x80, v6, vm0, $0xb8;
	[tilespmem:$0x1BE00] =	vst v63  }
0x3fb: {  	s2 =	simm.s32 $0x12800  }
0x3fc: {  	[tilespmem:s2], [sflag:$0x2] =	stream.indirect_vreg.gather [hbm4b:s6+s3], $0x80, v6, vm0, $0xb8;
	[tilespmem:$0x1BE00] =	vst v63  }
0x3fd: {  	s4 =	simm.s32 $0x13000  }
0x3fe: {  	[tilespmem:s4], [sflag:$0x2] =	stream.indirect_vreg.gather [hbm4b:s7+s3], $0x80, v6, vm0, $0xb8;
	[tilespmem:$0x1BE00] =	vst v63  }
0x3ff: {  	s10 =	simm.s32 $0x13800  }
0x400: {  	[tilespmem:s10], [sflag:$0x2] =	stream.indirect_vreg.gather [hbm4b:s8+s3], $0x80, v6, vm0, $0xb8;
	[tilespmem:$0x1BE00] =	vst v63  }
0x401: {  	_ =	swait.ge [sflag:s14], $0x2800  }
0x402: {  	[sflag:s14] =	ssyncset.done $0x0  }
0x403: {  	[sflag:s14] =	ssyncadd.s32 $0xFFFFD800  }
0x404: {  	_ =	swait.ge [sflag:s14], $0x2800  }
0x405: {  	[sflag:s14] =	ssyncset.done $0x0  }
0x406: {  	[sflag:s14] =	ssyncadd.s32 $0xFFFFD800  }
0x407: {  	_ =	swait.ge [sflag:s14], $0x2800  }
0x408: {  	[sflag:s14] =	ssyncset.done $0x0  }
0x409: {  	[sflag:s14] =	ssyncadd.s32 $0xFFFFD800  }
0x40a: {  	_ =	swait.ge [sflag:s14], $0x2800  }
0x40b: {  	[sflag:s14] =	ssyncset.done $0x0  }
0x40c: {  	[sflag:s14] =	ssyncadd.s32 $0xFFFFD800  }
0x40d: {  	[hbm4b:s12+s3] =	stream.linear.scatter [tilespmem:s3], [sflag:$0x3], $0xA000, $0x38;
	[tilespmem:$0x1BE00] =	vst v63  }
0x40e: {  	_ =	swait.ge [sflag:s16], $0x2800  }
0x40f: {  	[sflag:s16] =	ssyncset.done $0x0  }
0x410: {  	[sflag:s16] =	ssyncadd.s32 $0xFFFFD800  }
0x411: {  	_ =	swait.ge [sflag:s16], $0x2800  }
0x412: {  	[sflag:s16] =	ssyncset.done $0x0  }
0x413: {  	[sflag:s16] =	ssyncadd.s32 $0xFFFFD800  }
0x414: {  	_ =	swait.ge [sflag:s16], $0x2800  }
0x415: {  	[sflag:s16] =	ssyncset.done $0x0  }
0x416: {  	[sflag:s16] =	ssyncadd.s32 $0xFFFFD800  }
0x417: {  	_ =	swait.ge [sflag:s16], $0x2800  }
0x418: {  	[sflag:s16] =	ssyncset.done $0x0  }
0x419: {  	s23 =	rddreg [dreg:$0x18];
	[sflag:s16] =	ssyncadd.s32 $0xFFFFD800  }
0x41a: {  	[hbm4b:s23+s3] =	stream.linear.scatter [tilespmem:s22], [sflag:$0x4], $0xA000, $0x38;
	[tilespmem:$0x1BE00] =	vst v63  }
0x41b: {  	_ =	swait.ge [sflag:s17], $0xA000  }
.Ltmp2:
0x41c: {  	[sflag:s17] =	ssyncset.done $0x0;
	(pc) =	sbr.rel @p0 .LBB2_23-.Ltmp2, $4  }
0x41d: {  	[sflag:s17] =	ssyncadd.s32 $0xFFFF6000  }
0x41e: {  	_ =	swait.ge [sflag:s15], $0xA000  }
0x41f: {  	s24 =	simm.s32 $0x5;
	[sflag:s15] =	ssyncset.done $0x0  }
0x420: {  	s30 =	simm.s32 $0x80;
	s11 =	simm.s32 $0x200;
	[sflag:s15] =	ssyncadd.s32 $0xFFFF6000  }
0x421: {  	s2 =	simm.s32 $0x14200;
	s4 =	rddreg [dreg:$0x10]  }
0x422: {  	[tilespmem:s2], [sflag:$0x5] =	stream.strided.gather [hbm4b:s4+s30], $0x1000, s11, s30, $0x38;
	[tilespmem:$0x1BE00] =	vst v63  }
0x423: {  	_ =	swait.ge [sflag:s24], $0x1000  }
0x424: {  	[sflag:s24] =	ssyncset.done $0x0  }
0x425: {  	s12 =	rddreg [dreg:$0x11];
	[sflag:s24] =	ssyncadd.s32 $0xFFFFF000  }
0x426: {  	[tilespmem:s25], [sflag:$0x5] =	stream.strided.gather [hbm4b:s12+s30], $0x1000, s11, s30, $0x38;
	[tilespmem:$0x1BE00] =	vst v63  }
0x427: {  	_ =	swait.ge [sflag:s24], $0x1000  }
0x428: {  	[sflag:s24] =	ssyncset.done $0x0  }
0x429: {  	s15 =	rddreg [dreg:$0x12];
	[sflag:s24] =	ssyncadd.s32 $0xFFFFF000  }
0x42a: {  	[tilespmem:s26], [sflag:$0x5] =	stream.strided.gather [hbm4b:s15+s30], $0x1000, s11, s30, $0x38;
	[tilespmem:$0x1BE00] =	vst v63  }
0x42b: {  	_ =	swait.ge [sflag:s24], $0x1000  }
0x42c: {  	[sflag:s24] =	ssyncset.done $0x0  }
0x42d: {  	s20 =	rddreg [dreg:$0x19];
	[sflag:s24] =	ssyncadd.s32 $0xFFFFF000  }
0x42e: {  	[tilespmem:s28], [sflag:$0x5] =	stream.strided.gather [hbm4b:s20+s30], $0x1000, s11, s30, $0x38;
	[tilespmem:$0x1BE00] =	vst v63  }
0x42f: {  	_ =	swait.ge [sflag:s24], $0x1000  }
0x430: {  	[sflag:s24] =	ssyncset.done $0x0  }
0x431: {  	s23 =	rddreg [dreg:$0x1a];
	[sflag:s24] =	ssyncadd.s32 $0xFFFFF000  }
0x432: {  	[tilespmem:s9], [sflag:$0x5] =	stream.strided.gather [hbm4b:s23+s30], $0x1000, s11, s30, $0x38;
	[tilespmem:$0x1BE00] =	vst v63  }
0x433: {  	_ =	swait.ge [sflag:s24], $0x1000  }
0x434: {  	[sflag:s24] =	ssyncset.done $0x0  }
0x435: {  	[sflag:s24] =	ssyncadd.s32 $0xFFFFF000  }
0x436: {  	v10 =	vld [tilespmem:s2+$0x0];
	_ =	sdelay $0x3  }
0x437: {  	s1 =	smov.u32 s29;
	v6 =	vimm.s32 $0xFFFFF000;
	v8 =	vmul.u32 $0xFFFFFFFF, v0;
	s2 =	simm.s32 $0x0  }
0x438: {  	v7 =	vimm.s32 $0xFFFFFFFF;
	s29 =	simm.s32 $0x14210;
	s10 =	simm.s32 $0x80;
	s20 =	simm.s32 $0x10;
	v9 =	vmov s2;
	v10 =	vadd.s32 $0xFFFDAF99, v10  }
.LBB2_3:
0x439: {  	v11 =	vld [tilespmem:s29+$0x0];
	p1 =	sne.s32 s20, $0xFF0;
	v12 =	vor.u32 s2, v0;
	vm1 =	vlt.u32 v10, $0x2;
	v9 =	vsub.s32 v8, v9;
	s2 =	smov.u32 s20;
	s20 =	sadd.s32 $0x10, s20  }
.Ltmp3:
0x43a: {  	v9 =	vnsel vm1, $0xFFFFF000, v9;
	v10 =	vnsel vm1, $0xFFFFFFFF, v12;
	(pc) =	sbr.rel @p1 .LBB2_3-.Ltmp3, $3  }
0x43b: {  	vm1 =	vgt.s32 v6, v9;
	vm2 =	vgt.s32 v7, v10  }
0x43c: {  	v6 =	vsel vm1, v6, v9;
	v7 =	vsel vm2, v7, v10;
	_ =	sdelay $0x1  }
0x43d: {  	s29 =	sadd.s32 $0x10, s29;
	v9 =	vmov s2;
	v10 =	vadd.s32 $0xFFFDAF99, v11  }
0x43e: {  	vm1 =	vlt.u32 v10, $0x2;
	v8 =	vsub.s32 v8, v9  }
0x43f: {  	v63 =	vor.u32 s2, v0;
	v8 =	vnsel vm1, $0xFFFFF000, v8  }
0x440: {  	v9 =	vnsel vm1, $0xFFFFFFFF, v63;
	vm1 =	vgt.s32 v6, v8  }
0x441: {  	vm2 =	vgt.s32 v7, v9;
	v6 =	vsel vm1, v6, v8  }
0x442: {  	v7 =	vsel vm2, v7, v9;
	v6 =	vxor.u32 $0x80000000, v6  }
0x443: {  	(xrf0) =	vmax.scan.msk.u32 $0xffff, v6;
	v6 =	vxor.u32 $0x80000000, v7  }
0x444: {  	(xrf0) =	vmax.scan.msk.u32 $0xffff, v6;
	_ =	sdelay $0x4  }
0x445: {  	v6, _, _ =	vpop (xrf0)  }
0x446: {  	(v2sf) =	vpush v6, $0xF;
	v6, _, _ =	vpop (xrf0)  }
0x447: {  	(v2sf) =	vpush v6, $0xF;
	_ =	sdelay $0xd  }
0x448: {  	s23 =	spop (v2sf)  }
0x449: {  	s2 =	sxor.u32 $0x7FFFFFFF, s23;
	s20 =	spop (v2sf)  }
0x44a: {  	s29 =	simm.s32 $0x0;
	s2 =	sadd.s32 $0x1, s2;
	s20 =	sxor.u32 $0x80000000, s20  }
0x44b: {  	v8 =	vor.u32 s29, v0;
	v6 =	vmov s2;
	v7 =	vmov s20  }
0x44c: {  	vm1 =	vlt.s32 v8, v6;
	vm2 =	vgt.s32 v8, v7  }
0x44d: {  	vm1 =	vmor vm1, vm2  }
0x44e: {  	s29 =	simm.s32 $0x19200;
	v8 =	vsel vm1, $0x1, v4  }
0x44f: {  	s30 =	simm.s32 $0x10;
	[tilespmem:s29+$0x0] =	vst v8  }
.LBB2_5:
0x450: {  	p1 =	sne.s32 s30, $0xFF0  }
.Ltmp4:
0x451: {  	v8 =	vor.u32 s30, v0;
	s30 =	sadd.s32 $0x10, s30;
	(pc) =	sbr.rel @p1 .LBB2_5-.Ltmp4, $4  }
0x452: {  	vm1 =	vlt.s32 v8, v6;
	vm2 =	vgt.s32 v8, v7  }
0x453: {  	vm1 =	vmor vm1, vm2  }
0x454: {  	s29 =	sadd.s32 $0x10, s29;
	v8 =	vsel vm1, $0x1, v4  }
0x455: {  	[tilespmem:s29+$0x0] =	vst v8  }
0x456: {  	s29 =	simm.s32 $0x0  }
0x457: {  	v6 =	vor.u32 s29, v0  }
0x458: {  	v6 =	vcvt.s32.f32 v6;
	_ =	sdelay $0x1  }
0x459: {  	v8 =	vmul.f32 v6, v3  }
0x45a: {  	s30 =	simm.s32 $0x10;
	s2 =	scvt.s32.f32 s2;
	s20 =	scvt.s32.f32 s20  }
0x45b: {  	v7 =	vor.u32 s30, v0;
	v10 =	vsub.f32 $1.000000000e+00, v8  }
0x45c: {  	v9 =	vcvt.s32.f32 v7;
	v7 =	vmov s20;
	v6 =	vmov s2  }
0x45d: {  	v8 =	vmul.f32 v8, v7;
	v10 =	vmul.f32 v10, v6;
	_ =	sdelay $0x1  }
0x45e: {  	v9 =	vmul.f32 v9, v3;
	v8 =	vadd.f32 v10, v8;
	_ =	sdelay $0x1  }
0x45f: {  	s30 =	simm.s32 $0x20;
	v12 =	vsub.f32 $1.000000000e+00, v9;
	v8 =	vtrunc.f32 v8  }
0x460: {  	v11 =	vor.u32 s30, v0;
	v63 =	vmul.f32 v9, v7;
	v8 =	vcvt.f32.s32 v8  }
0x461: {  	v10 =	vcvt.s32.f32 v11;
	v11 =	vmul.f32 v12, v6;
	_ =	sdelay $0x1  }
0x462: {  	s2 =	simm.s32 $0x30;
	v9 =	vmul.f32 v10, v3;
	v10 =	vadd.f32 v11, v63  }
.LBB2_7:
0x463: {  	p1 =	sne.s32 s2, $0xB0  }
.Ltmp5:
0x464: {  	v11 =	vor.u32 s2, v0;
	v12 =	vsub.f32 $1.000000000e+00, v9;
	v10 =	vtrunc.f32 v10;
	(pc) =	sbr.rel @p1 .LBB2_7-.Ltmp5, $3  }
0x465: {  	s2 =	sadd.s32 $0x10, s2;
	v11 =	vcvt.s32.f32 v11;
	[tilespmem:v8+s18+$0x0] =	vst.idx.msk $0xffff, v5;
	v8 =	vcvt.f32.s32 v10  }
0x466: {  	v10 =	vmul.f32 v12, v6;
	v12 =	vmul.f32 v9, v7;
	_ =	sdelay $0x1  }
0x467: {  	v9 =	vmul.f32 v11, v3;
	v10 =	vadd.f32 v10, v12  }
0x468: {  	_ = 	snop  }
0x469: {  	v11 =	vsub.f32 $1.000000000e+00, v9;
	_ =	sdelay $0x1  }
0x46a: {  	v7 =	vmul.f32 v9, v7;
	v6 =	vmul.f32 v11, v6;
	_ =	sdelay $0x1  }
0x46b: {  	v6 =	vadd.f32 v6, v7  }
0x46c: {  	v7 =	vtrunc.f32 v10  }
0x46d: {  	v7 =	vcvt.f32.s32 v7;
	v6 =	vtrunc.f32 v6  }
0x46e: {  	v6 =	vcvt.f32.s32 v6;
	_ =	sdelay $0x3  }
0x46f: {  	[tilespmem:v8+s18+$0x0] =	vst.idx.msk $0xffff, v5  }
0x470: {  	[tilespmem:v7+s18+$0x0] =	vst.idx.msk $0xffff, v5  }
0x471: {  	s4 =	smov.u32 s31;
	[tilespmem:v6+s18+$0x0] =	vst.idx.msk $0xffff, v5  }
.LBB2_9:
0x472: {  	p1 =	sne.s32 s29, $0x36C0  }
.Ltmp6:
0x473: {  	_ = 	snop;
	(pc) =	sbr.rel @p1 .LBB2_9-.Ltmp6, $3  }
0x474: {  	_ =	sdelay $0x1  }
0x475: {  	s2 =	sshra.s32 s29, $0x2  }
0x476: {  	s29 =	sadd.s32 $0x40, s29;
	[tilespmem:s2+$0x1A200] =	vst v4  }
0x477: {  	s2 =	simm.s32 $0x15200  }
0x478: {  	s20 =	simm.s32 $0x19200;
	v6 =	vld [tilespmem:s2+$0x0]  }
0x479: {  	v7 =	vld [tilespmem:s20+$0x0];
	_ =	sdelay $0x3  }
0x47a: {  	vm1 =	veq.s32 v6, $0x0  }
0x47b: {  	v6 =	vsel vm1, $0x0, v7  }
0x47c: {  	(xrf0) =	vadd.scan.msk.s32 $0xffff, v6;
	_ =	sdelay $0x4  }
0x47d: {  	s29 =	simm.s32 $0x0  }
0x47e: {  	v7 =	vsub.s32 s29, v6;
	v8, _, _ =	vpop (xrf0)  }
0x47f: {  	v7 =	vadd.s32 v8, v7;
	(v2sf) =	vpush v8, $0xF  }
0x480: {  	vm1 =	vgt.s32 v6, $0x0;
	vm2 =	vlt.s32 v7, $0xDC0  }
0x481: {  	vm1 =	vmand vm1, vm2;
	_ =	sdelay $0x4  }
0x482: {  	v6 =	vor.u32 s29, v0  }
0x483: {  	s31 =	simm.s32 $0x15210;
	[tilespmem:v7+s19+$0x0] =	vst.idx.msk vm1, v6  }
0x484: {  	s30 =	simm.s32 $0x10;
	s20 =	simm.s32 $0x20;
	s2 =	simm.s32 $0x19210;
	v6 =	vld [tilespmem:s31+$0x0]  }
.LBB2_11:
0x485: {  	p1 =	sne.s32 s20, $0xFF0;
	v7 =	vld [tilespmem:s2+$0x0];
	_ =	sdelay $0x3  }
0x486: {  	vm1 =	veq.s32 v6, $0x0  }
0x487: {  	v6 =	vsel vm1, $0x0, v7;
	s23 =	spop (v2sf)  }
0x488: {  	vm1 =	vgt.s32 v6, $0x0;
	(xrf0) =	vadd.scan.msk.s32 $0xffff, v6;
	s29 =	sadd.s32 s29, s23  }
0x489: {  	v6 =	vsub.s32 s29, v6;
	_ =	sdelay $0x4  }
0x48a: {  	v7, _, _ =	vpop (xrf0)  }
0x48b: {  	v6 =	vadd.s32 v7, v6;
	(v2sf) =	vpush v7, $0xF  }
0x48c: {  	vm2 =	vlt.s32 v6, $0xDC0  }
0x48d: {  	vm1 =	vmand vm1, vm2;
	_ =	sdelay $0x2  }
.Ltmp7:
0x48e: {  	(pc) =	sbr.rel @p1 .LBB2_11-.Ltmp7, $4  }
0x48f: {  	_ = 	snop  }
0x490: {  	v7 =	vor.u32 s30, v0;
	s30 =	smov.u32 s20  }
0x491: {  	s31 =	sadd.s32 $0x10, s31;
	[tilespmem:v6+s19+$0x0] =	vst.idx.msk vm1, v7  }
0x492: {  	s2 =	sadd.s32 $0x10, s2;
	s20 =	sadd.s32 $0x10, s20;
	v6 =	vld [tilespmem:s31+$0x0]  }
0x493: {  	v7 =	vld [tilespmem:s2+$0x0];
	_ =	sdelay $0x3  }
0x494: {  	vm1 =	veq.s32 v6, $0x0  }
0x495: {  	v6 =	vsel vm1, $0x0, v7  }
0x496: {  	(xrf0) =	vadd.scan.msk.s32 $0xffff, v6;
	_ =	sdelay $0x3  }
0x497: {  	s31 =	spop (v2sf)  }
0x498: {  	s2 =	sadd.s32 s29, s31  }
0x499: {  	v7 =	vsub.s32 s2, v6;
	v8, _, _ =	vpop (xrf0)  }
0x49a: {  	v7 =	vadd.s32 v8, v7  }
0x49b: {  	vm1 =	vgt.s32 v6, $0x0;
	(v2sf) =	vpush v8, $0xF;
	vm2 =	vlt.s32 v7, $0xDC0  }
0x49c: {  	vm1 =	vmand vm1, vm2;
	_ =	sdelay $0x4  }
0x49d: {  	v6 =	vor.u32 s30, v0  }
0x49e: {  	s2 =	simm.s32 $0x0;
	[tilespmem:v7+s19+$0x0] =	vst.idx.msk vm1, v6  }
0x49f: {  	v6 =	vld [tilespmem:s2+$0x1A200];
	_ =	sdelay $0x6  }
0x4a0: {  	s20 =	spop (v2sf)  }
0x4a1: {  	s29 =	simm.s32 $0x80;
	s20 =	simm.s32 $0x10;
	v6 =	vld.idx.msk [tilespmem:v6+s21+$0x0], $0xffff  }
.LBB2_13:
0x4a2: {  	p1 =	sne.s32 s29, $0x36C0;
	v7 =	vld [tilespmem:s20+$0x1A200];
	_ =	sdelay $0x3  }
.Ltmp8:
0x4a3: {  	(pc) =	sbr.rel @p1 .LBB2_13-.Ltmp8, $2  }
0x4a4: {  	[tilespmem:s2+$0x1B000] =	vst v6;
	s2 =	smov.u32 s20;
	_ =	sdelay $0x2  }
0x4a5: {  	s20 =	sshra.s32 s29, $0x2;
	s29 =	sadd.s32 $0x40, s29;
	v6 =	vld.idx.msk [tilespmem:v7+s21+$0x0], $0xffff  }
0x4a6: {  	v7 =	vld [tilespmem:s20+$0x1A200];
	_ =	sdelay $0x6  }
0x4a7: {  	[tilespmem:s2+$0x1B000] =	vst v6  }
0x4a8: {  	v6 =	vld.idx.msk [tilespmem:v7+s21+$0x0], $0xffff;
	_ =	sdelay $0x4  }
0x4a9: {  	s23 =	simm.s32 $0x200;
	s30 =	simm.s32 $0x1B000;
	[tilespmem:s20+$0x1B000] =	vst v6;
	s20 =	rddreg [dreg:$0x13]  }
0x4aa: {  	[hbm4b:s20+s10] =	stream.strided.scatter [tilespmem:s30], [sflag:$0x5], $0xE00, s23, s10, $0x38;
	[tilespmem:$0x1BE00] =	vst v63  }
0x4ab: {  	_ =	swait.ge [sflag:s24], $0xE00  }
0x4ac: {  	[sflag:s24] =	ssyncset.done $0x0  }
0x4ad: {  	s2 =	simm.s32 $0x0;
	[sflag:s24] =	ssyncadd.s32 $0xFFFFF200  }
0x4ae: {  	v6 =	vld [tilespmem:s2+$0x1A200];
	_ =	sdelay $0x7  }
0x4af: {  	s29 =	simm.s32 $0x80;
	s31 =	smov.u32 s4;
	s20 =	simm.s32 $0x10;
	v6 =	vld.idx.msk [tilespmem:v6+s25+$0x0], $0xffff  }
.LBB2_15:
0x4b0: {  	p1 =	sne.s32 s29, $0x36C0;
	v7 =	vld [tilespmem:s20+$0x1A200];
	_ =	sdelay $0x3  }
.Ltmp9:
0x4b1: {  	(pc) =	sbr.rel @p1 .LBB2_15-.Ltmp9, $2  }
0x4b2: {  	[tilespmem:s2+$0x1B000] =	vst v6;
	s2 =	smov.u32 s20;
	_ =	sdelay $0x2  }
0x4b3: {  	s20 =	sshra.s32 s29, $0x2;
	s29 =	sadd.s32 $0x40, s29;
	v6 =	vld.idx.msk [tilespmem:v7+s25+$0x0], $0xffff  }
0x4b4: {  	v7 =	vld [tilespmem:s20+$0x1A200];
	_ =	sdelay $0x6  }
0x4b5: {  	[tilespmem:s2+$0x1B000] =	vst v6  }
0x4b6: {  	v6 =	vld.idx.msk [tilespmem:v7+s25+$0x0], $0xffff;
	_ =	sdelay $0x4  }
0x4b7: {  	s30 =	rddreg [dreg:$0x14];
	s4 =	simm.s32 $0x1B000;
	[tilespmem:s20+$0x1B000] =	vst v6  }
0x4b8: {  	[hbm4b:s30+s10] =	stream.strided.scatter [tilespmem:s4], [sflag:$0x5], $0xE00, s23, s10, $0x38;
	[tilespmem:$0x1BE00] =	vst v63  }
0x4b9: {  	_ =	swait.ge [sflag:s24], $0xE00  }
0x4ba: {  	[sflag:s24] =	ssyncset.done $0x0  }
0x4bb: {  	s2 =	simm.s32 $0x0;
	[sflag:s24] =	ssyncadd.s32 $0xFFFFF200  }
0x4bc: {  	v6 =	vld [tilespmem:s2+$0x1A200];
	_ =	sdelay $0x7  }
0x4bd: {  	s29 =	simm.s32 $0x80;
	s20 =	simm.s32 $0x10;
	v6 =	vld.idx.msk [tilespmem:v6+s26+$0x0], $0xffff  }
.LBB2_17:
0x4be: {  	p1 =	sne.s32 s29, $0x36C0;
	v7 =	vld [tilespmem:s20+$0x1A200];
	_ =	sdelay $0x3  }
.Ltmp10:
0x4bf: {  	(pc) =	sbr.rel @p1 .LBB2_17-.Ltmp10, $2  }
0x4c0: {  	[tilespmem:s2+$0x1B000] =	vst v6;
	s2 =	smov.u32 s20;
	_ =	sdelay $0x2  }
0x4c1: {  	s20 =	sshra.s32 s29, $0x2;
	s29 =	sadd.s32 $0x40, s29;
	v6 =	vld.idx.msk [tilespmem:v7+s26+$0x0], $0xffff  }
0x4c2: {  	v7 =	vld [tilespmem:s20+$0x1A200];
	_ =	sdelay $0x6  }
0x4c3: {  	[tilespmem:s2+$0x1B000] =	vst v6  }
0x4c4: {  	v6 =	vld.idx.msk [tilespmem:v7+s26+$0x0], $0xffff;
	_ =	sdelay $0x4  }
0x4c5: {  	s30 =	rddreg [dreg:$0x15];
	[tilespmem:s20+$0x1B000] =	vst v6  }
0x4c6: {  	[hbm4b:s30+s10] =	stream.strided.scatter [tilespmem:s4], [sflag:$0x5], $0xE00, s23, s10, $0x38;
	[tilespmem:$0x1BE00] =	vst v63  }
0x4c7: {  	_ =	swait.ge [sflag:s24], $0xE00  }
0x4c8: {  	[sflag:s24] =	ssyncset.done $0x0  }
0x4c9: {  	s2 =	simm.s32 $0x0;
	[sflag:s24] =	ssyncadd.s32 $0xFFFFF200  }
0x4ca: {  	v6 =	vld [tilespmem:s2+$0x1A200];
	_ =	sdelay $0x7  }
0x4cb: {  	s29 =	simm.s32 $0x80;
	s20 =	simm.s32 $0x10;
	v6 =	vld.idx.msk [tilespmem:v6+s28+$0x0], $0xffff  }
.LBB2_19:
0x4cc: {  	p1 =	sne.s32 s29, $0x36C0;
	v7 =	vld [tilespmem:s20+$0x1A200];
	_ =	sdelay $0x3  }
.Ltmp11:
0x4cd: {  	(pc) =	sbr.rel @p1 .LBB2_19-.Ltmp11, $2  }
0x4ce: {  	[tilespmem:s2+$0x1B000] =	vst v6;
	s2 =	smov.u32 s20;
	_ =	sdelay $0x2  }
0x4cf: {  	s20 =	sshra.s32 s29, $0x2;
	s29 =	sadd.s32 $0x40, s29;
	v6 =	vld.idx.msk [tilespmem:v7+s28+$0x0], $0xffff  }
0x4d0: {  	v7 =	vld [tilespmem:s20+$0x1A200];
	_ =	sdelay $0x6  }
0x4d1: {  	[tilespmem:s2+$0x1B000] =	vst v6  }
0x4d2: {  	v6 =	vld.idx.msk [tilespmem:v7+s28+$0x0], $0xffff;
	_ =	sdelay $0x4  }
0x4d3: {  	s30 =	rddreg [dreg:$0x1b];
	[tilespmem:s20+$0x1B000] =	vst v6  }
0x4d4: {  	[hbm4b:s30+s10] =	stream.strided.scatter [tilespmem:s4], [sflag:$0x5], $0xE00, s23, s10, $0x38;
	[tilespmem:$0x1BE00] =	vst v63  }
0x4d5: {  	_ =	swait.ge [sflag:s24], $0xE00  }
0x4d6: {  	[sflag:s24] =	ssyncset.done $0x0  }
0x4d7: {  	s2 =	simm.s32 $0x0;
	[sflag:s24] =	ssyncadd.s32 $0xFFFFF200  }
0x4d8: {  	v6 =	vld [tilespmem:s2+$0x1A200];
	_ =	sdelay $0x7  }
0x4d9: {  	s29 =	simm.s32 $0x80;
	s20 =	simm.s32 $0x10;
	v6 =	vld.idx.msk [tilespmem:v6+s9+$0x0], $0xffff  }
.LBB2_21:
0x4da: {  	p1 =	sne.s32 s29, $0x36C0;
	v7 =	vld [tilespmem:s20+$0x1A200];
	_ =	sdelay $0x3  }
.Ltmp12:
0x4db: {  	(pc) =	sbr.rel @p1 .LBB2_21-.Ltmp12, $2  }
0x4dc: {  	[tilespmem:s2+$0x1B000] =	vst v6;
	s2 =	smov.u32 s20;
	_ =	sdelay $0x2  }
0x4dd: {  	s20 =	sshra.s32 s29, $0x2;
	s29 =	sadd.s32 $0x40, s29;
	v6 =	vld.idx.msk [tilespmem:v7+s9+$0x0], $0xffff  }
.Ltmp13:
0x4de: {  	_ = 	snop;
	(pc) =	sbr.rel .LBB2_22-.Ltmp13, $1  }
0x4df: {  	_ =	sdelay $0x3  }
.LBB2_24:
0x4e0: {  	_ =	sfence.sel $0x180000  }
0x4e1: {  	[bflag:$0x0] =	sbarrier.arrive $0xFFFF  }
0x4e2: {  	_ =	strace $0x90000047  }
0x4e3: {  	s0 =	stileid.u32;
	[bflag:$0x2] =	sbarrier.arrive $0xFFFF  }
0x4e4: {  	p0 =	sne.s32 s0, $0x0;
	s0 =	rddreg [dreg:$0x9]  }
0x4e5: {  	s0 =	sadd.s32 @!p0 $0x100000, s0  }
0x4e6: {  	[sflag:s0] =	ssyncadd.tile.s32 @!p0 $0x1;
	_ =	shalt  }
.Lfunc_end2:
_tile_overlayer_lowered:
.L_overlay_start_2:
0x4e7: {  	(tag) =	ssettag $0x2  }
0x4e8: {  	s0 =	rddreg [dreg:$0x0];
	s2 =	stileid.u32  }
0x4e9: {  	s1 =	rddreg [dreg:$0x1];
	p0 =	sne.s32 s2, $0x0  }
0x4ea: {  	s3 =	rddreg [dreg:$0x2];
	[bflag:$0x3] =	sbarrier.arrive $0xFFFF;
	s2 =	simm.s32 @!p0 $0x1C05  }
0x4eb: {  	[timem:s3], [sflag:s2] =	dma.local @!p0 [hbm:s0], s1  }
0x4ec: {  	s0 =	simm.s32 @!p0 $0x5  }
0x4ed: {  	_ =	swait.ge @!p0 [sflag:s0], s1  }
0x4ee: {  	s1 =	ssub.s32 @!p0 $0x0, s1;
	[sflag:s0] =	ssyncset.done @!p0 $0x0  }
0x4ef: {  	[sflag:s0] =	ssyncadd.s32 @!p0 s1  }
0x4f0: {  	[bflag:$0x3] =	sbarrier.arrive $0xFFFF  }
0x4f1: {  	_ =	shalt  }

</sc_bundles>
